<compile_context>
chip_gen: v7x
topology: tpu7x:2x2x1
jax: 0.10.2.dev20260603
libtpu: 0.0.44.dev20260713+nightly
codegen_flags: <defaults>
</compile_context>

<pallas_src>
import functools

import jax
import jax.numpy as jnp
from jax import lax
from jax.experimental import pallas as pl
from jax.experimental.pallas import tpu as pltpu
from jax.experimental.pallas import tpu_sc as plsc

N, K, C = 10000, 32, 128
NK = N * K

_NC, _NS = 2, 16
_NW = _NC * _NS
_NBUF = 5

_BLK = 400

_SLABS = ((0, 4800), (4800, 5200))

_INV_SQRT2 = 0.7071067811865476


def _gelu_exact(x):
    return 0.5 * x * (1.0 + lax.erf(x * _INV_SQRT2))


def _pre_body(feat_ref, w1_ref, b1_ref, a_ref, bv_ref):
    f = feat_ref[...]
    w1a = w1_ref[:C, :]
    w1b = w1_ref[C:, :]
    a_ref[...] = jnp.dot(f, w1b, preferred_element_type=jnp.float32,
                         precision=lax.Precision.HIGHEST)
    bv_ref[...] = jnp.dot(f, w1a - w1b, preferred_element_type=jnp.float32,
                          precision=lax.Precision.HIGHEST) + b1_ref[...]


def _pre_pass(feat, W1, b1):
    return pl.pallas_call(
        _pre_body,
        grid=(N // _BLK,),
        in_specs=[
            pl.BlockSpec((_BLK, C), lambda i: (i, 0)),
            pl.BlockSpec((2 * C, C), lambda i: (0, 0)),
            pl.BlockSpec((1, C), lambda i: (0, 0)),
        ],
        out_specs=[
            pl.BlockSpec((_BLK, C), lambda i: (i, 0)),
            pl.BlockSpec((_BLK, C), lambda i: (i, 0)),
        ],
        out_shape=[
            jax.ShapeDtypeStruct((N, C), jnp.float32),
            jax.ShapeDtypeStruct((N, C), jnp.float32),
        ],
    )(feat, W1, b1.reshape(1, C))


def _sc_gather_body(nch, ch, a_hbm, idx_hbm, g_hbm, idx_v, r0, r1, r2, r3, r4,
                    si0, si1, si2, si3, si4, so0, so1, so2, so3, so4):
    rows = (r0, r1, r2, r3, r4)
    sin = (si0, si1, si2, si3, si4)
    sout = (so0, so1, so2, so3, so4)
    epw = nch * ch
    wid = lax.axis_index("s") * _NC + lax.axis_index("c")
    pltpu.sync_copy(idx_hbm.at[wid], idx_v)
    base = wid * epw

    pltpu.async_copy(a_hbm.at[idx_v.at[0]], rows[0], sin[0])
    pltpu.async_copy(a_hbm.at[idx_v.at[1]], rows[1], sin[1])
    pltpu.async_copy(a_hbm.at[idx_v.at[2]], rows[2], sin[2])

    def step(j, carry):
        c0 = j * _NBUF
        for b in range(_NBUF):
            c = c0 + b
            pltpu.make_async_copy(a_hbm.at[idx_v.at[c]], rows[b],
                                  sin[b]).wait()
            pltpu.async_copy(rows[b], g_hbm.at[pl.ds(base + c * ch, ch)],
                             sout[b])
            nb = (b + 3) % _NBUF
            nc = c + 3

            @pl.when(nc >= _NBUF)
            def _():
                pltpu.make_async_copy(
                    rows[nb], g_hbm.at[pl.ds(base + (c - 2) * ch, ch)],
                    sout[nb]).wait()

            @pl.when(nc < nch)
            def _():
                pltpu.async_copy(a_hbm.at[idx_v.at[nc]], rows[nb], sin[nb])
        return carry

    lax.fori_loop(0, nch // _NBUF, step, 0)
    for c in range(nch - 2, nch):
        b = c % _NBUF
        pltpu.make_async_copy(rows[b], g_hbm.at[pl.ds(base + c * ch, ch)],
                              sout[b]).wait()


@functools.cache
def _sc_gather_call(nch, ch):
    mesh = plsc.VectorSubcoreMesh(core_axis_name="c", subcore_axis_name="s")
    return pl.kernel(
        functools.partial(_sc_gather_body, nch, ch),
        out_type=jax.ShapeDtypeStruct((_NW * nch * ch, C), jnp.float32),
        mesh=mesh,
        scratch_types=(
            [pltpu.VMEM((nch, ch), jnp.int32)]
            + [pltpu.VMEM((ch, C), jnp.float32)] * _NBUF
            + [pltpu.SemaphoreType.DMA] * (2 * _NBUF)),
    )


def _sc_gather(A, idx_slab, n_nodes):
    ch = 80
    nch = n_nodes // ch
    assert n_nodes % ch == 0 and nch % _NBUF == 0
    idx = idx_slab.reshape(_NW, nch, ch)
    return _sc_gather_call(nch, ch)(A, idx)


def _main_body(g_ref, bv_ref, feat_ref, w2_ref, b2_ref, gamma_ref, beta_ref,
               o_ref):
    bv = bv_ref[...]
    w2 = w2_ref[...]
    acc = None
    for k in range(K):
        h = _gelu_exact(bv + g_ref[k])
        hk = jnp.dot(h, w2, preferred_element_type=jnp.float32,
                     precision=lax.Precision.DEFAULT)
        acc = hk if acc is None else jnp.maximum(acc, hk)
    x = acc + b2_ref[...] + feat_ref[...]
    mean = jnp.mean(x, axis=1, keepdims=True)
    var = jnp.mean((x - mean) ** 2, axis=1, keepdims=True)
    o_ref[...] = ((x - mean) * lax.rsqrt(var + 1e-5)) * gamma_ref[...] \
        + beta_ref[...]


def _main_pass(G, Bv, feat, W2, b2, gamma, beta, n0, nn):
    blk0 = n0 // _BLK
    return pl.pallas_call(
        _main_body,
        grid=(nn // _BLK,),
        in_specs=[
            pl.BlockSpec((K, _BLK, C), lambda i: (0, i, 0)),
            pl.BlockSpec((_BLK, C), lambda i: (i + blk0, 0)),
            pl.BlockSpec((_BLK, C), lambda i: (i + blk0, 0)),
            pl.BlockSpec((C, C), lambda i: (0, 0)),
            pl.BlockSpec((1, C), lambda i: (0, 0)),
            pl.BlockSpec((1, C), lambda i: (0, 0)),
            pl.BlockSpec((1, C), lambda i: (0, 0)),
        ],
        out_specs=pl.BlockSpec((_BLK, C), lambda i: (i, 0)),
        out_shape=jax.ShapeDtypeStruct((nn, C), jnp.float32),
    )(G, Bv, feat, W2, b2.reshape(1, C), gamma.reshape(1, C),
      beta.reshape(1, C))


def kernel(feat, knn_idx, W1, b1, W2, b2, gamma, beta):
    idx_t = knn_idx.astype(jnp.int32).reshape(N, K).T
    A, Bv = _pre_pass(feat, W1, b1)
    outs = []
    for n0, nn in _SLABS:
        G = _sc_gather(A, idx_t[:, n0:n0 + nn].reshape(-1), nn)
        outs.append(_main_pass(G.reshape(K, nn, C), Bv, feat, W2, b2,
                               gamma, beta, n0, nn))
    return jnp.concatenate(outs, axis=0)

# --- scband reference (transcript-rebuilt; emitter-appended) ---
"""Pipeline reference for scband-edge-conv-block-25623774888365 (READ-ONLY COPY).

The authoritative reference and input builder live on the scoring server;
editing this copy changes nothing except your own understanding.
"""

import jax, jax.numpy as jnp
import numpy as np

N, K, C = 10000, 32, 128

def setup_inputs(seed: int = 0) -> dict:
    key = jax.random.key(seed)
    ks = jax.random.split(key, 8)
    feat = jax.random.normal(ks[0], (N, C), dtype=jnp.float32)
    knn_idx = jax.random.randint(ks[1], (N, K), 0, N, dtype=jnp.int64)
    # edge_mlp: Linear(2C -> C), GELU, Linear(C -> C)
    lim1 = 1.0 / np.sqrt(2 * C)
    W1 = jax.random.uniform(ks[2], (2 * C, C), jnp.float32, -lim1, lim1)
    b1 = jax.random.uniform(ks[3], (C,), jnp.float32, -lim1, lim1)
    lim2 = 1.0 / np.sqrt(C)
    W2 = jax.random.uniform(ks[4], (C, C), jnp.float32, -lim2, lim2)
    b2 = jax.random.uniform(ks[5], (C,), jnp.float32, -lim2, lim2)
    gamma = jnp.ones((C,), jnp.float32)
    beta = jnp.zeros((C,), jnp.float32)
    return {"feat": feat, "knn_idx": knn_idx, "W1": W1, "b1": b1, "W2": W2, "b2": b2, "gamma": gamma, "beta": beta}

def reference(feat, knn_idx, W1, b1, W2, b2, gamma, beta):
    neighbor_feat = feat[knn_idx]                                  # (N, k, C) gather
    center_feat = jnp.broadcast_to(feat[:, None, :], neighbor_feat.shape)
    edge_feat = jnp.concatenate([center_feat, neighbor_feat - center_feat], axis=-1)  # (N, k, 2C)
    n, k, c2 = edge_feat.shape
    h = edge_feat.reshape(n * k, c2) @ W1 + b1
    h = jax.nn.gelu(h, approximate=False)
    h = h @ W2 + b2
    edge_out = h.reshape(n, k, -1)
    agg = jnp.max(edge_out, axis=1)                                # (N, C)
    x = agg + feat                                                 # skip = Identity (in_dim == out_dim)
    mean = jnp.mean(x, axis=-1, keepdims=True)
    var = jnp.var(x, axis=-1, keepdims=True)
    return (x - mean) / jnp.sqrt(var + 1e-5) * gamma + beta

if __name__ == "__main__":
    import jax
    _d = setup_inputs()
    print(jax.jit(kernel)(*tuple(_d.values())))

</pallas_src>

<mosaic_0001>
#map = affine_map<(d0, d1) -> (0, 0)>
#map1 = affine_map<(d0, d1) -> (0, 0, 0)>
module attributes {stable_mosaic.version = 14 : i64} {
  func.func @_sc_gather_body(%arg0: i32, %arg1: i32, %arg2: memref<10000x128xf32, #tpu.memory_space<hbm>>, %arg3: memref<32x65x80xi32, #tpu.memory_space<hbm>>, %arg4: memref<166400x128xf32, #tpu.memory_space<hbm>>, %arg5: memref<65x80xi32, #tpu.memory_space<vmem>>, %arg6: memref<80x128xf32, #tpu.memory_space<vmem>>, %arg7: memref<80x128xf32, #tpu.memory_space<vmem>>, %arg8: memref<80x128xf32, #tpu.memory_space<vmem>>, %arg9: memref<80x128xf32, #tpu.memory_space<vmem>>, %arg10: memref<80x128xf32, #tpu.memory_space<vmem>>, %arg11: memref<!tpu.dma_semaphore, #tpu.memory_space<semaphore_mem>>, %arg12: memref<!tpu.dma_semaphore, #tpu.memory_space<semaphore_mem>>, %arg13: memref<!tpu.dma_semaphore, #tpu.memory_space<semaphore_mem>>, %arg14: memref<!tpu.dma_semaphore, #tpu.memory_space<semaphore_mem>>, %arg15: memref<!tpu.dma_semaphore, #tpu.memory_space<semaphore_mem>>, %arg16: memref<!tpu.dma_semaphore, #tpu.memory_space<semaphore_mem>>, %arg17: memref<!tpu.dma_semaphore, #tpu.memory_space<semaphore_mem>>, %arg18: memref<!tpu.dma_semaphore, #tpu.memory_space<semaphore_mem>>, %arg19: memref<!tpu.dma_semaphore, #tpu.memory_space<semaphore_mem>>, %arg20: memref<!tpu.dma_semaphore, #tpu.memory_space<semaphore_mem>>) attributes {dimension_semantics = [#tpu.dimension_semantics<core_parallel>, #tpu.dimension_semantics<subcore_parallel>], iteration_bounds = array<i64: 2, 16>, scalar_prefetch = 0 : i64, scratch_operands = 16 : i64, tpu.core_type = #tpu.core_type<sc_vector_subcore>, window_params = [{transform_indices = #map}, {transform_indices = #map1}, {transform_indices = #map}]} {
    %mul3A = arith.constant 2 : i32
    %mul3A_0 = arith.muli %arg1, %mul3A : i32
    %add3A = arith.addi %mul3A_0, %arg0 : i32
    "tpu.region"() ({
      %run_scoped3A = tpu.sem_alloc : memref<!tpu.dma_semaphore, #tpu.memory_space<semaphore_mem>>
      %dma_start3A_39 = arith.constant 0 : i32
      %dma_start3A_40 = arith.constant 0 : i32
      %dma_start3A_41 = tpu.memref_slice %arg3[%add3A, %dma_start3A_39, %dma_start3A_40] : memref<32x65x80xi32, #tpu.memory_space<hbm>> -> memref<1x65x80xi32, #tpu.memory_space<hbm>>
      %dma_start3A_42 = tpu.memref_squeeze %dma_start3A_41 : memref<1x65x80xi32, #tpu.memory_space<hbm>> -> memref<65x80xi32, #tpu.memory_space<hbm>>
      %dma_start3A_43 = arith.constant 0 : i32
      %dma_start3A_44 = arith.constant 0 : i32
      %dma_start3A_45 = tpu.memref_slice %arg3[%add3A, %dma_start3A_43, %dma_start3A_44] : memref<32x65x80xi32, #tpu.memory_space<hbm>> -> memref<1x65x80xi32, #tpu.memory_space<hbm>>
      %dma_start3A_46 = tpu.memref_squeeze %dma_start3A_45 : memref<1x65x80xi32, #tpu.memory_space<hbm>> -> memref<65x80xi32, #tpu.memory_space<hbm>>
      tpu.enqueue_dma source(%dma_start3A_46 : memref<65x80xi32, #tpu.memory_space<hbm>>) target(%arg5 : memref<65x80xi32, #tpu.memory_space<vmem>>) target_semaphore(%run_scoped3A : memref<!tpu.dma_semaphore, #tpu.memory_space<semaphore_mem>>)
      %dma_wait3A_47 = arith.constant 0 : i32
      %dma_wait3A_48 = arith.constant 0 : i32
      %dma_wait3A_49 = tpu.memref_slice %arg3[%add3A, %dma_wait3A_47, %dma_wait3A_48] : memref<32x65x80xi32, #tpu.memory_space<hbm>> -> memref<1x65x80xi32, #tpu.memory_space<hbm>>
      %dma_wait3A_50 = tpu.memref_squeeze %dma_wait3A_49 : memref<1x65x80xi32, #tpu.memory_space<hbm>> -> memref<65x80xi32, #tpu.memory_space<hbm>>
      %dma_wait3A_51 = arith.constant 0 : i32
      %dma_wait3A_52 = arith.constant 0 : i32
      %dma_wait3A_53 = tpu.memref_slice %arg3[%add3A, %dma_wait3A_51, %dma_wait3A_52] : memref<32x65x80xi32, #tpu.memory_space<hbm>> -> memref<1x65x80xi32, #tpu.memory_space<hbm>>
      %dma_wait3A_54 = tpu.memref_squeeze %dma_wait3A_53 : memref<1x65x80xi32, #tpu.memory_space<hbm>> -> memref<65x80xi32, #tpu.memory_space<hbm>>
      tpu.wait_dma2 semaphore(%run_scoped3A : memref<!tpu.dma_semaphore, #tpu.memory_space<semaphore_mem>>) src(%dma_wait3A_54 : memref<65x80xi32, #tpu.memory_space<hbm>>) dst(%arg5 : memref<65x80xi32, #tpu.memory_space<vmem>>)
      tpu.yield
    }) : () -> ()
    %mul3A_1 = arith.constant 5200 : i32
    %mul3A_2 = arith.muli %add3A, %mul3A_1 : i32
    %dma_start3A = arith.constant 0 : i32
    %dma_start3A_3 = arith.constant 0 : i32
    %dma_start3A_4 = tpu.memref_slice %arg5[%dma_start3A, %dma_start3A_3] : memref<65x80xi32, #tpu.memory_space<vmem>> -> memref<1x80xi32, #tpu.memory_space<vmem>>
    %dma_start3A_5 = tpu.memref_squeeze %dma_start3A_4 : memref<1x80xi32, #tpu.memory_space<vmem>> -> memref<80xi32, #tpu.memory_space<vmem>>
    %dma_start3A_6 = arith.constant 0 : i32
    %dma_start3A_7 = arith.constant 0 : i32
    %dma_start3A_8 = tpu.memref_slice %arg2[%dma_start3A_6, %dma_start3A_7] : memref<10000x128xf32, #tpu.memory_space<hbm>> -> memref<10000x128xf32, #tpu.memory_space<hbm>>
    tpu.enqueue_indirect_dma source(%dma_start3A_8 : memref<10000x128xf32, #tpu.memory_space<hbm>>) target(%arg6 : memref<80x128xf32, #tpu.memory_space<vmem>>) offsets(%dma_start3A_5 : memref<80xi32, #tpu.memory_space<vmem>>) semaphore(%arg11 : memref<!tpu.dma_semaphore, #tpu.memory_space<semaphore_mem>>)
    %dma_start3A_9 = arith.constant 1 : i32
    %dma_start3A_10 = arith.constant 0 : i32
    %dma_start3A_11 = tpu.memref_slice %arg5[%dma_start3A_9, %dma_start3A_10] : memref<65x80xi32, #tpu.memory_space<vmem>> -> memref<1x80xi32, #tpu.memory_space<vmem>>
    %dma_start3A_12 = tpu.memref_squeeze %dma_start3A_11 : memref<1x80xi32, #tpu.memory_space<vmem>> -> memref<80xi32, #tpu.memory_space<vmem>>
    %dma_start3A_13 = arith.constant 0 : i32
    %dma_start3A_14 = arith.constant 0 : i32
    %dma_start3A_15 = tpu.memref_slice %arg2[%dma_start3A_13, %dma_start3A_14] : memref<10000x128xf32, #tpu.memory_space<hbm>> -> memref<10000x128xf32, #tpu.memory_space<hbm>>
    tpu.enqueue_indirect_dma source(%dma_start3A_15 : memref<10000x128xf32, #tpu.memory_space<hbm>>) target(%arg7 : memref<80x128xf32, #tpu.memory_space<vmem>>) offsets(%dma_start3A_12 : memref<80xi32, #tpu.memory_space<vmem>>) semaphore(%arg12 : memref<!tpu.dma_semaphore, #tpu.memory_space<semaphore_mem>>)
    %dma_start3A_16 = arith.constant 2 : i32
    %dma_start3A_17 = arith.constant 0 : i32
    %dma_start3A_18 = tpu.memref_slice %arg5[%dma_start3A_16, %dma_start3A_17] : memref<65x80xi32, #tpu.memory_space<vmem>> -> memref<1x80xi32, #tpu.memory_space<vmem>>
    %dma_start3A_19 = tpu.memref_squeeze %dma_start3A_18 : memref<1x80xi32, #tpu.memory_space<vmem>> -> memref<80xi32, #tpu.memory_space<vmem>>
    %dma_start3A_20 = arith.constant 0 : i32
    %dma_start3A_21 = arith.constant 0 : i32
    %dma_start3A_22 = tpu.memref_slice %arg2[%dma_start3A_20, %dma_start3A_21] : memref<10000x128xf32, #tpu.memory_space<hbm>> -> memref<10000x128xf32, #tpu.memory_space<hbm>>
    tpu.enqueue_indirect_dma source(%dma_start3A_22 : memref<10000x128xf32, #tpu.memory_space<hbm>>) target(%arg8 : memref<80x128xf32, #tpu.memory_space<vmem>>) offsets(%dma_start3A_19 : memref<80xi32, #tpu.memory_space<vmem>>) semaphore(%arg13 : memref<!tpu.dma_semaphore, #tpu.memory_space<semaphore_mem>>)
    %scan3A = arith.constant 0 : i32
    %scan3A_23 = arith.constant 0 : i32
    %scan3A_24 = arith.constant 13 : i32
    %scan3A_25 = arith.addi %scan3A_23, %scan3A_24 : i32
    %scan3A_26 = arith.constant 1 : i32
    scf.for %scan3A_39 = %scan3A_23 to %scan3A_25 step %scan3A_26  : i32 {
      %mul3A_40 = arith.constant 5 : i32
      %mul3A_41 = arith.muli %scan3A_39, %mul3A_40 : i32
      %add3A_42 = arith.constant 0 : i32
      %add3A_43 = arith.addi %mul3A_41, %add3A_42 : i32
      %dma_wait3A_44 = arith.constant 0 : i32
      %dma_wait3A_45 = tpu.memref_slice %arg5[%add3A_43, %dma_wait3A_44] : memref<65x80xi32, #tpu.memory_space<vmem>> -> memref<1x80xi32, #tpu.memory_space<vmem>>
      %dma_wait3A_46 = tpu.memref_squeeze %dma_wait3A_45 : memref<1x80xi32, #tpu.memory_space<vmem>> -> memref<80xi32, #tpu.memory_space<vmem>>
      %dma_wait3A_47 = arith.constant 0 : i32
      %dma_wait3A_48 = arith.constant 0 : i32
      %dma_wait3A_49 = tpu.memref_slice %arg2[%dma_wait3A_47, %dma_wait3A_48] : memref<10000x128xf32, #tpu.memory_space<hbm>> -> memref<10000x128xf32, #tpu.memory_space<hbm>>
      tpu.wait_indirect_dma semaphore(%arg11 : memref<!tpu.dma_semaphore, #tpu.memory_space<semaphore_mem>>) src(%dma_wait3A_49 : memref<10000x128xf32, #tpu.memory_space<hbm>>) dst(%arg6 : memref<80x128xf32, #tpu.memory_space<vmem>>)
      %mul3A_50 = arith.constant 80 : i32
      %mul3A_51 = arith.muli %add3A_43, %mul3A_50 : i32
      %add3A_52 = arith.addi %mul3A_2, %mul3A_51 : i32
      %dma_start3A_53 = arith.constant 0 : i32
      %dma_start3A_54 = tpu.memref_slice %arg4[%add3A_52, %dma_start3A_53] : memref<166400x128xf32, #tpu.memory_space<hbm>> -> memref<80x128xf32, #tpu.memory_space<hbm>>
      %dma_start3A_55 = arith.constant 0 : i32
      %dma_start3A_56 = tpu.memref_slice %arg4[%add3A_52, %dma_start3A_55] : memref<166400x128xf32, #tpu.memory_space<hbm>> -> memref<80x128xf32, #tpu.memory_space<hbm>>
      tpu.enqueue_dma source(%arg6 : memref<80x128xf32, #tpu.memory_space<vmem>>) target(%dma_start3A_56 : memref<80x128xf32, #tpu.memory_space<hbm>>) target_semaphore(%arg16 : memref<!tpu.dma_semaphore, #tpu.memory_space<semaphore_mem>>)
      %add3A_57 = arith.constant 3 : i32
      %add3A_58 = arith.addi %add3A_43, %add3A_57 : i32
      %ge3A = arith.constant 5 : i32
      %ge3A_59 = arith.cmpi sge, %add3A_58, %ge3A : i32
      %convert_element_type3A = arith.extui %ge3A_59 : i1 to i32
      %cond3A = arith.constant 0 : i32
      %cond3A_60 = arith.cmpi ne, %convert_element_type3A, %cond3A : i32
      scf.if %cond3A_60 {
        %sub3A = arith.constant 2 : i32
        %sub3A_173 = arith.subi %add3A_43, %sub3A : i32
        %mul3A_174 = arith.constant 80 : i32
        %mul3A_175 = arith.muli %sub3A_173, %mul3A_174 : i32
        %add3A_176 = arith.addi %mul3A_2, %mul3A_175 : i32
        %dma_wait3A_177 = arith.constant 0 : i32
        %dma_wait3A_178 = tpu.memref_slice %arg4[%add3A_176, %dma_wait3A_177] : memref<166400x128xf32, #tpu.memory_space<hbm>> -> memref<80x128xf32, #tpu.memory_space<hbm>>
        %dma_wait3A_179 = arith.constant 0 : i32
        %dma_wait3A_180 = tpu.memref_slice %arg4[%add3A_176, %dma_wait3A_179] : memref<166400x128xf32, #tpu.memory_space<hbm>> -> memref<80x128xf32, #tpu.memory_space<hbm>>
        tpu.wait_dma2 semaphore(%arg19 : memref<!tpu.dma_semaphore, #tpu.memory_space<semaphore_mem>>) src(%arg9 : memref<80x128xf32, #tpu.memory_space<vmem>>) dst(%dma_wait3A_180 : memref<80x128xf32, #tpu.memory_space<hbm>>)
      } else {
      }
      %lt3A = arith.constant 65 : i32
      %lt3A_61 = arith.cmpi slt, %add3A_58, %lt3A : i32
      %convert_element_type3A_62 = arith.extui %lt3A_61 : i1 to i32
      %cond3A_63 = arith.constant 0 : i32
      %cond3A_64 = arith.cmpi ne, %convert_element_type3A_62, %cond3A_63 : i32
      scf.if %cond3A_64 {
        %dma_start3A_173 = arith.constant 0 : i32
        %dma_start3A_174 = tpu.memref_slice %arg5[%add3A_58, %dma_start3A_173] : memref<65x80xi32, #tpu.memory_space<vmem>> -> memref<1x80xi32, #tpu.memory_space<vmem>>
        %dma_start3A_175 = tpu.memref_squeeze %dma_start3A_174 : memref<1x80xi32, #tpu.memory_space<vmem>> -> memref<80xi32, #tpu.memory_space<vmem>>
        %dma_start3A_176 = arith.constant 0 : i32
        %dma_start3A_177 = arith.constant 0 : i32
        %dma_start3A_178 = tpu.memref_slice %arg2[%dma_start3A_176, %dma_start3A_177] : memref<10000x128xf32, #tpu.memory_space<hbm>> -> memref<10000x128xf32, #tpu.memory_space<hbm>>
        tpu.enqueue_indirect_dma source(%dma_start3A_178 : memref<10000x128xf32, #tpu.memory_space<hbm>>) target(%arg9 : memref<80x128xf32, #tpu.memory_space<vmem>>) offsets(%dma_start3A_175 : memref<80xi32, #tpu.memory_space<vmem>>) semaphore(%arg14 : memref<!tpu.dma_semaphore, #tpu.memory_space<semaphore_mem>>)
      } else {
      }
      %add3A_65 = arith.constant 1 : i32
      %add3A_66 = arith.addi %mul3A_41, %add3A_65 : i32
      %dma_wait3A_67 = arith.constant 0 : i32
      %dma_wait3A_68 = tpu.memref_slice %arg5[%add3A_66, %dma_wait3A_67] : memref<65x80xi32, #tpu.memory_space<vmem>> -> memref<1x80xi32, #tpu.memory_space<vmem>>
      %dma_wait3A_69 = tpu.memref_squeeze %dma_wait3A_68 : memref<1x80xi32, #tpu.memory_space<vmem>> -> memref<80xi32, #tpu.memory_space<vmem>>
      %dma_wait3A_70 = arith.constant 0 : i32
      %dma_wait3A_71 = arith.constant 0 : i32
      %dma_wait3A_72 = tpu.memref_slice %arg2[%dma_wait3A_70, %dma_wait3A_71] : memref<10000x128xf32, #tpu.memory_space<hbm>> -> memref<10000x128xf32, #tpu.memory_space<hbm>>
      tpu.wait_indirect_dma semaphore(%arg12 : memref<!tpu.dma_semaphore, #tpu.memory_space<semaphore_mem>>) src(%dma_wait3A_72 : memref<10000x128xf32, #tpu.memory_space<hbm>>) dst(%arg7 : memref<80x128xf32, #tpu.memory_space<vmem>>)
      %mul3A_73 = arith.constant 80 : i32
      %mul3A_74 = arith.muli %add3A_66, %mul3A_73 : i32
      %add3A_75 = arith.addi %mul3A_2, %mul3A_74 : i32
      %dma_start3A_76 = arith.constant 0 : i32
      %dma_start3A_77 = tpu.memref_slice %arg4[%add3A_75, %dma_start3A_76] : memref<166400x128xf32, #tpu.memory_space<hbm>> -> memref<80x128xf32, #tpu.memory_space<hbm>>
      %dma_start3A_78 = arith.constant 0 : i32
      %dma_start3A_79 = tpu.memref_slice %arg4[%add3A_75, %dma_start3A_78] : memref<166400x128xf32, #tpu.memory_space<hbm>> -> memref<80x128xf32, #tpu.memory_space<hbm>>
      tpu.enqueue_dma source(%arg7 : memref<80x128xf32, #tpu.memory_space<vmem>>) target(%dma_start3A_79 : memref<80x128xf32, #tpu.memory_space<hbm>>) target_semaphore(%arg17 : memref<!tpu.dma_semaphore, #tpu.memory_space<semaphore_mem>>)
      %add3A_80 = arith.constant 3 : i32
      %add3A_81 = arith.addi %add3A_66, %add3A_80 : i32
      %ge3A_82 = arith.constant 5 : i32
      %ge3A_83 = arith.cmpi sge, %add3A_81, %ge3A_82 : i32
      %convert_element_type3A_84 = arith.extui %ge3A_83 : i1 to i32
      %cond3A_85 = arith.constant 0 : i32
      %cond3A_86 = arith.cmpi ne, %convert_element_type3A_84, %cond3A_85 : i32
      scf.if %cond3A_86 {
        %sub3A = arith.constant 2 : i32
        %sub3A_173 = arith.subi %add3A_66, %sub3A : i32
        %mul3A_174 = arith.constant 80 : i32
        %mul3A_175 = arith.muli %sub3A_173, %mul3A_174 : i32
        %add3A_176 = arith.addi %mul3A_2, %mul3A_175 : i32
        %dma_wait3A_177 = arith.constant 0 : i32
        %dma_wait3A_178 = tpu.memref_slice %arg4[%add3A_176, %dma_wait3A_177] : memref<166400x128xf32, #tpu.memory_space<hbm>> -> memref<80x128xf32, #tpu.memory_space<hbm>>
        %dma_wait3A_179 = arith.constant 0 : i32
        %dma_wait3A_180 = tpu.memref_slice %arg4[%add3A_176, %dma_wait3A_179] : memref<166400x128xf32, #tpu.memory_space<hbm>> -> memref<80x128xf32, #tpu.memory_space<hbm>>
        tpu.wait_dma2 semaphore(%arg20 : memref<!tpu.dma_semaphore, #tpu.memory_space<semaphore_mem>>) src(%arg10 : memref<80x128xf32, #tpu.memory_space<vmem>>) dst(%dma_wait3A_180 : memref<80x128xf32, #tpu.memory_space<hbm>>)
      } else {
      }
      %lt3A_87 = arith.constant 65 : i32
      %lt3A_88 = arith.cmpi slt, %add3A_81, %lt3A_87 : i32
      %convert_element_type3A_89 = arith.extui %lt3A_88 : i1 to i32
      %cond3A_90 = arith.constant 0 : i32
      %cond3A_91 = arith.cmpi ne, %convert_element_type3A_89, %cond3A_90 : i32
      scf.if %cond3A_91 {
        %dma_start3A_173 = arith.constant 0 : i32
        %dma_start3A_174 = tpu.memref_slice %arg5[%add3A_81, %dma_start3A_173] : memref<65x80xi32, #tpu.memory_space<vmem>> -> memref<1x80xi32, #tpu.memory_space<vmem>>
        %dma_start3A_175 = tpu.memref_squeeze %dma_start3A_174 : memref<1x80xi32, #tpu.memory_space<vmem>> -> memref<80xi32, #tpu.memory_space<vmem>>
        %dma_start3A_176 = arith.constant 0 : i32
        %dma_start3A_177 = arith.constant 0 : i32
        %dma_start3A_178 = tpu.memref_slice %arg2[%dma_start3A_176, %dma_start3A_177] : memref<10000x128xf32, #tpu.memory_space<hbm>> -> memref<10000x128xf32, #tpu.memory_space<hbm>>
        tpu.enqueue_indirect_dma source(%dma_start3A_178 : memref<10000x128xf32, #tpu.memory_space<hbm>>) target(%arg10 : memref<80x128xf32, #tpu.memory_space<vmem>>) offsets(%dma_start3A_175 : memref<80xi32, #tpu.memory_space<vmem>>) semaphore(%arg15 : memref<!tpu.dma_semaphore, #tpu.memory_space<semaphore_mem>>)
      } else {
      }
      %add3A_92 = arith.constant 2 : i32
      %add3A_93 = arith.addi %mul3A_41, %add3A_92 : i32
      %dma_wait3A_94 = arith.constant 0 : i32
      %dma_wait3A_95 = tpu.memref_slice %arg5[%add3A_93, %dma_wait3A_94] : memref<65x80xi32, #tpu.memory_space<vmem>> -> memref<1x80xi32, #tpu.memory_space<vmem>>
      %dma_wait3A_96 = tpu.memref_squeeze %dma_wait3A_95 : memref<1x80xi32, #tpu.memory_space<vmem>> -> memref<80xi32, #tpu.memory_space<vmem>>
      %dma_wait3A_97 = arith.constant 0 : i32
      %dma_wait3A_98 = arith.constant 0 : i32
      %dma_wait3A_99 = tpu.memref_slice %arg2[%dma_wait3A_97, %dma_wait3A_98] : memref<10000x128xf32, #tpu.memory_space<hbm>> -> memref<10000x128xf32, #tpu.memory_space<hbm>>
      tpu.wait_indirect_dma semaphore(%arg13 : memref<!tpu.dma_semaphore, #tpu.memory_space<semaphore_mem>>) src(%dma_wait3A_99 : memref<10000x128xf32, #tpu.memory_space<hbm>>) dst(%arg8 : memref<80x128xf32, #tpu.memory_space<vmem>>)
      %mul3A_100 = arith.constant 80 : i32
      %mul3A_101 = arith.muli %add3A_93, %mul3A_100 : i32
      %add3A_102 = arith.addi %mul3A_2, %mul3A_101 : i32
      %dma_start3A_103 = arith.constant 0 : i32
      %dma_start3A_104 = tpu.memref_slice %arg4[%add3A_102, %dma_start3A_103] : memref<166400x128xf32, #tpu.memory_space<hbm>> -> memref<80x128xf32, #tpu.memory_space<hbm>>
      %dma_start3A_105 = arith.constant 0 : i32
      %dma_start3A_106 = tpu.memref_slice %arg4[%add3A_102, %dma_start3A_105] : memref<166400x128xf32, #tpu.memory_space<hbm>> -> memref<80x128xf32, #tpu.memory_space<hbm>>
      tpu.enqueue_dma source(%arg8 : memref<80x128xf32, #tpu.memory_space<vmem>>) target(%dma_start3A_106 : memref<80x128xf32, #tpu.memory_space<hbm>>) target_semaphore(%arg18 : memref<!tpu.dma_semaphore, #tpu.memory_space<semaphore_mem>>)
      %add3A_107 = arith.constant 3 : i32
      %add3A_108 = arith.addi %add3A_93, %add3A_107 : i32
      %ge3A_109 = arith.constant 5 : i32
      %ge3A_110 = arith.cmpi sge, %add3A_108, %ge3A_109 : i32
      %convert_element_type3A_111 = arith.extui %ge3A_110 : i1 to i32
      %cond3A_112 = arith.constant 0 : i32
      %cond3A_113 = arith.cmpi ne, %convert_element_type3A_111, %cond3A_112 : i32
      scf.if %cond3A_113 {
        %sub3A = arith.constant 2 : i32
        %sub3A_173 = arith.subi %add3A_93, %sub3A : i32
        %mul3A_174 = arith.constant 80 : i32
        %mul3A_175 = arith.muli %sub3A_173, %mul3A_174 : i32
        %add3A_176 = arith.addi %mul3A_2, %mul3A_175 : i32
        %dma_wait3A_177 = arith.constant 0 : i32
        %dma_wait3A_178 = tpu.memref_slice %arg4[%add3A_176, %dma_wait3A_177] : memref<166400x128xf32, #tpu.memory_space<hbm>> -> memref<80x128xf32, #tpu.memory_space<hbm>>
        %dma_wait3A_179 = arith.constant 0 : i32
        %dma_wait3A_180 = tpu.memref_slice %arg4[%add3A_176, %dma_wait3A_179] : memref<166400x128xf32, #tpu.memory_space<hbm>> -> memref<80x128xf32, #tpu.memory_space<hbm>>
        tpu.wait_dma2 semaphore(%arg16 : memref<!tpu.dma_semaphore, #tpu.memory_space<semaphore_mem>>) src(%arg6 : memref<80x128xf32, #tpu.memory_space<vmem>>) dst(%dma_wait3A_180 : memref<80x128xf32, #tpu.memory_space<hbm>>)
      } else {
      }
      %lt3A_114 = arith.constant 65 : i32
      %lt3A_115 = arith.cmpi slt, %add3A_108, %lt3A_114 : i32
      %convert_element_type3A_116 = arith.extui %lt3A_115 : i1 to i32
      %cond3A_117 = arith.constant 0 : i32
      %cond3A_118 = arith.cmpi ne, %convert_element_type3A_116, %cond3A_117 : i32
      scf.if %cond3A_118 {
        %dma_start3A_173 = arith.constant 0 : i32
        %dma_start3A_174 = tpu.memref_slice %arg5[%add3A_108, %dma_start3A_173] : memref<65x80xi32, #tpu.memory_space<vmem>> -> memref<1x80xi32, #tpu.memory_space<vmem>>
        %dma_start3A_175 = tpu.memref_squeeze %dma_start3A_174 : memref<1x80xi32, #tpu.memory_space<vmem>> -> memref<80xi32, #tpu.memory_space<vmem>>
        %dma_start3A_176 = arith.constant 0 : i32
        %dma_start3A_177 = arith.constant 0 : i32
        %dma_start3A_178 = tpu.memref_slice %arg2[%dma_start3A_176, %dma_start3A_177] : memref<10000x128xf32, #tpu.memory_space<hbm>> -> memref<10000x128xf32, #tpu.memory_space<hbm>>
        tpu.enqueue_indirect_dma source(%dma_start3A_178 : memref<10000x128xf32, #tpu.memory_space<hbm>>) target(%arg6 : memref<80x128xf32, #tpu.memory_space<vmem>>) offsets(%dma_start3A_175 : memref<80xi32, #tpu.memory_space<vmem>>) semaphore(%arg11 : memref<!tpu.dma_semaphore, #tpu.memory_space<semaphore_mem>>)
      } else {
      }
      %add3A_119 = arith.constant 3 : i32
      %add3A_120 = arith.addi %mul3A_41, %add3A_119 : i32
      %dma_wait3A_121 = arith.constant 0 : i32
      %dma_wait3A_122 = tpu.memref_slice %arg5[%add3A_120, %dma_wait3A_121] : memref<65x80xi32, #tpu.memory_space<vmem>> -> memref<1x80xi32, #tpu.memory_space<vmem>>
      %dma_wait3A_123 = tpu.memref_squeeze %dma_wait3A_122 : memref<1x80xi32, #tpu.memory_space<vmem>> -> memref<80xi32, #tpu.memory_space<vmem>>
      %dma_wait3A_124 = arith.constant 0 : i32
      %dma_wait3A_125 = arith.constant 0 : i32
      %dma_wait3A_126 = tpu.memref_slice %arg2[%dma_wait3A_124, %dma_wait3A_125] : memref<10000x128xf32, #tpu.memory_space<hbm>> -> memref<10000x128xf32, #tpu.memory_space<hbm>>
      tpu.wait_indirect_dma semaphore(%arg14 : memref<!tpu.dma_semaphore, #tpu.memory_space<semaphore_mem>>) src(%dma_wait3A_126 : memref<10000x128xf32, #tpu.memory_space<hbm>>) dst(%arg9 : memref<80x128xf32, #tpu.memory_space<vmem>>)
      %mul3A_127 = arith.constant 80 : i32
      %mul3A_128 = arith.muli %add3A_120, %mul3A_127 : i32
      %add3A_129 = arith.addi %mul3A_2, %mul3A_128 : i32
      %dma_start3A_130 = arith.constant 0 : i32
      %dma_start3A_131 = tpu.memref_slice %arg4[%add3A_129, %dma_start3A_130] : memref<166400x128xf32, #tpu.memory_space<hbm>> -> memref<80x128xf32, #tpu.memory_space<hbm>>
      %dma_start3A_132 = arith.constant 0 : i32
      %dma_start3A_133 = tpu.memref_slice %arg4[%add3A_129, %dma_start3A_132] : memref<166400x128xf32, #tpu.memory_space<hbm>> -> memref<80x128xf32, #tpu.memory_space<hbm>>
      tpu.enqueue_dma source(%arg9 : memref<80x128xf32, #tpu.memory_space<vmem>>) target(%dma_start3A_133 : memref<80x128xf32, #tpu.memory_space<hbm>>) target_semaphore(%arg19 : memref<!tpu.dma_semaphore, #tpu.memory_space<semaphore_mem>>)
      %add3A_134 = arith.constant 3 : i32
      %add3A_135 = arith.addi %add3A_120, %add3A_134 : i32
      %ge3A_136 = arith.constant 5 : i32
      %ge3A_137 = arith.cmpi sge, %add3A_135, %ge3A_136 : i32
      %convert_element_type3A_138 = arith.extui %ge3A_137 : i1 to i32
      %cond3A_139 = arith.constant 0 : i32
      %cond3A_140 = arith.cmpi ne, %convert_element_type3A_138, %cond3A_139 : i32
      scf.if %cond3A_140 {
        %sub3A = arith.constant 2 : i32
        %sub3A_173 = arith.subi %add3A_120, %sub3A : i32
        %mul3A_174 = arith.constant 80 : i32
        %mul3A_175 = arith.muli %sub3A_173, %mul3A_174 : i32
        %add3A_176 = arith.addi %mul3A_2, %mul3A_175 : i32
        %dma_wait3A_177 = arith.constant 0 : i32
        %dma_wait3A_178 = tpu.memref_slice %arg4[%add3A_176, %dma_wait3A_177] : memref<166400x128xf32, #tpu.memory_space<hbm>> -> memref<80x128xf32, #tpu.memory_space<hbm>>
        %dma_wait3A_179 = arith.constant 0 : i32
        %dma_wait3A_180 = tpu.memref_slice %arg4[%add3A_176, %dma_wait3A_179] : memref<166400x128xf32, #tpu.memory_space<hbm>> -> memref<80x128xf32, #tpu.memory_space<hbm>>
        tpu.wait_dma2 semaphore(%arg17 : memref<!tpu.dma_semaphore, #tpu.memory_space<semaphore_mem>>) src(%arg7 : memref<80x128xf32, #tpu.memory_space<vmem>>) dst(%dma_wait3A_180 : memref<80x128xf32, #tpu.memory_space<hbm>>)
      } else {
      }
      %lt3A_141 = arith.constant 65 : i32
      %lt3A_142 = arith.cmpi slt, %add3A_135, %lt3A_141 : i32
      %convert_element_type3A_143 = arith.extui %lt3A_142 : i1 to i32
      %cond3A_144 = arith.constant 0 : i32
      %cond3A_145 = arith.cmpi ne, %convert_element_type3A_143, %cond3A_144 : i32
      scf.if %cond3A_145 {
        %dma_start3A_173 = arith.constant 0 : i32
        %dma_start3A_174 = tpu.memref_slice %arg5[%add3A_135, %dma_start3A_173] : memref<65x80xi32, #tpu.memory_space<vmem>> -> memref<1x80xi32, #tpu.memory_space<vmem>>
        %dma_start3A_175 = tpu.memref_squeeze %dma_start3A_174 : memref<1x80xi32, #tpu.memory_space<vmem>> -> memref<80xi32, #tpu.memory_space<vmem>>
        %dma_start3A_176 = arith.constant 0 : i32
        %dma_start3A_177 = arith.constant 0 : i32
        %dma_start3A_178 = tpu.memref_slice %arg2[%dma_start3A_176, %dma_start3A_177] : memref<10000x128xf32, #tpu.memory_space<hbm>> -> memref<10000x128xf32, #tpu.memory_space<hbm>>
        tpu.enqueue_indirect_dma source(%dma_start3A_178 : memref<10000x128xf32, #tpu.memory_space<hbm>>) target(%arg7 : memref<80x128xf32, #tpu.memory_space<vmem>>) offsets(%dma_start3A_175 : memref<80xi32, #tpu.memory_space<vmem>>) semaphore(%arg12 : memref<!tpu.dma_semaphore, #tpu.memory_space<semaphore_mem>>)
      } else {
      }
      %add3A_146 = arith.constant 4 : i32
      %add3A_147 = arith.addi %mul3A_41, %add3A_146 : i32
      %dma_wait3A_148 = arith.constant 0 : i32
      %dma_wait3A_149 = tpu.memref_slice %arg5[%add3A_147, %dma_wait3A_148] : memref<65x80xi32, #tpu.memory_space<vmem>> -> memref<1x80xi32, #tpu.memory_space<vmem>>
      %dma_wait3A_150 = tpu.memref_squeeze %dma_wait3A_149 : memref<1x80xi32, #tpu.memory_space<vmem>> -> memref<80xi32, #tpu.memory_space<vmem>>
      %dma_wait3A_151 = arith.constant 0 : i32
      %dma_wait3A_152 = arith.constant 0 : i32
      %dma_wait3A_153 = tpu.memref_slice %arg2[%dma_wait3A_151, %dma_wait3A_152] : memref<10000x128xf32, #tpu.memory_space<hbm>> -> memref<10000x128xf32, #tpu.memory_space<hbm>>
      tpu.wait_indirect_dma semaphore(%arg15 : memref<!tpu.dma_semaphore, #tpu.memory_space<semaphore_mem>>) src(%dma_wait3A_153 : memref<10000x128xf32, #tpu.memory_space<hbm>>) dst(%arg10 : memref<80x128xf32, #tpu.memory_space<vmem>>)
      %mul3A_154 = arith.constant 80 : i32
      %mul3A_155 = arith.muli %add3A_147, %mul3A_154 : i32
      %add3A_156 = arith.addi %mul3A_2, %mul3A_155 : i32
      %dma_start3A_157 = arith.constant 0 : i32
      %dma_start3A_158 = tpu.memref_slice %arg4[%add3A_156, %dma_start3A_157] : memref<166400x128xf32, #tpu.memory_space<hbm>> -> memref<80x128xf32, #tpu.memory_space<hbm>>
      %dma_start3A_159 = arith.constant 0 : i32
      %dma_start3A_160 = tpu.memref_slice %arg4[%add3A_156, %dma_start3A_159] : memref<166400x128xf32, #tpu.memory_space<hbm>> -> memref<80x128xf32, #tpu.memory_space<hbm>>
      tpu.enqueue_dma source(%arg10 : memref<80x128xf32, #tpu.memory_space<vmem>>) target(%dma_start3A_160 : memref<80x128xf32, #tpu.memory_space<hbm>>) target_semaphore(%arg20 : memref<!tpu.dma_semaphore, #tpu.memory_space<semaphore_mem>>)
      %add3A_161 = arith.constant 3 : i32
      %add3A_162 = arith.addi %add3A_147, %add3A_161 : i32
      %ge3A_163 = arith.constant 5 : i32
      %ge3A_164 = arith.cmpi sge, %add3A_162, %ge3A_163 : i32
      %convert_element_type3A_165 = arith.extui %ge3A_164 : i1 to i32
      %cond3A_166 = arith.constant 0 : i32
      %cond3A_167 = arith.cmpi ne, %convert_element_type3A_165, %cond3A_166 : i32
      scf.if %cond3A_167 {
        %sub3A = arith.constant 2 : i32
        %sub3A_173 = arith.subi %add3A_147, %sub3A : i32
        %mul3A_174 = arith.constant 80 : i32
        %mul3A_175 = arith.muli %sub3A_173, %mul3A_174 : i32
        %add3A_176 = arith.addi %mul3A_2, %mul3A_175 : i32
        %dma_wait3A_177 = arith.constant 0 : i32
        %dma_wait3A_178 = tpu.memref_slice %arg4[%add3A_176, %dma_wait3A_177] : memref<166400x128xf32, #tpu.memory_space<hbm>> -> memref<80x128xf32, #tpu.memory_space<hbm>>
        %dma_wait3A_179 = arith.constant 0 : i32
        %dma_wait3A_180 = tpu.memref_slice %arg4[%add3A_176, %dma_wait3A_179] : memref<166400x128xf32, #tpu.memory_space<hbm>> -> memref<80x128xf32, #tpu.memory_space<hbm>>
        tpu.wait_dma2 semaphore(%arg18 : memref<!tpu.dma_semaphore, #tpu.memory_space<semaphore_mem>>) src(%arg8 : memref<80x128xf32, #tpu.memory_space<vmem>>) dst(%dma_wait3A_180 : memref<80x128xf32, #tpu.memory_space<hbm>>)
      } else {
      }
      %lt3A_168 = arith.constant 65 : i32
      %lt3A_169 = arith.cmpi slt, %add3A_162, %lt3A_168 : i32
      %convert_element_type3A_170 = arith.extui %lt3A_169 : i1 to i32
      %cond3A_171 = arith.constant 0 : i32
      %cond3A_172 = arith.cmpi ne, %convert_element_type3A_170, %cond3A_171 : i32
      scf.if %cond3A_172 {
        %dma_start3A_173 = arith.constant 0 : i32
        %dma_start3A_174 = tpu.memref_slice %arg5[%add3A_162, %dma_start3A_173] : memref<65x80xi32, #tpu.memory_space<vmem>> -> memref<1x80xi32, #tpu.memory_space<vmem>>
        %dma_start3A_175 = tpu.memref_squeeze %dma_start3A_174 : memref<1x80xi32, #tpu.memory_space<vmem>> -> memref<80xi32, #tpu.memory_space<vmem>>
        %dma_start3A_176 = arith.constant 0 : i32
        %dma_start3A_177 = arith.constant 0 : i32
        %dma_start3A_178 = tpu.memref_slice %arg2[%dma_start3A_176, %dma_start3A_177] : memref<10000x128xf32, #tpu.memory_space<hbm>> -> memref<10000x128xf32, #tpu.memory_space<hbm>>
        tpu.enqueue_indirect_dma source(%dma_start3A_178 : memref<10000x128xf32, #tpu.memory_space<hbm>>) target(%arg8 : memref<80x128xf32, #tpu.memory_space<vmem>>) offsets(%dma_start3A_175 : memref<80xi32, #tpu.memory_space<vmem>>) semaphore(%arg13 : memref<!tpu.dma_semaphore, #tpu.memory_space<semaphore_mem>>)
      } else {
      }
    }
    %scan3A_27 = arith.constant 13 : i32
    %add3A_28 = arith.constant 5040 : i32
    %add3A_29 = arith.addi %mul3A_2, %add3A_28 : i32
    %dma_wait3A = arith.constant 0 : i32
    %dma_wait3A_30 = tpu.memref_slice %arg4[%add3A_29, %dma_wait3A] : memref<166400x128xf32, #tpu.memory_space<hbm>> -> memref<80x128xf32, #tpu.memory_space<hbm>>
    %dma_wait3A_31 = arith.constant 0 : i32
    %dma_wait3A_32 = tpu.memref_slice %arg4[%add3A_29, %dma_wait3A_31] : memref<166400x128xf32, #tpu.memory_space<hbm>> -> memref<80x128xf32, #tpu.memory_space<hbm>>
    tpu.wait_dma2 semaphore(%arg19 : memref<!tpu.dma_semaphore, #tpu.memory_space<semaphore_mem>>) src(%arg9 : memref<80x128xf32, #tpu.memory_space<vmem>>) dst(%dma_wait3A_32 : memref<80x128xf32, #tpu.memory_space<hbm>>)
    %add3A_33 = arith.constant 5120 : i32
    %add3A_34 = arith.addi %mul3A_2, %add3A_33 : i32
    %dma_wait3A_35 = arith.constant 0 : i32
    %dma_wait3A_36 = tpu.memref_slice %arg4[%add3A_34, %dma_wait3A_35] : memref<166400x128xf32, #tpu.memory_space<hbm>> -> memref<80x128xf32, #tpu.memory_space<hbm>>
    %dma_wait3A_37 = arith.constant 0 : i32
    %dma_wait3A_38 = tpu.memref_slice %arg4[%add3A_34, %dma_wait3A_37] : memref<166400x128xf32, #tpu.memory_space<hbm>> -> memref<80x128xf32, #tpu.memory_space<hbm>>
    tpu.wait_dma2 semaphore(%arg20 : memref<!tpu.dma_semaphore, #tpu.memory_space<semaphore_mem>>) src(%arg10 : memref<80x128xf32, #tpu.memory_space<vmem>>) dst(%dma_wait3A_38 : memref<80x128xf32, #tpu.memory_space<hbm>>)
    return
  }
}

#map = affine_map<(d0, d1) -> (0, 0)>
#map1 = affine_map<(d0, d1) -> (0, 0, 0)>
module attributes {stable_mosaic.version = 14 : i64} {
  func.func @_sc_gather_body(%arg0: i32, %arg1: i32, %arg2: memref<10000x128xf32, #tpu.memory_space<hbm>>, %arg3: memref<32x60x80xi32, #tpu.memory_space<hbm>>, %arg4: memref<153600x128xf32, #tpu.memory_space<hbm>>, %arg5: memref<60x80xi32, #tpu.memory_space<vmem>>, %arg6: memref<80x128xf32, #tpu.memory_space<vmem>>, %arg7: memref<80x128xf32, #tpu.memory_space<vmem>>, %arg8: memref<80x128xf32, #tpu.memory_space<vmem>>, %arg9: memref<80x128xf32, #tpu.memory_space<vmem>>, %arg10: memref<80x128xf32, #tpu.memory_space<vmem>>, %arg11: memref<!tpu.dma_semaphore, #tpu.memory_space<semaphore_mem>>, %arg12: memref<!tpu.dma_semaphore, #tpu.memory_space<semaphore_mem>>, %arg13: memref<!tpu.dma_semaphore, #tpu.memory_space<semaphore_mem>>, %arg14: memref<!tpu.dma_semaphore, #tpu.memory_space<semaphore_mem>>, %arg15: memref<!tpu.dma_semaphore, #tpu.memory_space<semaphore_mem>>, %arg16: memref<!tpu.dma_semaphore, #tpu.memory_space<semaphore_mem>>, %arg17: memref<!tpu.dma_semaphore, #tpu.memory_space<semaphore_mem>>, %arg18: memref<!tpu.dma_semaphore, #tpu.memory_space<semaphore_mem>>, %arg19: memref<!tpu.dma_semaphore, #tpu.memory_space<semaphore_mem>>, %arg20: memref<!tpu.dma_semaphore, #tpu.memory_space<semaphore_mem>>) attributes {dimension_semantics = [#tpu.dimension_semantics<core_parallel>, #tpu.dimension_semantics<subcore_parallel>], iteration_bounds = array<i64: 2, 16>, scalar_prefetch = 0 : i64, scratch_operands = 16 : i64, tpu.core_type = #tpu.core_type<sc_vector_subcore>, window_params = [{transform_indices = #map}, {transform_indices = #map1}, {transform_indices = #map}]} {
    %mul3A = arith.constant 2 : i32
    %mul3A_0 = arith.muli %arg1, %mul3A : i32
    %add3A = arith.addi %mul3A_0, %arg0 : i32
    "tpu.region"() ({
      %run_scoped3A = tpu.sem_alloc : memref<!tpu.dma_semaphore, #tpu.memory_space<semaphore_mem>>
      %dma_start3A_39 = arith.constant 0 : i32
      %dma_start3A_40 = arith.constant 0 : i32
      %dma_start3A_41 = tpu.memref_slice %arg3[%add3A, %dma_start3A_39, %dma_start3A_40] : memref<32x60x80xi32, #tpu.memory_space<hbm>> -> memref<1x60x80xi32, #tpu.memory_space<hbm>>
      %dma_start3A_42 = tpu.memref_squeeze %dma_start3A_41 : memref<1x60x80xi32, #tpu.memory_space<hbm>> -> memref<60x80xi32, #tpu.memory_space<hbm>>
      %dma_start3A_43 = arith.constant 0 : i32
      %dma_start3A_44 = arith.constant 0 : i32
      %dma_start3A_45 = tpu.memref_slice %arg3[%add3A, %dma_start3A_43, %dma_start3A_44] : memref<32x60x80xi32, #tpu.memory_space<hbm>> -> memref<1x60x80xi32, #tpu.memory_space<hbm>>
      %dma_start3A_46 = tpu.memref_squeeze %dma_start3A_45 : memref<1x60x80xi32, #tpu.memory_space<hbm>> -> memref<60x80xi32, #tpu.memory_space<hbm>>
      tpu.enqueue_dma source(%dma_start3A_46 : memref<60x80xi32, #tpu.memory_space<hbm>>) target(%arg5 : memref<60x80xi32, #tpu.memory_space<vmem>>) target_semaphore(%run_scoped3A : memref<!tpu.dma_semaphore, #tpu.memory_space<semaphore_mem>>)
      %dma_wait3A_47 = arith.constant 0 : i32
      %dma_wait3A_48 = arith.constant 0 : i32
      %dma_wait3A_49 = tpu.memref_slice %arg3[%add3A, %dma_wait3A_47, %dma_wait3A_48] : memref<32x60x80xi32, #tpu.memory_space<hbm>> -> memref<1x60x80xi32, #tpu.memory_space<hbm>>
      %dma_wait3A_50 = tpu.memref_squeeze %dma_wait3A_49 : memref<1x60x80xi32, #tpu.memory_space<hbm>> -> memref<60x80xi32, #tpu.memory_space<hbm>>
      %dma_wait3A_51 = arith.constant 0 : i32
      %dma_wait3A_52 = arith.constant 0 : i32
      %dma_wait3A_53 = tpu.memref_slice %arg3[%add3A, %dma_wait3A_51, %dma_wait3A_52] : memref<32x60x80xi32, #tpu.memory_space<hbm>> -> memref<1x60x80xi32, #tpu.memory_space<hbm>>
      %dma_wait3A_54 = tpu.memref_squeeze %dma_wait3A_53 : memref<1x60x80xi32, #tpu.memory_space<hbm>> -> memref<60x80xi32, #tpu.memory_space<hbm>>
      tpu.wait_dma2 semaphore(%run_scoped3A : memref<!tpu.dma_semaphore, #tpu.memory_space<semaphore_mem>>) src(%dma_wait3A_54 : memref<60x80xi32, #tpu.memory_space<hbm>>) dst(%arg5 : memref<60x80xi32, #tpu.memory_space<vmem>>)
      tpu.yield
    }) : () -> ()
    %mul3A_1 = arith.constant 4800 : i32
    %mul3A_2 = arith.muli %add3A, %mul3A_1 : i32
    %dma_start3A = arith.constant 0 : i32
    %dma_start3A_3 = arith.constant 0 : i32
    %dma_start3A_4 = tpu.memref_slice %arg5[%dma_start3A, %dma_start3A_3] : memref<60x80xi32, #tpu.memory_space<vmem>> -> memref<1x80xi32, #tpu.memory_space<vmem>>
    %dma_start3A_5 = tpu.memref_squeeze %dma_start3A_4 : memref<1x80xi32, #tpu.memory_space<vmem>> -> memref<80xi32, #tpu.memory_space<vmem>>
    %dma_start3A_6 = arith.constant 0 : i32
    %dma_start3A_7 = arith.constant 0 : i32
    %dma_start3A_8 = tpu.memref_slice %arg2[%dma_start3A_6, %dma_start3A_7] : memref<10000x128xf32, #tpu.memory_space<hbm>> -> memref<10000x128xf32, #tpu.memory_space<hbm>>
    tpu.enqueue_indirect_dma source(%dma_start3A_8 : memref<10000x128xf32, #tpu.memory_space<hbm>>) target(%arg6 : memref<80x128xf32, #tpu.memory_space<vmem>>) offsets(%dma_start3A_5 : memref<80xi32, #tpu.memory_space<vmem>>) semaphore(%arg11 : memref<!tpu.dma_semaphore, #tpu.memory_space<semaphore_mem>>)
    %dma_start3A_9 = arith.constant 1 : i32
    %dma_start3A_10 = arith.constant 0 : i32
    %dma_start3A_11 = tpu.memref_slice %arg5[%dma_start3A_9, %dma_start3A_10] : memref<60x80xi32, #tpu.memory_space<vmem>> -> memref<1x80xi32, #tpu.memory_space<vmem>>
    %dma_start3A_12 = tpu.memref_squeeze %dma_start3A_11 : memref<1x80xi32, #tpu.memory_space<vmem>> -> memref<80xi32, #tpu.memory_space<vmem>>
    %dma_start3A_13 = arith.constant 0 : i32
    %dma_start3A_14 = arith.constant 0 : i32
    %dma_start3A_15 = tpu.memref_slice %arg2[%dma_start3A_13, %dma_start3A_14] : memref<10000x128xf32, #tpu.memory_space<hbm>> -> memref<10000x128xf32, #tpu.memory_space<hbm>>
    tpu.enqueue_indirect_dma source(%dma_start3A_15 : memref<10000x128xf32, #tpu.memory_space<hbm>>) target(%arg7 : memref<80x128xf32, #tpu.memory_space<vmem>>) offsets(%dma_start3A_12 : memref<80xi32, #tpu.memory_space<vmem>>) semaphore(%arg12 : memref<!tpu.dma_semaphore, #tpu.memory_space<semaphore_mem>>)
    %dma_start3A_16 = arith.constant 2 : i32
    %dma_start3A_17 = arith.constant 0 : i32
    %dma_start3A_18 = tpu.memref_slice %arg5[%dma_start3A_16, %dma_start3A_17] : memref<60x80xi32, #tpu.memory_space<vmem>> -> memref<1x80xi32, #tpu.memory_space<vmem>>
    %dma_start3A_19 = tpu.memref_squeeze %dma_start3A_18 : memref<1x80xi32, #tpu.memory_space<vmem>> -> memref<80xi32, #tpu.memory_space<vmem>>
    %dma_start3A_20 = arith.constant 0 : i32
    %dma_start3A_21 = arith.constant 0 : i32
    %dma_start3A_22 = tpu.memref_slice %arg2[%dma_start3A_20, %dma_start3A_21] : memref<10000x128xf32, #tpu.memory_space<hbm>> -> memref<10000x128xf32, #tpu.memory_space<hbm>>
    tpu.enqueue_indirect_dma source(%dma_start3A_22 : memref<10000x128xf32, #tpu.memory_space<hbm>>) target(%arg8 : memref<80x128xf32, #tpu.memory_space<vmem>>) offsets(%dma_start3A_19 : memref<80xi32, #tpu.memory_space<vmem>>) semaphore(%arg13 : memref<!tpu.dma_semaphore, #tpu.memory_space<semaphore_mem>>)
    %scan3A = arith.constant 0 : i32
    %scan3A_23 = arith.constant 0 : i32
    %scan3A_24 = arith.constant 12 : i32
    %scan3A_25 = arith.addi %scan3A_23, %scan3A_24 : i32
    %scan3A_26 = arith.constant 1 : i32
    scf.for %scan3A_39 = %scan3A_23 to %scan3A_25 step %scan3A_26  : i32 {
      %mul3A_40 = arith.constant 5 : i32
      %mul3A_41 = arith.muli %scan3A_39, %mul3A_40 : i32
      %add3A_42 = arith.constant 0 : i32
      %add3A_43 = arith.addi %mul3A_41, %add3A_42 : i32
      %dma_wait3A_44 = arith.constant 0 : i32
      %dma_wait3A_45 = tpu.memref_slice %arg5[%add3A_43, %dma_wait3A_44] : memref<60x80xi32, #tpu.memory_space<vmem>> -> memref<1x80xi32, #tpu.memory_space<vmem>>
      %dma_wait3A_46 = tpu.memref_squeeze %dma_wait3A_45 : memref<1x80xi32, #tpu.memory_space<vmem>> -> memref<80xi32, #tpu.memory_space<vmem>>
      %dma_wait3A_47 = arith.constant 0 : i32
      %dma_wait3A_48 = arith.constant 0 : i32
      %dma_wait3A_49 = tpu.memref_slice %arg2[%dma_wait3A_47, %dma_wait3A_48] : memref<10000x128xf32, #tpu.memory_space<hbm>> -> memref<10000x128xf32, #tpu.memory_space<hbm>>
      tpu.wait_indirect_dma semaphore(%arg11 : memref<!tpu.dma_semaphore, #tpu.memory_space<semaphore_mem>>) src(%dma_wait3A_49 : memref<10000x128xf32, #tpu.memory_space<hbm>>) dst(%arg6 : memref<80x128xf32, #tpu.memory_space<vmem>>)
      %mul3A_50 = arith.constant 80 : i32
      %mul3A_51 = arith.muli %add3A_43, %mul3A_50 : i32
      %add3A_52 = arith.addi %mul3A_2, %mul3A_51 : i32
      %dma_start3A_53 = arith.constant 0 : i32
      %dma_start3A_54 = tpu.memref_slice %arg4[%add3A_52, %dma_start3A_53] : memref<153600x128xf32, #tpu.memory_space<hbm>> -> memref<80x128xf32, #tpu.memory_space<hbm>>
      %dma_start3A_55 = arith.constant 0 : i32
      %dma_start3A_56 = tpu.memref_slice %arg4[%add3A_52, %dma_start3A_55] : memref<153600x128xf32, #tpu.memory_space<hbm>> -> memref<80x128xf32, #tpu.memory_space<hbm>>
      tpu.enqueue_dma source(%arg6 : memref<80x128xf32, #tpu.memory_space<vmem>>) target(%dma_start3A_56 : memref<80x128xf32, #tpu.memory_space<hbm>>) target_semaphore(%arg16 : memref<!tpu.dma_semaphore, #tpu.memory_space<semaphore_mem>>)
      %add3A_57 = arith.constant 3 : i32
      %add3A_58 = arith.addi %add3A_43, %add3A_57 : i32
      %ge3A = arith.constant 5 : i32
      %ge3A_59 = arith.cmpi sge, %add3A_58, %ge3A : i32
      %convert_element_type3A = arith.extui %ge3A_59 : i1 to i32
      %cond3A = arith.constant 0 : i32
      %cond3A_60 = arith.cmpi ne, %convert_element_type3A, %cond3A : i32
      scf.if %cond3A_60 {
        %sub3A = arith.constant 2 : i32
        %sub3A_173 = arith.subi %add3A_43, %sub3A : i32
        %mul3A_174 = arith.constant 80 : i32
        %mul3A_175 = arith.muli %sub3A_173, %mul3A_174 : i32
        %add3A_176 = arith.addi %mul3A_2, %mul3A_175 : i32
        %dma_wait3A_177 = arith.constant 0 : i32
        %dma_wait3A_178 = tpu.memref_slice %arg4[%add3A_176, %dma_wait3A_177] : memref<153600x128xf32, #tpu.memory_space<hbm>> -> memref<80x128xf32, #tpu.memory_space<hbm>>
        %dma_wait3A_179 = arith.constant 0 : i32
        %dma_wait3A_180 = tpu.memref_slice %arg4[%add3A_176, %dma_wait3A_179] : memref<153600x128xf32, #tpu.memory_space<hbm>> -> memref<80x128xf32, #tpu.memory_space<hbm>>
        tpu.wait_dma2 semaphore(%arg19 : memref<!tpu.dma_semaphore, #tpu.memory_space<semaphore_mem>>) src(%arg9 : memref<80x128xf32, #tpu.memory_space<vmem>>) dst(%dma_wait3A_180 : memref<80x128xf32, #tpu.memory_space<hbm>>)
      } else {
      }
      %lt3A = arith.constant 60 : i32
      %lt3A_61 = arith.cmpi slt, %add3A_58, %lt3A : i32
      %convert_element_type3A_62 = arith.extui %lt3A_61 : i1 to i32
      %cond3A_63 = arith.constant 0 : i32
      %cond3A_64 = arith.cmpi ne, %convert_element_type3A_62, %cond3A_63 : i32
      scf.if %cond3A_64 {
        %dma_start3A_173 = arith.constant 0 : i32
        %dma_start3A_174 = tpu.memref_slice %arg5[%add3A_58, %dma_start3A_173] : memref<60x80xi32, #tpu.memory_space<vmem>> -> memref<1x80xi32, #tpu.memory_space<vmem>>
        %dma_start3A_175 = tpu.memref_squeeze %dma_start3A_174 : memref<1x80xi32, #tpu.memory_space<vmem>> -> memref<80xi32, #tpu.memory_space<vmem>>
        %dma_start3A_176 = arith.constant 0 : i32
        %dma_start3A_177 = arith.constant 0 : i32
        %dma_start3A_178 = tpu.memref_slice %arg2[%dma_start3A_176, %dma_start3A_177] : memref<10000x128xf32, #tpu.memory_space<hbm>> -> memref<10000x128xf32, #tpu.memory_space<hbm>>
        tpu.enqueue_indirect_dma source(%dma_start3A_178 : memref<10000x128xf32, #tpu.memory_space<hbm>>) target(%arg9 : memref<80x128xf32, #tpu.memory_space<vmem>>) offsets(%dma_start3A_175 : memref<80xi32, #tpu.memory_space<vmem>>) semaphore(%arg14 : memref<!tpu.dma_semaphore, #tpu.memory_space<semaphore_mem>>)
      } else {
      }
      %add3A_65 = arith.constant 1 : i32
      %add3A_66 = arith.addi %mul3A_41, %add3A_65 : i32
      %dma_wait3A_67 = arith.constant 0 : i32
      %dma_wait3A_68 = tpu.memref_slice %arg5[%add3A_66, %dma_wait3A_67] : memref<60x80xi32, #tpu.memory_space<vmem>> -> memref<1x80xi32, #tpu.memory_space<vmem>>
      %dma_wait3A_69 = tpu.memref_squeeze %dma_wait3A_68 : memref<1x80xi32, #tpu.memory_space<vmem>> -> memref<80xi32, #tpu.memory_space<vmem>>
      %dma_wait3A_70 = arith.constant 0 : i32
      %dma_wait3A_71 = arith.constant 0 : i32
      %dma_wait3A_72 = tpu.memref_slice %arg2[%dma_wait3A_70, %dma_wait3A_71] : memref<10000x128xf32, #tpu.memory_space<hbm>> -> memref<10000x128xf32, #tpu.memory_space<hbm>>
      tpu.wait_indirect_dma semaphore(%arg12 : memref<!tpu.dma_semaphore, #tpu.memory_space<semaphore_mem>>) src(%dma_wait3A_72 : memref<10000x128xf32, #tpu.memory_space<hbm>>) dst(%arg7 : memref<80x128xf32, #tpu.memory_space<vmem>>)
      %mul3A_73 = arith.constant 80 : i32
      %mul3A_74 = arith.muli %add3A_66, %mul3A_73 : i32
      %add3A_75 = arith.addi %mul3A_2, %mul3A_74 : i32
      %dma_start3A_76 = arith.constant 0 : i32
      %dma_start3A_77 = tpu.memref_slice %arg4[%add3A_75, %dma_start3A_76] : memref<153600x128xf32, #tpu.memory_space<hbm>> -> memref<80x128xf32, #tpu.memory_space<hbm>>
      %dma_start3A_78 = arith.constant 0 : i32
      %dma_start3A_79 = tpu.memref_slice %arg4[%add3A_75, %dma_start3A_78] : memref<153600x128xf32, #tpu.memory_space<hbm>> -> memref<80x128xf32, #tpu.memory_space<hbm>>
      tpu.enqueue_dma source(%arg7 : memref<80x128xf32, #tpu.memory_space<vmem>>) target(%dma_start3A_79 : memref<80x128xf32, #tpu.memory_space<hbm>>) target_semaphore(%arg17 : memref<!tpu.dma_semaphore, #tpu.memory_space<semaphore_mem>>)
      %add3A_80 = arith.constant 3 : i32
      %add3A_81 = arith.addi %add3A_66, %add3A_80 : i32
      %ge3A_82 = arith.constant 5 : i32
      %ge3A_83 = arith.cmpi sge, %add3A_81, %ge3A_82 : i32
      %convert_element_type3A_84 = arith.extui %ge3A_83 : i1 to i32
      %cond3A_85 = arith.constant 0 : i32
      %cond3A_86 = arith.cmpi ne, %convert_element_type3A_84, %cond3A_85 : i32
      scf.if %cond3A_86 {
        %sub3A = arith.constant 2 : i32
        %sub3A_173 = arith.subi %add3A_66, %sub3A : i32
        %mul3A_174 = arith.constant 80 : i32
        %mul3A_175 = arith.muli %sub3A_173, %mul3A_174 : i32
        %add3A_176 = arith.addi %mul3A_2, %mul3A_175 : i32
        %dma_wait3A_177 = arith.constant 0 : i32
        %dma_wait3A_178 = tpu.memref_slice %arg4[%add3A_176, %dma_wait3A_177] : memref<153600x128xf32, #tpu.memory_space<hbm>> -> memref<80x128xf32, #tpu.memory_space<hbm>>
        %dma_wait3A_179 = arith.constant 0 : i32
        %dma_wait3A_180 = tpu.memref_slice %arg4[%add3A_176, %dma_wait3A_179] : memref<153600x128xf32, #tpu.memory_space<hbm>> -> memref<80x128xf32, #tpu.memory_space<hbm>>
        tpu.wait_dma2 semaphore(%arg20 : memref<!tpu.dma_semaphore, #tpu.memory_space<semaphore_mem>>) src(%arg10 : memref<80x128xf32, #tpu.memory_space<vmem>>) dst(%dma_wait3A_180 : memref<80x128xf32, #tpu.memory_space<hbm>>)
      } else {
      }
      %lt3A_87 = arith.constant 60 : i32
      %lt3A_88 = arith.cmpi slt, %add3A_81, %lt3A_87 : i32
      %convert_element_type3A_89 = arith.extui %lt3A_88 : i1 to i32
      %cond3A_90 = arith.constant 0 : i32
      %cond3A_91 = arith.cmpi ne, %convert_element_type3A_89, %cond3A_90 : i32
      scf.if %cond3A_91 {
        %dma_start3A_173 = arith.constant 0 : i32
        %dma_start3A_174 = tpu.memref_slice %arg5[%add3A_81, %dma_start3A_173] : memref<60x80xi32, #tpu.memory_space<vmem>> -> memref<1x80xi32, #tpu.memory_space<vmem>>
        %dma_start3A_175 = tpu.memref_squeeze %dma_start3A_174 : memref<1x80xi32, #tpu.memory_space<vmem>> -> memref<80xi32, #tpu.memory_space<vmem>>
        %dma_start3A_176 = arith.constant 0 : i32
        %dma_start3A_177 = arith.constant 0 : i32
        %dma_start3A_178 = tpu.memref_slice %arg2[%dma_start3A_176, %dma_start3A_177] : memref<10000x128xf32, #tpu.memory_space<hbm>> -> memref<10000x128xf32, #tpu.memory_space<hbm>>
        tpu.enqueue_indirect_dma source(%dma_start3A_178 : memref<10000x128xf32, #tpu.memory_space<hbm>>) target(%arg10 : memref<80x128xf32, #tpu.memory_space<vmem>>) offsets(%dma_start3A_175 : memref<80xi32, #tpu.memory_space<vmem>>) semaphore(%arg15 : memref<!tpu.dma_semaphore, #tpu.memory_space<semaphore_mem>>)
      } else {
      }
      %add3A_92 = arith.constant 2 : i32
      %add3A_93 = arith.addi %mul3A_41, %add3A_92 : i32
      %dma_wait3A_94 = arith.constant 0 : i32
      %dma_wait3A_95 = tpu.memref_slice %arg5[%add3A_93, %dma_wait3A_94] : memref<60x80xi32, #tpu.memory_space<vmem>> -> memref<1x80xi32, #tpu.memory_space<vmem>>
      %dma_wait3A_96 = tpu.memref_squeeze %dma_wait3A_95 : memref<1x80xi32, #tpu.memory_space<vmem>> -> memref<80xi32, #tpu.memory_space<vmem>>
      %dma_wait3A_97 = arith.constant 0 : i32
      %dma_wait3A_98 = arith.constant 0 : i32
      %dma_wait3A_99 = tpu.memref_slice %arg2[%dma_wait3A_97, %dma_wait3A_98] : memref<10000x128xf32, #tpu.memory_space<hbm>> -> memref<10000x128xf32, #tpu.memory_space<hbm>>
      tpu.wait_indirect_dma semaphore(%arg13 : memref<!tpu.dma_semaphore, #tpu.memory_space<semaphore_mem>>) src(%dma_wait3A_99 : memref<10000x128xf32, #tpu.memory_space<hbm>>) dst(%arg8 : memref<80x128xf32, #tpu.memory_space<vmem>>)
      %mul3A_100 = arith.constant 80 : i32
      %mul3A_101 = arith.muli %add3A_93, %mul3A_100 : i32
      %add3A_102 = arith.addi %mul3A_2, %mul3A_101 : i32
      %dma_start3A_103 = arith.constant 0 : i32
      %dma_start3A_104 = tpu.memref_slice %arg4[%add3A_102, %dma_start3A_103] : memref<153600x128xf32, #tpu.memory_space<hbm>> -> memref<80x128xf32, #tpu.memory_space<hbm>>
      %dma_start3A_105 = arith.constant 0 : i32
      %dma_start3A_106 = tpu.memref_slice %arg4[%add3A_102, %dma_start3A_105] : memref<153600x128xf32, #tpu.memory_space<hbm>> -> memref<80x128xf32, #tpu.memory_space<hbm>>
      tpu.enqueue_dma source(%arg8 : memref<80x128xf32, #tpu.memory_space<vmem>>) target(%dma_start3A_106 : memref<80x128xf32, #tpu.memory_space<hbm>>) target_semaphore(%arg18 : memref<!tpu.dma_semaphore, #tpu.memory_space<semaphore_mem>>)
      %add3A_107 = arith.constant 3 : i32
      %add3A_108 = arith.addi %add3A_93, %add3A_107 : i32
      %ge3A_109 = arith.constant 5 : i32
      %ge3A_110 = arith.cmpi sge, %add3A_108, %ge3A_109 : i32
      %convert_element_type3A_111 = arith.extui %ge3A_110 : i1 to i32
      %cond3A_112 = arith.constant 0 : i32
      %cond3A_113 = arith.cmpi ne, %convert_element_type3A_111, %cond3A_112 : i32
      scf.if %cond3A_113 {
        %sub3A = arith.constant 2 : i32
        %sub3A_173 = arith.subi %add3A_93, %sub3A : i32
        %mul3A_174 = arith.constant 80 : i32
        %mul3A_175 = arith.muli %sub3A_173, %mul3A_174 : i32
        %add3A_176 = arith.addi %mul3A_2, %mul3A_175 : i32
        %dma_wait3A_177 = arith.constant 0 : i32
        %dma_wait3A_178 = tpu.memref_slice %arg4[%add3A_176, %dma_wait3A_177] : memref<153600x128xf32, #tpu.memory_space<hbm>> -> memref<80x128xf32, #tpu.memory_space<hbm>>
        %dma_wait3A_179 = arith.constant 0 : i32
        %dma_wait3A_180 = tpu.memref_slice %arg4[%add3A_176, %dma_wait3A_179] : memref<153600x128xf32, #tpu.memory_space<hbm>> -> memref<80x128xf32, #tpu.memory_space<hbm>>
        tpu.wait_dma2 semaphore(%arg16 : memref<!tpu.dma_semaphore, #tpu.memory_space<semaphore_mem>>) src(%arg6 : memref<80x128xf32, #tpu.memory_space<vmem>>) dst(%dma_wait3A_180 : memref<80x128xf32, #tpu.memory_space<hbm>>)
      } else {
      }
      %lt3A_114 = arith.constant 60 : i32
      %lt3A_115 = arith.cmpi slt, %add3A_108, %lt3A_114 : i32
      %convert_element_type3A_116 = arith.extui %lt3A_115 : i1 to i32
      %cond3A_117 = arith.constant 0 : i32
      %cond3A_118 = arith.cmpi ne, %convert_element_type3A_116, %cond3A_117 : i32
      scf.if %cond3A_118 {
        %dma_start3A_173 = arith.constant 0 : i32
        %dma_start3A_174 = tpu.memref_slice %arg5[%add3A_108, %dma_start3A_173] : memref<60x80xi32, #tpu.memory_space<vmem>> -> memref<1x80xi32, #tpu.memory_space<vmem>>
        %dma_start3A_175 = tpu.memref_squeeze %dma_start3A_174 : memref<1x80xi32, #tpu.memory_space<vmem>> -> memref<80xi32, #tpu.memory_space<vmem>>
        %dma_start3A_176 = arith.constant 0 : i32
        %dma_start3A_177 = arith.constant 0 : i32
        %dma_start3A_178 = tpu.memref_slice %arg2[%dma_start3A_176, %dma_start3A_177] : memref<10000x128xf32, #tpu.memory_space<hbm>> -> memref<10000x128xf32, #tpu.memory_space<hbm>>
        tpu.enqueue_indirect_dma source(%dma_start3A_178 : memref<10000x128xf32, #tpu.memory_space<hbm>>) target(%arg6 : memref<80x128xf32, #tpu.memory_space<vmem>>) offsets(%dma_start3A_175 : memref<80xi32, #tpu.memory_space<vmem>>) semaphore(%arg11 : memref<!tpu.dma_semaphore, #tpu.memory_space<semaphore_mem>>)
      } else {
      }
      %add3A_119 = arith.constant 3 : i32
      %add3A_120 = arith.addi %mul3A_41, %add3A_119 : i32
      %dma_wait3A_121 = arith.constant 0 : i32
      %dma_wait3A_122 = tpu.memref_slice %arg5[%add3A_120, %dma_wait3A_121] : memref<60x80xi32, #tpu.memory_space<vmem>> -> memref<1x80xi32, #tpu.memory_space<vmem>>
      %dma_wait3A_123 = tpu.memref_squeeze %dma_wait3A_122 : memref<1x80xi32, #tpu.memory_space<vmem>> -> memref<80xi32, #tpu.memory_space<vmem>>
      %dma_wait3A_124 = arith.constant 0 : i32
      %dma_wait3A_125 = arith.constant 0 : i32
      %dma_wait3A_126 = tpu.memref_slice %arg2[%dma_wait3A_124, %dma_wait3A_125] : memref<10000x128xf32, #tpu.memory_space<hbm>> -> memref<10000x128xf32, #tpu.memory_space<hbm>>
      tpu.wait_indirect_dma semaphore(%arg14 : memref<!tpu.dma_semaphore, #tpu.memory_space<semaphore_mem>>) src(%dma_wait3A_126 : memref<10000x128xf32, #tpu.memory_space<hbm>>) dst(%arg9 : memref<80x128xf32, #tpu.memory_space<vmem>>)
      %mul3A_127 = arith.constant 80 : i32
      %mul3A_128 = arith.muli %add3A_120, %mul3A_127 : i32
      %add3A_129 = arith.addi %mul3A_2, %mul3A_128 : i32
      %dma_start3A_130 = arith.constant 0 : i32
      %dma_start3A_131 = tpu.memref_slice %arg4[%add3A_129, %dma_start3A_130] : memref<153600x128xf32, #tpu.memory_space<hbm>> -> memref<80x128xf32, #tpu.memory_space<hbm>>
      %dma_start3A_132 = arith.constant 0 : i32
      %dma_start3A_133 = tpu.memref_slice %arg4[%add3A_129, %dma_start3A_132] : memref<153600x128xf32, #tpu.memory_space<hbm>> -> memref<80x128xf32, #tpu.memory_space<hbm>>
      tpu.enqueue_dma source(%arg9 : memref<80x128xf32, #tpu.memory_space<vmem>>) target(%dma_start3A_133 : memref<80x128xf32, #tpu.memory_space<hbm>>) target_semaphore(%arg19 : memref<!tpu.dma_semaphore, #tpu.memory_space<semaphore_mem>>)
      %add3A_134 = arith.constant 3 : i32
      %add3A_135 = arith.addi %add3A_120, %add3A_134 : i32
      %ge3A_136 = arith.constant 5 : i32
      %ge3A_137 = arith.cmpi sge, %add3A_135, %ge3A_136 : i32
      %convert_element_type3A_138 = arith.extui %ge3A_137 : i1 to i32
      %cond3A_139 = arith.constant 0 : i32
      %cond3A_140 = arith.cmpi ne, %convert_element_type3A_138, %cond3A_139 : i32
      scf.if %cond3A_140 {
        %sub3A = arith.constant 2 : i32
        %sub3A_173 = arith.subi %add3A_120, %sub3A : i32
        %mul3A_174 = arith.constant 80 : i32
        %mul3A_175 = arith.muli %sub3A_173, %mul3A_174 : i32
        %add3A_176 = arith.addi %mul3A_2, %mul3A_175 : i32
        %dma_wait3A_177 = arith.constant 0 : i32
        %dma_wait3A_178 = tpu.memref_slice %arg4[%add3A_176, %dma_wait3A_177] : memref<153600x128xf32, #tpu.memory_space<hbm>> -> memref<80x128xf32, #tpu.memory_space<hbm>>
        %dma_wait3A_179 = arith.constant 0 : i32
        %dma_wait3A_180 = tpu.memref_slice %arg4[%add3A_176, %dma_wait3A_179] : memref<153600x128xf32, #tpu.memory_space<hbm>> -> memref<80x128xf32, #tpu.memory_space<hbm>>
        tpu.wait_dma2 semaphore(%arg17 : memref<!tpu.dma_semaphore, #tpu.memory_space<semaphore_mem>>) src(%arg7 : memref<80x128xf32, #tpu.memory_space<vmem>>) dst(%dma_wait3A_180 : memref<80x128xf32, #tpu.memory_space<hbm>>)
      } else {
      }
      %lt3A_141 = arith.constant 60 : i32
      %lt3A_142 = arith.cmpi slt, %add3A_135, %lt3A_141 : i32
      %convert_element_type3A_143 = arith.extui %lt3A_142 : i1 to i32
      %cond3A_144 = arith.constant 0 : i32
      %cond3A_145 = arith.cmpi ne, %convert_element_type3A_143, %cond3A_144 : i32
      scf.if %cond3A_145 {
        %dma_start3A_173 = arith.constant 0 : i32
        %dma_start3A_174 = tpu.memref_slice %arg5[%add3A_135, %dma_start3A_173] : memref<60x80xi32, #tpu.memory_space<vmem>> -> memref<1x80xi32, #tpu.memory_space<vmem>>
        %dma_start3A_175 = tpu.memref_squeeze %dma_start3A_174 : memref<1x80xi32, #tpu.memory_space<vmem>> -> memref<80xi32, #tpu.memory_space<vmem>>
        %dma_start3A_176 = arith.constant 0 : i32
        %dma_start3A_177 = arith.constant 0 : i32
        %dma_start3A_178 = tpu.memref_slice %arg2[%dma_start3A_176, %dma_start3A_177] : memref<10000x128xf32, #tpu.memory_space<hbm>> -> memref<10000x128xf32, #tpu.memory_space<hbm>>
        tpu.enqueue_indirect_dma source(%dma_start3A_178 : memref<10000x128xf32, #tpu.memory_space<hbm>>) target(%arg7 : memref<80x128xf32, #tpu.memory_space<vmem>>) offsets(%dma_start3A_175 : memref<80xi32, #tpu.memory_space<vmem>>) semaphore(%arg12 : memref<!tpu.dma_semaphore, #tpu.memory_space<semaphore_mem>>)
      } else {
      }
      %add3A_146 = arith.constant 4 : i32
      %add3A_147 = arith.addi %mul3A_41, %add3A_146 : i32
      %dma_wait3A_148 = arith.constant 0 : i32
      %dma_wait3A_149 = tpu.memref_slice %arg5[%add3A_147, %dma_wait3A_148] : memref<60x80xi32, #tpu.memory_space<vmem>> -> memref<1x80xi32, #tpu.memory_space<vmem>>
      %dma_wait3A_150 = tpu.memref_squeeze %dma_wait3A_149 : memref<1x80xi32, #tpu.memory_space<vmem>> -> memref<80xi32, #tpu.memory_space<vmem>>
      %dma_wait3A_151 = arith.constant 0 : i32
      %dma_wait3A_152 = arith.constant 0 : i32
      %dma_wait3A_153 = tpu.memref_slice %arg2[%dma_wait3A_151, %dma_wait3A_152] : memref<10000x128xf32, #tpu.memory_space<hbm>> -> memref<10000x128xf32, #tpu.memory_space<hbm>>
      tpu.wait_indirect_dma semaphore(%arg15 : memref<!tpu.dma_semaphore, #tpu.memory_space<semaphore_mem>>) src(%dma_wait3A_153 : memref<10000x128xf32, #tpu.memory_space<hbm>>) dst(%arg10 : memref<80x128xf32, #tpu.memory_space<vmem>>)
      %mul3A_154 = arith.constant 80 : i32
      %mul3A_155 = arith.muli %add3A_147, %mul3A_154 : i32
      %add3A_156 = arith.addi %mul3A_2, %mul3A_155 : i32
      %dma_start3A_157 = arith.constant 0 : i32
      %dma_start3A_158 = tpu.memref_slice %arg4[%add3A_156, %dma_start3A_157] : memref<153600x128xf32, #tpu.memory_space<hbm>> -> memref<80x128xf32, #tpu.memory_space<hbm>>
      %dma_start3A_159 = arith.constant 0 : i32
      %dma_start3A_160 = tpu.memref_slice %arg4[%add3A_156, %dma_start3A_159] : memref<153600x128xf32, #tpu.memory_space<hbm>> -> memref<80x128xf32, #tpu.memory_space<hbm>>
      tpu.enqueue_dma source(%arg10 : memref<80x128xf32, #tpu.memory_space<vmem>>) target(%dma_start3A_160 : memref<80x128xf32, #tpu.memory_space<hbm>>) target_semaphore(%arg20 : memref<!tpu.dma_semaphore, #tpu.memory_space<semaphore_mem>>)
      %add3A_161 = arith.constant 3 : i32
      %add3A_162 = arith.addi %add3A_147, %add3A_161 : i32
      %ge3A_163 = arith.constant 5 : i32
      %ge3A_164 = arith.cmpi sge, %add3A_162, %ge3A_163 : i32
      %convert_element_type3A_165 = arith.extui %ge3A_164 : i1 to i32
      %cond3A_166 = arith.constant 0 : i32
      %cond3A_167 = arith.cmpi ne, %convert_element_type3A_165, %cond3A_166 : i32
      scf.if %cond3A_167 {
        %sub3A = arith.constant 2 : i32
        %sub3A_173 = arith.subi %add3A_147, %sub3A : i32
        %mul3A_174 = arith.constant 80 : i32
        %mul3A_175 = arith.muli %sub3A_173, %mul3A_174 : i32
        %add3A_176 = arith.addi %mul3A_2, %mul3A_175 : i32
        %dma_wait3A_177 = arith.constant 0 : i32
        %dma_wait3A_178 = tpu.memref_slice %arg4[%add3A_176, %dma_wait3A_177] : memref<153600x128xf32, #tpu.memory_space<hbm>> -> memref<80x128xf32, #tpu.memory_space<hbm>>
        %dma_wait3A_179 = arith.constant 0 : i32
        %dma_wait3A_180 = tpu.memref_slice %arg4[%add3A_176, %dma_wait3A_179] : memref<153600x128xf32, #tpu.memory_space<hbm>> -> memref<80x128xf32, #tpu.memory_space<hbm>>
        tpu.wait_dma2 semaphore(%arg18 : memref<!tpu.dma_semaphore, #tpu.memory_space<semaphore_mem>>) src(%arg8 : memref<80x128xf32, #tpu.memory_space<vmem>>) dst(%dma_wait3A_180 : memref<80x128xf32, #tpu.memory_space<hbm>>)
      } else {
      }
      %lt3A_168 = arith.constant 60 : i32
      %lt3A_169 = arith.cmpi slt, %add3A_162, %lt3A_168 : i32
      %convert_element_type3A_170 = arith.extui %lt3A_169 : i1 to i32
      %cond3A_171 = arith.constant 0 : i32
      %cond3A_172 = arith.cmpi ne, %convert_element_type3A_170, %cond3A_171 : i32
      scf.if %cond3A_172 {
        %dma_start3A_173 = arith.constant 0 : i32
        %dma_start3A_174 = tpu.memref_slice %arg5[%add3A_162, %dma_start3A_173] : memref<60x80xi32, #tpu.memory_space<vmem>> -> memref<1x80xi32, #tpu.memory_space<vmem>>
        %dma_start3A_175 = tpu.memref_squeeze %dma_start3A_174 : memref<1x80xi32, #tpu.memory_space<vmem>> -> memref<80xi32, #tpu.memory_space<vmem>>
        %dma_start3A_176 = arith.constant 0 : i32
        %dma_start3A_177 = arith.constant 0 : i32
        %dma_start3A_178 = tpu.memref_slice %arg2[%dma_start3A_176, %dma_start3A_177] : memref<10000x128xf32, #tpu.memory_space<hbm>> -> memref<10000x128xf32, #tpu.memory_space<hbm>>
        tpu.enqueue_indirect_dma source(%dma_start3A_178 : memref<10000x128xf32, #tpu.memory_space<hbm>>) target(%arg8 : memref<80x128xf32, #tpu.memory_space<vmem>>) offsets(%dma_start3A_175 : memref<80xi32, #tpu.memory_space<vmem>>) semaphore(%arg13 : memref<!tpu.dma_semaphore, #tpu.memory_space<semaphore_mem>>)
      } else {
      }
    }
    %scan3A_27 = arith.constant 12 : i32
    %add3A_28 = arith.constant 4640 : i32
    %add3A_29 = arith.addi %mul3A_2, %add3A_28 : i32
    %dma_wait3A = arith.constant 0 : i32
    %dma_wait3A_30 = tpu.memref_slice %arg4[%add3A_29, %dma_wait3A] : memref<153600x128xf32, #tpu.memory_space<hbm>> -> memref<80x128xf32, #tpu.memory_space<hbm>>
    %dma_wait3A_31 = arith.constant 0 : i32
    %dma_wait3A_32 = tpu.memref_slice %arg4[%add3A_29, %dma_wait3A_31] : memref<153600x128xf32, #tpu.memory_space<hbm>> -> memref<80x128xf32, #tpu.memory_space<hbm>>
    tpu.wait_dma2 semaphore(%arg19 : memref<!tpu.dma_semaphore, #tpu.memory_space<semaphore_mem>>) src(%arg9 : memref<80x128xf32, #tpu.memory_space<vmem>>) dst(%dma_wait3A_32 : memref<80x128xf32, #tpu.memory_space<hbm>>)
    %add3A_33 = arith.constant 4720 : i32
    %add3A_34 = arith.addi %mul3A_2, %add3A_33 : i32
    %dma_wait3A_35 = arith.constant 0 : i32
    %dma_wait3A_36 = tpu.memref_slice %arg4[%add3A_34, %dma_wait3A_35] : memref<153600x128xf32, #tpu.memory_space<hbm>> -> memref<80x128xf32, #tpu.memory_space<hbm>>
    %dma_wait3A_37 = arith.constant 0 : i32
    %dma_wait3A_38 = tpu.memref_slice %arg4[%add3A_34, %dma_wait3A_37] : memref<153600x128xf32, #tpu.memory_space<hbm>> -> memref<80x128xf32, #tpu.memory_space<hbm>>
    tpu.wait_dma2 semaphore(%arg20 : memref<!tpu.dma_semaphore, #tpu.memory_space<semaphore_mem>>) src(%arg10 : memref<80x128xf32, #tpu.memory_space<vmem>>) dst(%dma_wait3A_38 : memref<80x128xf32, #tpu.memory_space<hbm>>)
    return
  }
}

module attributes {stable_mosaic.version = 14 : i64} {
  func.func @_pre_body(%arg0: i32, %arg1: memref<400x128xf32, #tpu.memory_space<vmem>>, %arg2: memref<256x128xf32, #tpu.memory_space<vmem>>, %arg3: memref<1x128xf32, #tpu.memory_space<vmem>>, %arg4: memref<400x128xf32, #tpu.memory_space<vmem>>, %arg5: memref<400x128xf32, #tpu.memory_space<vmem>>) attributes {dimension_semantics = [#tpu.dimension_semantics<arbitrary>], iteration_bounds = array<i64: 25>, scalar_prefetch = 0 : i64, scratch_operands = 0 : i64, tpu.core_type = #tpu.core_type<tc>, window_params = [{transform_indices = @transform_0, window_bounds = array<i64: 400, 128>}, {pipeline_mode = #tpu.pipeline_mode<synchronous>, transform_indices = @transform_1, window_bounds = array<i64: 256, 128>}, {pipeline_mode = #tpu.pipeline_mode<synchronous>, transform_indices = @transform_2, window_bounds = array<i64: 1, 128>}, {transform_indices = @transform_3, window_bounds = array<i64: 400, 128>}, {transform_indices = @transform_4, window_bounds = array<i64: 400, 128>}]} {
    %get3A = arith.constant 0 : index
    %get3A_0 = arith.constant 0 : index
    %get3A_1 = vector.load %arg1[%get3A, %get3A_0] : memref<400x128xf32, #tpu.memory_space<vmem>>, vector<400x128xf32>
    %get3A_2 = arith.constant 0 : index
    %get3A_3 = arith.constant 0 : index
    %get3A_4 = vector.load %arg2[%get3A_2, %get3A_3] : memref<256x128xf32, #tpu.memory_space<vmem>>, vector<128x128xf32>
    %get3A_5 = arith.constant 128 : index
    %get3A_6 = arith.constant 0 : index
    %get3A_7 = vector.load %arg2[%get3A_5, %get3A_6] : memref<256x128xf32, #tpu.memory_space<vmem>>, vector<128x128xf32>
    %dot_general3A = arith.constant dense<0.000000e+00> : vector<400x128xf32>
    %dot_general3A_8 = tpu.matmul %get3A_1, %get3A_7, %dot_general3A {dimension_numbers = #tpu.dot_dimension_numbers<[1], [0], [0], [1], [0, 0, 1, 1], [], []>, precision = #tpu.contract_precision<fp32>, transpose_lhs_hint = false} : vector<400x128xf32>, vector<128x128xf32>, vector<400x128xf32> -> vector<400x128xf32>
    %swap3A = arith.constant 0 : index
    %swap3A_9 = arith.constant 0 : index
    %swap3A_10 = vector.load %arg4[%swap3A, %swap3A_9] : memref<400x128xf32, #tpu.memory_space<vmem>>, vector<400x128xf32>
    tpu.vector_store %arg4[%swap3A, %swap3A_9], %dot_general3A_8 {strides = array<i32>} : memref<400x128xf32, #tpu.memory_space<vmem>>, vector<400x128xf32>,
    %sub3A = arith.subf %get3A_4, %get3A_7 : vector<128x128xf32>
    %dot_general3A_11 = arith.constant dense<0.000000e+00> : vector<400x128xf32>
    %dot_general3A_12 = tpu.matmul %get3A_1, %sub3A, %dot_general3A_11 {dimension_numbers = #tpu.dot_dimension_numbers<[1], [0], [0], [1], [0, 0, 1, 1], [], []>, precision = #tpu.contract_precision<fp32>, transpose_lhs_hint = false} : vector<400x128xf32>, vector<128x128xf32>, vector<400x128xf32> -> vector<400x128xf32>
    %get3A_13 = arith.constant 0 : index
    %get3A_14 = arith.constant 0 : index
    %get3A_15 = vector.load %arg3[%get3A_13, %get3A_14] : memref<1x128xf32, #tpu.memory_space<vmem>>, vector<1x128xf32>
    %add3A = vector.broadcast %get3A_15 : vector<1x128xf32> to vector<400x128xf32>
    %add3A_16 = arith.addf %dot_general3A_12, %add3A : vector<400x128xf32>
    %swap3A_17 = arith.constant 0 : index
    %swap3A_18 = arith.constant 0 : index
    %swap3A_19 = vector.load %arg5[%swap3A_17, %swap3A_18] : memref<400x128xf32, #tpu.memory_space<vmem>>, vector<400x128xf32>
    tpu.vector_store %arg5[%swap3A_17, %swap3A_18], %add3A_16 {strides = array<i32>} : memref<400x128xf32, #tpu.memory_space<vmem>>, vector<400x128xf32>,
    return
  }
  func.func @transform_0(%arg0: i32) -> (i32, i32) {
    %c0_i32 = arith.constant 0 : i32
    %c0_i32_0 = arith.constant 0 : i32
    return %arg0, %c0_i32 : i32, i32
  }
  func.func @transform_1(%arg0: i32) -> (i32, i32) {
    %c0_i32 = arith.constant 0 : i32
    %c0_i32_0 = arith.constant 0 : i32
    %c0_i32_1 = arith.constant 0 : i32
    return %c0_i32, %c0_i32_0 : i32, i32
  }
  func.func @transform_2(%arg0: i32) -> (i32, i32) {
    %c0_i32 = arith.constant 0 : i32
    %c0_i32_0 = arith.constant 0 : i32
    %c0_i32_1 = arith.constant 0 : i32
    return %c0_i32, %c0_i32_0 : i32, i32
  }
  func.func @transform_3(%arg0: i32) -> (i32, i32) {
    %c0_i32 = arith.constant 0 : i32
    %c0_i32_0 = arith.constant 0 : i32
    return %arg0, %c0_i32 : i32, i32
  }
  func.func @transform_4(%arg0: i32) -> (i32, i32) {
    %c0_i32 = arith.constant 0 : i32
    %c0_i32_0 = arith.constant 0 : i32
    return %arg0, %c0_i32 : i32, i32
  }
}

module attributes {stable_mosaic.version = 14 : i64} {
  func.func @_main_body(%arg0: i32, %arg1: memref<32x400x128xf32, #tpu.memory_space<vmem>>, %arg2: memref<400x128xf32, #tpu.memory_space<vmem>>, %arg3: memref<400x128xf32, #tpu.memory_space<vmem>>, %arg4: memref<128x128xf32, #tpu.memory_space<vmem>>, %arg5: memref<1x128xf32, #tpu.memory_space<vmem>>, %arg6: memref<1x128xf32, #tpu.memory_space<vmem>>, %arg7: memref<1x128xf32, #tpu.memory_space<vmem>>, %arg8: memref<400x128xf32, #tpu.memory_space<vmem>>) attributes {dimension_semantics = [#tpu.dimension_semantics<arbitrary>], iteration_bounds = array<i64: 13>, scalar_prefetch = 0 : i64, scratch_operands = 0 : i64, tpu.core_type = #tpu.core_type<tc>, window_params = [{transform_indices = @transform_0, window_bounds = array<i64: 32, 400, 128>}, {transform_indices = @transform_1, window_bounds = array<i64: 400, 128>}, {transform_indices = @transform_2, window_bounds = array<i64: 400, 128>}, {pipeline_mode = #tpu.pipeline_mode<synchronous>, transform_indices = @transform_3, window_bounds = array<i64: 128, 128>}, {pipeline_mode = #tpu.pipeline_mode<synchronous>, transform_indices = @transform_4, window_bounds = array<i64: 1, 128>}, {pipeline_mode = #tpu.pipeline_mode<synchronous>, transform_indices = @transform_5, window_bounds = array<i64: 1, 128>}, {pipeline_mode = #tpu.pipeline_mode<synchronous>, transform_indices = @transform_6, window_bounds = array<i64: 1, 128>}, {transform_indices = @transform_7, window_bounds = array<i64: 400, 128>}]} {
    %get3A = arith.constant 0 : index
    %get3A_0 = arith.constant 0 : index
    %get3A_1 = vector.load %arg2[%get3A, %get3A_0] : memref<400x128xf32, #tpu.memory_space<vmem>>, vector<400x128xf32>
    %get3A_2 = arith.constant 0 : index
    %get3A_3 = arith.constant 0 : index
    %get3A_4 = vector.load %arg4[%get3A_2, %get3A_3] : memref<128x128xf32, #tpu.memory_space<vmem>>, vector<128x128xf32>
    %get3A_5 = arith.constant 0 : index
    %get3A_6 = arith.constant 0 : index
    %get3A_7 = arith.constant 0 : index
    %get3A_8 = vector.load %arg1[%get3A_5, %get3A_6, %get3A_7] : memref<32x400x128xf32, #tpu.memory_space<vmem>>, vector<1x400x128xf32>
    %get3A_9 = vector.shape_cast %get3A_8 : vector<1x400x128xf32> to vector<400x128xf32>
    %add3A = arith.addf %get3A_1, %get3A_9 : vector<400x128xf32>
    %mul3A = arith.constant 5.000000e-01 : f32
    %mul3A_10 = vector.broadcast %mul3A : f32 to vector<400x128xf32>
    %mul3A_11 = arith.mulf %mul3A_10, %add3A : vector<400x128xf32>
    %mul3A_12 = arith.constant 0.707106769 : f32
    %mul3A_13 = vector.broadcast %mul3A_12 : f32 to vector<400x128xf32>
    %mul3A_14 = arith.mulf %add3A, %mul3A_13 : vector<400x128xf32>
    %erf3A = math.erf %mul3A_14 : vector<400x128xf32>
    %add3A_15 = arith.constant 1.000000e+00 : f32
    %add3A_16 = vector.broadcast %add3A_15 : f32 to vector<400x128xf32>
    %add3A_17 = arith.addf %add3A_16, %erf3A : vector<400x128xf32>
    %mul3A_18 = arith.mulf %mul3A_11, %add3A_17 : vector<400x128xf32>
    %dot_general3A = arith.constant dense<0.000000e+00> : vector<400x128xf32>
    %dot_general3A_19 = tpu.matmul %mul3A_18, %get3A_4, %dot_general3A {dimension_numbers = #tpu.dot_dimension_numbers<[1], [0], [0], [1], [0, 0, 1, 1], [], []>, transpose_lhs_hint = false} : vector<400x128xf32>, vector<128x128xf32>, vector<400x128xf32> -> vector<400x128xf32>
    %get3A_20 = arith.constant 1 : index
    %get3A_21 = arith.constant 0 : index
    %get3A_22 = arith.constant 0 : index
    %get3A_23 = vector.load %arg1[%get3A_20, %get3A_21, %get3A_22] : memref<32x400x128xf32, #tpu.memory_space<vmem>>, vector<1x400x128xf32>
    %get3A_24 = vector.shape_cast %get3A_23 : vector<1x400x128xf32> to vector<400x128xf32>
    %add3A_25 = arith.addf %get3A_1, %get3A_24 : vector<400x128xf32>
    %mul3A_26 = arith.constant 5.000000e-01 : f32
    %mul3A_27 = vector.broadcast %mul3A_26 : f32 to vector<400x128xf32>
    %mul3A_28 = arith.mulf %mul3A_27, %add3A_25 : vector<400x128xf32>
    %mul3A_29 = arith.constant 0.707106769 : f32
    %mul3A_30 = vector.broadcast %mul3A_29 : f32 to vector<400x128xf32>
    %mul3A_31 = arith.mulf %add3A_25, %mul3A_30 : vector<400x128xf32>
    %erf3A_32 = math.erf %mul3A_31 : vector<400x128xf32>
    %add3A_33 = arith.constant 1.000000e+00 : f32
    %add3A_34 = vector.broadcast %add3A_33 : f32 to vector<400x128xf32>
    %add3A_35 = arith.addf %add3A_34, %erf3A_32 : vector<400x128xf32>
    %mul3A_36 = arith.mulf %mul3A_28, %add3A_35 : vector<400x128xf32>
    %dot_general3A_37 = arith.constant dense<0.000000e+00> : vector<400x128xf32>
    %dot_general3A_38 = tpu.matmul %mul3A_36, %get3A_4, %dot_general3A_37 {dimension_numbers = #tpu.dot_dimension_numbers<[1], [0], [0], [1], [0, 0, 1, 1], [], []>, transpose_lhs_hint = false} : vector<400x128xf32>, vector<128x128xf32>, vector<400x128xf32> -> vector<400x128xf32>
    %max3A = arith.maximumf %dot_general3A_19, %dot_general3A_38 : vector<400x128xf32>
    %get3A_39 = arith.constant 2 : index
    %get3A_40 = arith.constant 0 : index
    %get3A_41 = arith.constant 0 : index
    %get3A_42 = vector.load %arg1[%get3A_39, %get3A_40, %get3A_41] : memref<32x400x128xf32, #tpu.memory_space<vmem>>, vector<1x400x128xf32>
    %get3A_43 = vector.shape_cast %get3A_42 : vector<1x400x128xf32> to vector<400x128xf32>
    %add3A_44 = arith.addf %get3A_1, %get3A_43 : vector<400x128xf32>
    %mul3A_45 = arith.constant 5.000000e-01 : f32
    %mul3A_46 = vector.broadcast %mul3A_45 : f32 to vector<400x128xf32>
    %mul3A_47 = arith.mulf %mul3A_46, %add3A_44 : vector<400x128xf32>
    %mul3A_48 = arith.constant 0.707106769 : f32
    %mul3A_49 = vector.broadcast %mul3A_48 : f32 to vector<400x128xf32>
    %mul3A_50 = arith.mulf %add3A_44, %mul3A_49 : vector<400x128xf32>
    %erf3A_51 = math.erf %mul3A_50 : vector<400x128xf32>
    %add3A_52 = arith.constant 1.000000e+00 : f32
    %add3A_53 = vector.broadcast %add3A_52 : f32 to vector<400x128xf32>
    %add3A_54 = arith.addf %add3A_53, %erf3A_51 : vector<400x128xf32>
    %mul3A_55 = arith.mulf %mul3A_47, %add3A_54 : vector<400x128xf32>
    %dot_general3A_56 = arith.constant dense<0.000000e+00> : vector<400x128xf32>
    %dot_general3A_57 = tpu.matmul %mul3A_55, %get3A_4, %dot_general3A_56 {dimension_numbers = #tpu.dot_dimension_numbers<[1], [0], [0], [1], [0, 0, 1, 1], [], []>, transpose_lhs_hint = false} : vector<400x128xf32>, vector<128x128xf32>, vector<400x128xf32> -> vector<400x128xf32>
    %max3A_58 = arith.maximumf %max3A, %dot_general3A_57 : vector<400x128xf32>
    %get3A_59 = arith.constant 3 : index
    %get3A_60 = arith.constant 0 : index
    %get3A_61 = arith.constant 0 : index
    %get3A_62 = vector.load %arg1[%get3A_59, %get3A_60, %get3A_61] : memref<32x400x128xf32, #tpu.memory_space<vmem>>, vector<1x400x128xf32>
    %get3A_63 = vector.shape_cast %get3A_62 : vector<1x400x128xf32> to vector<400x128xf32>
    %add3A_64 = arith.addf %get3A_1, %get3A_63 : vector<400x128xf32>
    %mul3A_65 = arith.constant 5.000000e-01 : f32
    %mul3A_66 = vector.broadcast %mul3A_65 : f32 to vector<400x128xf32>
    %mul3A_67 = arith.mulf %mul3A_66, %add3A_64 : vector<400x128xf32>
    %mul3A_68 = arith.constant 0.707106769 : f32
    %mul3A_69 = vector.broadcast %mul3A_68 : f32 to vector<400x128xf32>
    %mul3A_70 = arith.mulf %add3A_64, %mul3A_69 : vector<400x128xf32>
    %erf3A_71 = math.erf %mul3A_70 : vector<400x128xf32>
    %add3A_72 = arith.constant 1.000000e+00 : f32
    %add3A_73 = vector.broadcast %add3A_72 : f32 to vector<400x128xf32>
    %add3A_74 = arith.addf %add3A_73, %erf3A_71 : vector<400x128xf32>
    %mul3A_75 = arith.mulf %mul3A_67, %add3A_74 : vector<400x128xf32>
    %dot_general3A_76 = arith.constant dense<0.000000e+00> : vector<400x128xf32>
    %dot_general3A_77 = tpu.matmul %mul3A_75, %get3A_4, %dot_general3A_76 {dimension_numbers = #tpu.dot_dimension_numbers<[1], [0], [0], [1], [0, 0, 1, 1], [], []>, transpose_lhs_hint = false} : vector<400x128xf32>, vector<128x128xf32>, vector<400x128xf32> -> vector<400x128xf32>
    %max3A_78 = arith.maximumf %max3A_58, %dot_general3A_77 : vector<400x128xf32>
    %get3A_79 = arith.constant 4 : index
    %get3A_80 = arith.constant 0 : index
    %get3A_81 = arith.constant 0 : index
    %get3A_82 = vector.load %arg1[%get3A_79, %get3A_80, %get3A_81] : memref<32x400x128xf32, #tpu.memory_space<vmem>>, vector<1x400x128xf32>
    %get3A_83 = vector.shape_cast %get3A_82 : vector<1x400x128xf32> to vector<400x128xf32>
    %add3A_84 = arith.addf %get3A_1, %get3A_83 : vector<400x128xf32>
    %mul3A_85 = arith.constant 5.000000e-01 : f32
    %mul3A_86 = vector.broadcast %mul3A_85 : f32 to vector<400x128xf32>
    %mul3A_87 = arith.mulf %mul3A_86, %add3A_84 : vector<400x128xf32>
    %mul3A_88 = arith.constant 0.707106769 : f32
    %mul3A_89 = vector.broadcast %mul3A_88 : f32 to vector<400x128xf32>
    %mul3A_90 = arith.mulf %add3A_84, %mul3A_89 : vector<400x128xf32>
    %erf3A_91 = math.erf %mul3A_90 : vector<400x128xf32>
    %add3A_92 = arith.constant 1.000000e+00 : f32
    %add3A_93 = vector.broadcast %add3A_92 : f32 to vector<400x128xf32>
    %add3A_94 = arith.addf %add3A_93, %erf3A_91 : vector<400x128xf32>
    %mul3A_95 = arith.mulf %mul3A_87, %add3A_94 : vector<400x128xf32>
    %dot_general3A_96 = arith.constant dense<0.000000e+00> : vector<400x128xf32>
    %dot_general3A_97 = tpu.matmul %mul3A_95, %get3A_4, %dot_general3A_96 {dimension_numbers = #tpu.dot_dimension_numbers<[1], [0], [0], [1], [0, 0, 1, 1], [], []>, transpose_lhs_hint = false} : vector<400x128xf32>, vector<128x128xf32>, vector<400x128xf32> -> vector<400x128xf32>
    %max3A_98 = arith.maximumf %max3A_78, %dot_general3A_97 : vector<400x128xf32>
    %get3A_99 = arith.constant 5 : index
    %get3A_100 = arith.constant 0 : index
    %get3A_101 = arith.constant 0 : index
    %get3A_102 = vector.load %arg1[%get3A_99, %get3A_100, %get3A_101] : memref<32x400x128xf32, #tpu.memory_space<vmem>>, vector<1x400x128xf32>
    %get3A_103 = vector.shape_cast %get3A_102 : vector<1x400x128xf32> to vector<400x128xf32>
    %add3A_104 = arith.addf %get3A_1, %get3A_103 : vector<400x128xf32>
    %mul3A_105 = arith.constant 5.000000e-01 : f32
    %mul3A_106 = vector.broadcast %mul3A_105 : f32 to vector<400x128xf32>
    %mul3A_107 = arith.mulf %mul3A_106, %add3A_104 : vector<400x128xf32>
    %mul3A_108 = arith.constant 0.707106769 : f32
    %mul3A_109 = vector.broadcast %mul3A_108 : f32 to vector<400x128xf32>
    %mul3A_110 = arith.mulf %add3A_104, %mul3A_109 : vector<400x128xf32>
    %erf3A_111 = math.erf %mul3A_110 : vector<400x128xf32>
    %add3A_112 = arith.constant 1.000000e+00 : f32
    %add3A_113 = vector.broadcast %add3A_112 : f32 to vector<400x128xf32>
    %add3A_114 = arith.addf %add3A_113, %erf3A_111 : vector<400x128xf32>
    %mul3A_115 = arith.mulf %mul3A_107, %add3A_114 : vector<400x128xf32>
    %dot_general3A_116 = arith.constant dense<0.000000e+00> : vector<400x128xf32>
    %dot_general3A_117 = tpu.matmul %mul3A_115, %get3A_4, %dot_general3A_116 {dimension_numbers = #tpu.dot_dimension_numbers<[1], [0], [0], [1], [0, 0, 1, 1], [], []>, transpose_lhs_hint = false} : vector<400x128xf32>, vector<128x128xf32>, vector<400x128xf32> -> vector<400x128xf32>
    %max3A_118 = arith.maximumf %max3A_98, %dot_general3A_117 : vector<400x128xf32>
    %get3A_119 = arith.constant 6 : index
    %get3A_120 = arith.constant 0 : index
    %get3A_121 = arith.constant 0 : index
    %get3A_122 = vector.load %arg1[%get3A_119, %get3A_120, %get3A_121] : memref<32x400x128xf32, #tpu.memory_space<vmem>>, vector<1x400x128xf32>
    %get3A_123 = vector.shape_cast %get3A_122 : vector<1x400x128xf32> to vector<400x128xf32>
    %add3A_124 = arith.addf %get3A_1, %get3A_123 : vector<400x128xf32>
    %mul3A_125 = arith.constant 5.000000e-01 : f32
    %mul3A_126 = vector.broadcast %mul3A_125 : f32 to vector<400x128xf32>
    %mul3A_127 = arith.mulf %mul3A_126, %add3A_124 : vector<400x128xf32>
    %mul3A_128 = arith.constant 0.707106769 : f32
    %mul3A_129 = vector.broadcast %mul3A_128 : f32 to vector<400x128xf32>
    %mul3A_130 = arith.mulf %add3A_124, %mul3A_129 : vector<400x128xf32>
    %erf3A_131 = math.erf %mul3A_130 : vector<400x128xf32>
    %add3A_132 = arith.constant 1.000000e+00 : f32
    %add3A_133 = vector.broadcast %add3A_132 : f32 to vector<400x128xf32>
    %add3A_134 = arith.addf %add3A_133, %erf3A_131 : vector<400x128xf32>
    %mul3A_135 = arith.mulf %mul3A_127, %add3A_134 : vector<400x128xf32>
    %dot_general3A_136 = arith.constant dense<0.000000e+00> : vector<400x128xf32>
    %dot_general3A_137 = tpu.matmul %mul3A_135, %get3A_4, %dot_general3A_136 {dimension_numbers = #tpu.dot_dimension_numbers<[1], [0], [0], [1], [0, 0, 1, 1], [], []>, transpose_lhs_hint = false} : vector<400x128xf32>, vector<128x128xf32>, vector<400x128xf32> -> vector<400x128xf32>
    %max3A_138 = arith.maximumf %max3A_118, %dot_general3A_137 : vector<400x128xf32>
    %get3A_139 = arith.constant 7 : index
    %get3A_140 = arith.constant 0 : index
    %get3A_141 = arith.constant 0 : index
    %get3A_142 = vector.load %arg1[%get3A_139, %get3A_140, %get3A_141] : memref<32x400x128xf32, #tpu.memory_space<vmem>>, vector<1x400x128xf32>
    %get3A_143 = vector.shape_cast %get3A_142 : vector<1x400x128xf32> to vector<400x128xf32>
    %add3A_144 = arith.addf %get3A_1, %get3A_143 : vector<400x128xf32>
    %mul3A_145 = arith.constant 5.000000e-01 : f32
    %mul3A_146 = vector.broadcast %mul3A_145 : f32 to vector<400x128xf32>
    %mul3A_147 = arith.mulf %mul3A_146, %add3A_144 : vector<400x128xf32>
    %mul3A_148 = arith.constant 0.707106769 : f32
    %mul3A_149 = vector.broadcast %mul3A_148 : f32 to vector<400x128xf32>
    %mul3A_150 = arith.mulf %add3A_144, %mul3A_149 : vector<400x128xf32>
    %erf3A_151 = math.erf %mul3A_150 : vector<400x128xf32>
    %add3A_152 = arith.constant 1.000000e+00 : f32
    %add3A_153 = vector.broadcast %add3A_152 : f32 to vector<400x128xf32>
    %add3A_154 = arith.addf %add3A_153, %erf3A_151 : vector<400x128xf32>
    %mul3A_155 = arith.mulf %mul3A_147, %add3A_154 : vector<400x128xf32>
    %dot_general3A_156 = arith.constant dense<0.000000e+00> : vector<400x128xf32>
    %dot_general3A_157 = tpu.matmul %mul3A_155, %get3A_4, %dot_general3A_156 {dimension_numbers = #tpu.dot_dimension_numbers<[1], [0], [0], [1], [0, 0, 1, 1], [], []>, transpose_lhs_hint = false} : vector<400x128xf32>, vector<128x128xf32>, vector<400x128xf32> -> vector<400x128xf32>
    %max3A_158 = arith.maximumf %max3A_138, %dot_general3A_157 : vector<400x128xf32>
    %get3A_159 = arith.constant 8 : index
    %get3A_160 = arith.constant 0 : index
    %get3A_161 = arith.constant 0 : index
    %get3A_162 = vector.load %arg1[%get3A_159, %get3A_160, %get3A_161] : memref<32x400x128xf32, #tpu.memory_space<vmem>>, vector<1x400x128xf32>
    %get3A_163 = vector.shape_cast %get3A_162 : vector<1x400x128xf32> to vector<400x128xf32>
    %add3A_164 = arith.addf %get3A_1, %get3A_163 : vector<400x128xf32>
    %mul3A_165 = arith.constant 5.000000e-01 : f32
    %mul3A_166 = vector.broadcast %mul3A_165 : f32 to vector<400x128xf32>
    %mul3A_167 = arith.mulf %mul3A_166, %add3A_164 : vector<400x128xf32>
    %mul3A_168 = arith.constant 0.707106769 : f32
    %mul3A_169 = vector.broadcast %mul3A_168 : f32 to vector<400x128xf32>
    %mul3A_170 = arith.mulf %add3A_164, %mul3A_169 : vector<400x128xf32>
    %erf3A_171 = math.erf %mul3A_170 : vector<400x128xf32>
    %add3A_172 = arith.constant 1.000000e+00 : f32
    %add3A_173 = vector.broadcast %add3A_172 : f32 to vector<400x128xf32>
    %add3A_174 = arith.addf %add3A_173, %erf3A_171 : vector<400x128xf32>
    %mul3A_175 = arith.mulf %mul3A_167, %add3A_174 : vector<400x128xf32>
    %dot_general3A_176 = arith.constant dense<0.000000e+00> : vector<400x128xf32>
    %dot_general3A_177 = tpu.matmul %mul3A_175, %get3A_4, %dot_general3A_176 {dimension_numbers = #tpu.dot_dimension_numbers<[1], [0], [0], [1], [0, 0, 1, 1], [], []>, transpose_lhs_hint = false} : vector<400x128xf32>, vector<128x128xf32>, vector<400x128xf32> -> vector<400x128xf32>
    %max3A_178 = arith.maximumf %max3A_158, %dot_general3A_177 : vector<400x128xf32>
    %get3A_179 = arith.constant 9 : index
    %get3A_180 = arith.constant 0 : index
    %get3A_181 = arith.constant 0 : index
    %get3A_182 = vector.load %arg1[%get3A_179, %get3A_180, %get3A_181] : memref<32x400x128xf32, #tpu.memory_space<vmem>>, vector<1x400x128xf32>
    %get3A_183 = vector.shape_cast %get3A_182 : vector<1x400x128xf32> to vector<400x128xf32>
    %add3A_184 = arith.addf %get3A_1, %get3A_183 : vector<400x128xf32>
    %mul3A_185 = arith.constant 5.000000e-01 : f32
    %mul3A_186 = vector.broadcast %mul3A_185 : f32 to vector<400x128xf32>
    %mul3A_187 = arith.mulf %mul3A_186, %add3A_184 : vector<400x128xf32>
    %mul3A_188 = arith.constant 0.707106769 : f32
    %mul3A_189 = vector.broadcast %mul3A_188 : f32 to vector<400x128xf32>
    %mul3A_190 = arith.mulf %add3A_184, %mul3A_189 : vector<400x128xf32>
    %erf3A_191 = math.erf %mul3A_190 : vector<400x128xf32>
    %add3A_192 = arith.constant 1.000000e+00 : f32
    %add3A_193 = vector.broadcast %add3A_192 : f32 to vector<400x128xf32>
    %add3A_194 = arith.addf %add3A_193, %erf3A_191 : vector<400x128xf32>
    %mul3A_195 = arith.mulf %mul3A_187, %add3A_194 : vector<400x128xf32>
    %dot_general3A_196 = arith.constant dense<0.000000e+00> : vector<400x128xf32>
    %dot_general3A_197 = tpu.matmul %mul3A_195, %get3A_4, %dot_general3A_196 {dimension_numbers = #tpu.dot_dimension_numbers<[1], [0], [0], [1], [0, 0, 1, 1], [], []>, transpose_lhs_hint = false} : vector<400x128xf32>, vector<128x128xf32>, vector<400x128xf32> -> vector<400x128xf32>
    %max3A_198 = arith.maximumf %max3A_178, %dot_general3A_197 : vector<400x128xf32>
    %get3A_199 = arith.constant 10 : index
    %get3A_200 = arith.constant 0 : index
    %get3A_201 = arith.constant 0 : index
    %get3A_202 = vector.load %arg1[%get3A_199, %get3A_200, %get3A_201] : memref<32x400x128xf32, #tpu.memory_space<vmem>>, vector<1x400x128xf32>
    %get3A_203 = vector.shape_cast %get3A_202 : vector<1x400x128xf32> to vector<400x128xf32>
    %add3A_204 = arith.addf %get3A_1, %get3A_203 : vector<400x128xf32>
    %mul3A_205 = arith.constant 5.000000e-01 : f32
    %mul3A_206 = vector.broadcast %mul3A_205 : f32 to vector<400x128xf32>
    %mul3A_207 = arith.mulf %mul3A_206, %add3A_204 : vector<400x128xf32>
    %mul3A_208 = arith.constant 0.707106769 : f32
    %mul3A_209 = vector.broadcast %mul3A_208 : f32 to vector<400x128xf32>
    %mul3A_210 = arith.mulf %add3A_204, %mul3A_209 : vector<400x128xf32>
    %erf3A_211 = math.erf %mul3A_210 : vector<400x128xf32>
    %add3A_212 = arith.constant 1.000000e+00 : f32
    %add3A_213 = vector.broadcast %add3A_212 : f32 to vector<400x128xf32>
    %add3A_214 = arith.addf %add3A_213, %erf3A_211 : vector<400x128xf32>
    %mul3A_215 = arith.mulf %mul3A_207, %add3A_214 : vector<400x128xf32>
    %dot_general3A_216 = arith.constant dense<0.000000e+00> : vector<400x128xf32>
    %dot_general3A_217 = tpu.matmul %mul3A_215, %get3A_4, %dot_general3A_216 {dimension_numbers = #tpu.dot_dimension_numbers<[1], [0], [0], [1], [0, 0, 1, 1], [], []>, transpose_lhs_hint = false} : vector<400x128xf32>, vector<128x128xf32>, vector<400x128xf32> -> vector<400x128xf32>
    %max3A_218 = arith.maximumf %max3A_198, %dot_general3A_217 : vector<400x128xf32>
    %get3A_219 = arith.constant 11 : index
    %get3A_220 = arith.constant 0 : index
    %get3A_221 = arith.constant 0 : index
    %get3A_222 = vector.load %arg1[%get3A_219, %get3A_220, %get3A_221] : memref<32x400x128xf32, #tpu.memory_space<vmem>>, vector<1x400x128xf32>
    %get3A_223 = vector.shape_cast %get3A_222 : vector<1x400x128xf32> to vector<400x128xf32>
    %add3A_224 = arith.addf %get3A_1, %get3A_223 : vector<400x128xf32>
    %mul3A_225 = arith.constant 5.000000e-01 : f32
    %mul3A_226 = vector.broadcast %mul3A_225 : f32 to vector<400x128xf32>
    %mul3A_227 = arith.mulf %mul3A_226, %add3A_224 : vector<400x128xf32>
    %mul3A_228 = arith.constant 0.707106769 : f32
    %mul3A_229 = vector.broadcast %mul3A_228 : f32 to vector<400x128xf32>
    %mul3A_230 = arith.mulf %add3A_224, %mul3A_229 : vector<400x128xf32>
    %erf3A_231 = math.erf %mul3A_230 : vector<400x128xf32>
    %add3A_232 = arith.constant 1.000000e+00 : f32
    %add3A_233 = vector.broadcast %add3A_232 : f32 to vector<400x128xf32>
    %add3A_234 = arith.addf %add3A_233, %erf3A_231 : vector<400x128xf32>
    %mul3A_235 = arith.mulf %mul3A_227, %add3A_234 : vector<400x128xf32>
    %dot_general3A_236 = arith.constant dense<0.000000e+00> : vector<400x128xf32>
    %dot_general3A_237 = tpu.matmul %mul3A_235, %get3A_4, %dot_general3A_236 {dimension_numbers = #tpu.dot_dimension_numbers<[1], [0], [0], [1], [0, 0, 1, 1], [], []>, transpose_lhs_hint = false} : vector<400x128xf32>, vector<128x128xf32>, vector<400x128xf32> -> vector<400x128xf32>
    %max3A_238 = arith.maximumf %max3A_218, %dot_general3A_237 : vector<400x128xf32>
    %get3A_239 = arith.constant 12 : index
    %get3A_240 = arith.constant 0 : index
    %get3A_241 = arith.constant 0 : index
    %get3A_242 = vector.load %arg1[%get3A_239, %get3A_240, %get3A_241] : memref<32x400x128xf32, #tpu.memory_space<vmem>>, vector<1x400x128xf32>
    %get3A_243 = vector.shape_cast %get3A_242 : vector<1x400x128xf32> to vector<400x128xf32>
    %add3A_244 = arith.addf %get3A_1, %get3A_243 : vector<400x128xf32>
    %mul3A_245 = arith.constant 5.000000e-01 : f32
    %mul3A_246 = vector.broadcast %mul3A_245 : f32 to vector<400x128xf32>
    %mul3A_247 = arith.mulf %mul3A_246, %add3A_244 : vector<400x128xf32>
    %mul3A_248 = arith.constant 0.707106769 : f32
    %mul3A_249 = vector.broadcast %mul3A_248 : f32 to vector<400x128xf32>
    %mul3A_250 = arith.mulf %add3A_244, %mul3A_249 : vector<400x128xf32>
    %erf3A_251 = math.erf %mul3A_250 : vector<400x128xf32>
    %add3A_252 = arith.constant 1.000000e+00 : f32
    %add3A_253 = vector.broadcast %add3A_252 : f32 to vector<400x128xf32>
    %add3A_254 = arith.addf %add3A_253, %erf3A_251 : vector<400x128xf32>
    %mul3A_255 = arith.mulf %mul3A_247, %add3A_254 : vector<400x128xf32>
    %dot_general3A_256 = arith.constant dense<0.000000e+00> : vector<400x128xf32>
    %dot_general3A_257 = tpu.matmul %mul3A_255, %get3A_4, %dot_general3A_256 {dimension_numbers = #tpu.dot_dimension_numbers<[1], [0], [0], [1], [0, 0, 1, 1], [], []>, transpose_lhs_hint = false} : vector<400x128xf32>, vector<128x128xf32>, vector<400x128xf32> -> vector<400x128xf32>
    %max3A_258 = arith.maximumf %max3A_238, %dot_general3A_257 : vector<400x128xf32>
    %get3A_259 = arith.constant 13 : index
    %get3A_260 = arith.constant 0 : index
    %get3A_261 = arith.constant 0 : index
    %get3A_262 = vector.load %arg1[%get3A_259, %get3A_260, %get3A_261] : memref<32x400x128xf32, #tpu.memory_space<vmem>>, vector<1x400x128xf32>
    %get3A_263 = vector.shape_cast %get3A_262 : vector<1x400x128xf32> to vector<400x128xf32>
    %add3A_264 = arith.addf %get3A_1, %get3A_263 : vector<400x128xf32>
    %mul3A_265 = arith.constant 5.000000e-01 : f32
    %mul3A_266 = vector.broadcast %mul3A_265 : f32 to vector<400x128xf32>
    %mul3A_267 = arith.mulf %mul3A_266, %add3A_264 : vector<400x128xf32>
    %mul3A_268 = arith.constant 0.707106769 : f32
    %mul3A_269 = vector.broadcast %mul3A_268 : f32 to vector<400x128xf32>
    %mul3A_270 = arith.mulf %add3A_264, %mul3A_269 : vector<400x128xf32>
    %erf3A_271 = math.erf %mul3A_270 : vector<400x128xf32>
    %add3A_272 = arith.constant 1.000000e+00 : f32
    %add3A_273 = vector.broadcast %add3A_272 : f32 to vector<400x128xf32>
    %add3A_274 = arith.addf %add3A_273, %erf3A_271 : vector<400x128xf32>
    %mul3A_275 = arith.mulf %mul3A_267, %add3A_274 : vector<400x128xf32>
    %dot_general3A_276 = arith.constant dense<0.000000e+00> : vector<400x128xf32>
    %dot_general3A_277 = tpu.matmul %mul3A_275, %get3A_4, %dot_general3A_276 {dimension_numbers = #tpu.dot_dimension_numbers<[1], [0], [0], [1], [0, 0, 1, 1], [], []>, transpose_lhs_hint = false} : vector<400x128xf32>, vector<128x128xf32>, vector<400x128xf32> -> vector<400x128xf32>
    %max3A_278 = arith.maximumf %max3A_258, %dot_general3A_277 : vector<400x128xf32>
    %get3A_279 = arith.constant 14 : index
    %get3A_280 = arith.constant 0 : index
    %get3A_281 = arith.constant 0 : index
    %get3A_282 = vector.load %arg1[%get3A_279, %get3A_280, %get3A_281] : memref<32x400x128xf32, #tpu.memory_space<vmem>>, vector<1x400x128xf32>
    %get3A_283 = vector.shape_cast %get3A_282 : vector<1x400x128xf32> to vector<400x128xf32>
    %add3A_284 = arith.addf %get3A_1, %get3A_283 : vector<400x128xf32>
    %mul3A_285 = arith.constant 5.000000e-01 : f32
    %mul3A_286 = vector.broadcast %mul3A_285 : f32 to vector<400x128xf32>
    %mul3A_287 = arith.mulf %mul3A_286, %add3A_284 : vector<400x128xf32>
    %mul3A_288 = arith.constant 0.707106769 : f32
    %mul3A_289 = vector.broadcast %mul3A_288 : f32 to vector<400x128xf32>
    %mul3A_290 = arith.mulf %add3A_284, %mul3A_289 : vector<400x128xf32>
    %erf3A_291 = math.erf %mul3A_290 : vector<400x128xf32>
    %add3A_292 = arith.constant 1.000000e+00 : f32
    %add3A_293 = vector.broadcast %add3A_292 : f32 to vector<400x128xf32>
    %add3A_294 = arith.addf %add3A_293, %erf3A_291 : vector<400x128xf32>
    %mul3A_295 = arith.mulf %mul3A_287, %add3A_294 : vector<400x128xf32>
    %dot_general3A_296 = arith.constant dense<0.000000e+00> : vector<400x128xf32>
    %dot_general3A_297 = tpu.matmul %mul3A_295, %get3A_4, %dot_general3A_296 {dimension_numbers = #tpu.dot_dimension_numbers<[1], [0], [0], [1], [0, 0, 1, 1], [], []>, transpose_lhs_hint = false} : vector<400x128xf32>, vector<128x128xf32>, vector<400x128xf32> -> vector<400x128xf32>
    %max3A_298 = arith.maximumf %max3A_278, %dot_general3A_297 : vector<400x128xf32>
    %get3A_299 = arith.constant 15 : index
    %get3A_300 = arith.constant 0 : index
    %get3A_301 = arith.constant 0 : index
    %get3A_302 = vector.load %arg1[%get3A_299, %get3A_300, %get3A_301] : memref<32x400x128xf32, #tpu.memory_space<vmem>>, vector<1x400x128xf32>
    %get3A_303 = vector.shape_cast %get3A_302 : vector<1x400x128xf32> to vector<400x128xf32>
    %add3A_304 = arith.addf %get3A_1, %get3A_303 : vector<400x128xf32>
    %mul3A_305 = arith.constant 5.000000e-01 : f32
    %mul3A_306 = vector.broadcast %mul3A_305 : f32 to vector<400x128xf32>
    %mul3A_307 = arith.mulf %mul3A_306, %add3A_304 : vector<400x128xf32>
    %mul3A_308 = arith.constant 0.707106769 : f32
    %mul3A_309 = vector.broadcast %mul3A_308 : f32 to vector<400x128xf32>
    %mul3A_310 = arith.mulf %add3A_304, %mul3A_309 : vector<400x128xf32>
    %erf3A_311 = math.erf %mul3A_310 : vector<400x128xf32>
    %add3A_312 = arith.constant 1.000000e+00 : f32
    %add3A_313 = vector.broadcast %add3A_312 : f32 to vector<400x128xf32>
    %add3A_314 = arith.addf %add3A_313, %erf3A_311 : vector<400x128xf32>
    %mul3A_315 = arith.mulf %mul3A_307, %add3A_314 : vector<400x128xf32>
    %dot_general3A_316 = arith.constant dense<0.000000e+00> : vector<400x128xf32>
    %dot_general3A_317 = tpu.matmul %mul3A_315, %get3A_4, %dot_general3A_316 {dimension_numbers = #tpu.dot_dimension_numbers<[1], [0], [0], [1], [0, 0, 1, 1], [], []>, transpose_lhs_hint = false} : vector<400x128xf32>, vector<128x128xf32>, vector<400x128xf32> -> vector<400x128xf32>
    %max3A_318 = arith.maximumf %max3A_298, %dot_general3A_317 : vector<400x128xf32>
    %get3A_319 = arith.constant 16 : index
    %get3A_320 = arith.constant 0 : index
    %get3A_321 = arith.constant 0 : index
    %get3A_322 = vector.load %arg1[%get3A_319, %get3A_320, %get3A_321] : memref<32x400x128xf32, #tpu.memory_space<vmem>>, vector<1x400x128xf32>
    %get3A_323 = vector.shape_cast %get3A_322 : vector<1x400x128xf32> to vector<400x128xf32>
    %add3A_324 = arith.addf %get3A_1, %get3A_323 : vector<400x128xf32>
    %mul3A_325 = arith.constant 5.000000e-01 : f32
    %mul3A_326 = vector.broadcast %mul3A_325 : f32 to vector<400x128xf32>
    %mul3A_327 = arith.mulf %mul3A_326, %add3A_324 : vector<400x128xf32>
    %mul3A_328 = arith.constant 0.707106769 : f32
    %mul3A_329 = vector.broadcast %mul3A_328 : f32 to vector<400x128xf32>
    %mul3A_330 = arith.mulf %add3A_324, %mul3A_329 : vector<400x128xf32>
    %erf3A_331 = math.erf %mul3A_330 : vector<400x128xf32>
    %add3A_332 = arith.constant 1.000000e+00 : f32
    %add3A_333 = vector.broadcast %add3A_332 : f32 to vector<400x128xf32>
    %add3A_334 = arith.addf %add3A_333, %erf3A_331 : vector<400x128xf32>
    %mul3A_335 = arith.mulf %mul3A_327, %add3A_334 : vector<400x128xf32>
    %dot_general3A_336 = arith.constant dense<0.000000e+00> : vector<400x128xf32>
    %dot_general3A_337 = tpu.matmul %mul3A_335, %get3A_4, %dot_general3A_336 {dimension_numbers = #tpu.dot_dimension_numbers<[1], [0], [0], [1], [0, 0, 1, 1], [], []>, transpose_lhs_hint = false} : vector<400x128xf32>, vector<128x128xf32>, vector<400x128xf32> -> vector<400x128xf32>
    %max3A_338 = arith.maximumf %max3A_318, %dot_general3A_337 : vector<400x128xf32>
    %get3A_339 = arith.constant 17 : index
    %get3A_340 = arith.constant 0 : index
    %get3A_341 = arith.constant 0 : index
    %get3A_342 = vector.load %arg1[%get3A_339, %get3A_340, %get3A_341] : memref<32x400x128xf32, #tpu.memory_space<vmem>>, vector<1x400x128xf32>
    %get3A_343 = vector.shape_cast %get3A_342 : vector<1x400x128xf32> to vector<400x128xf32>
    %add3A_344 = arith.addf %get3A_1, %get3A_343 : vector<400x128xf32>
    %mul3A_345 = arith.constant 5.000000e-01 : f32
    %mul3A_346 = vector.broadcast %mul3A_345 : f32 to vector<400x128xf32>
    %mul3A_347 = arith.mulf %mul3A_346, %add3A_344 : vector<400x128xf32>
    %mul3A_348 = arith.constant 0.707106769 : f32
    %mul3A_349 = vector.broadcast %mul3A_348 : f32 to vector<400x128xf32>
    %mul3A_350 = arith.mulf %add3A_344, %mul3A_349 : vector<400x128xf32>
    %erf3A_351 = math.erf %mul3A_350 : vector<400x128xf32>
    %add3A_352 = arith.constant 1.000000e+00 : f32
    %add3A_353 = vector.broadcast %add3A_352 : f32 to vector<400x128xf32>
    %add3A_354 = arith.addf %add3A_353, %erf3A_351 : vector<400x128xf32>
    %mul3A_355 = arith.mulf %mul3A_347, %add3A_354 : vector<400x128xf32>
    %dot_general3A_356 = arith.constant dense<0.000000e+00> : vector<400x128xf32>
    %dot_general3A_357 = tpu.matmul %mul3A_355, %get3A_4, %dot_general3A_356 {dimension_numbers = #tpu.dot_dimension_numbers<[1], [0], [0], [1], [0, 0, 1, 1], [], []>, transpose_lhs_hint = false} : vector<400x128xf32>, vector<128x128xf32>, vector<400x128xf32> -> vector<400x128xf32>
    %max3A_358 = arith.maximumf %max3A_338, %dot_general3A_357 : vector<400x128xf32>
    %get3A_359 = arith.constant 18 : index
    %get3A_360 = arith.constant 0 : index
    %get3A_361 = arith.constant 0 : index
    %get3A_362 = vector.load %arg1[%get3A_359, %get3A_360, %get3A_361] : memref<32x400x128xf32, #tpu.memory_space<vmem>>, vector<1x400x128xf32>
    %get3A_363 = vector.shape_cast %get3A_362 : vector<1x400x128xf32> to vector<400x128xf32>
    %add3A_364 = arith.addf %get3A_1, %get3A_363 : vector<400x128xf32>
    %mul3A_365 = arith.constant 5.000000e-01 : f32
    %mul3A_366 = vector.broadcast %mul3A_365 : f32 to vector<400x128xf32>
    %mul3A_367 = arith.mulf %mul3A_366, %add3A_364 : vector<400x128xf32>
    %mul3A_368 = arith.constant 0.707106769 : f32
    %mul3A_369 = vector.broadcast %mul3A_368 : f32 to vector<400x128xf32>
    %mul3A_370 = arith.mulf %add3A_364, %mul3A_369 : vector<400x128xf32>
    %erf3A_371 = math.erf %mul3A_370 : vector<400x128xf32>
    %add3A_372 = arith.constant 1.000000e+00 : f32
    %add3A_373 = vector.broadcast %add3A_372 : f32 to vector<400x128xf32>
    %add3A_374 = arith.addf %add3A_373, %erf3A_371 : vector<400x128xf32>
    %mul3A_375 = arith.mulf %mul3A_367, %add3A_374 : vector<400x128xf32>
    %dot_general3A_376 = arith.constant dense<0.000000e+00> : vector<400x128xf32>
    %dot_general3A_377 = tpu.matmul %mul3A_375, %get3A_4, %dot_general3A_376 {dimension_numbers = #tpu.dot_dimension_numbers<[1], [0], [0], [1], [0, 0, 1, 1], [], []>, transpose_lhs_hint = false} : vector<400x128xf32>, vector<128x128xf32>, vector<400x128xf32> -> vector<400x128xf32>
    %max3A_378 = arith.maximumf %max3A_358, %dot_general3A_377 : vector<400x128xf32>
    %get3A_379 = arith.constant 19 : index
    %get3A_380 = arith.constant 0 : index
    %get3A_381 = arith.constant 0 : index
    %get3A_382 = vector.load %arg1[%get3A_379, %get3A_380, %get3A_381] : memref<32x400x128xf32, #tpu.memory_space<vmem>>, vector<1x400x128xf32>
    %get3A_383 = vector.shape_cast %get3A_382 : vector<1x400x128xf32> to vector<400x128xf32>
    %add3A_384 = arith.addf %get3A_1, %get3A_383 : vector<400x128xf32>
    %mul3A_385 = arith.constant 5.000000e-01 : f32
    %mul3A_386 = vector.broadcast %mul3A_385 : f32 to vector<400x128xf32>
    %mul3A_387 = arith.mulf %mul3A_386, %add3A_384 : vector<400x128xf32>
    %mul3A_388 = arith.constant 0.707106769 : f32
    %mul3A_389 = vector.broadcast %mul3A_388 : f32 to vector<400x128xf32>
    %mul3A_390 = arith.mulf %add3A_384, %mul3A_389 : vector<400x128xf32>
    %erf3A_391 = math.erf %mul3A_390 : vector<400x128xf32>
    %add3A_392 = arith.constant 1.000000e+00 : f32
    %add3A_393 = vector.broadcast %add3A_392 : f32 to vector<400x128xf32>
    %add3A_394 = arith.addf %add3A_393, %erf3A_391 : vector<400x128xf32>
    %mul3A_395 = arith.mulf %mul3A_387, %add3A_394 : vector<400x128xf32>
    %dot_general3A_396 = arith.constant dense<0.000000e+00> : vector<400x128xf32>
    %dot_general3A_397 = tpu.matmul %mul3A_395, %get3A_4, %dot_general3A_396 {dimension_numbers = #tpu.dot_dimension_numbers<[1], [0], [0], [1], [0, 0, 1, 1], [], []>, transpose_lhs_hint = false} : vector<400x128xf32>, vector<128x128xf32>, vector<400x128xf32> -> vector<400x128xf32>
    %max3A_398 = arith.maximumf %max3A_378, %dot_general3A_397 : vector<400x128xf32>
    %get3A_399 = arith.constant 20 : index
    %get3A_400 = arith.constant 0 : index
    %get3A_401 = arith.constant 0 : index
    %get3A_402 = vector.load %arg1[%get3A_399, %get3A_400, %get3A_401] : memref<32x400x128xf32, #tpu.memory_space<vmem>>, vector<1x400x128xf32>
    %get3A_403 = vector.shape_cast %get3A_402 : vector<1x400x128xf32> to vector<400x128xf32>
    %add3A_404 = arith.addf %get3A_1, %get3A_403 : vector<400x128xf32>
    %mul3A_405 = arith.constant 5.000000e-01 : f32
    %mul3A_406 = vector.broadcast %mul3A_405 : f32 to vector<400x128xf32>
    %mul3A_407 = arith.mulf %mul3A_406, %add3A_404 : vector<400x128xf32>
    %mul3A_408 = arith.constant 0.707106769 : f32
    %mul3A_409 = vector.broadcast %mul3A_408 : f32 to vector<400x128xf32>
    %mul3A_410 = arith.mulf %add3A_404, %mul3A_409 : vector<400x128xf32>
    %erf3A_411 = math.erf %mul3A_410 : vector<400x128xf32>
    %add3A_412 = arith.constant 1.000000e+00 : f32
    %add3A_413 = vector.broadcast %add3A_412 : f32 to vector<400x128xf32>
    %add3A_414 = arith.addf %add3A_413, %erf3A_411 : vector<400x128xf32>
    %mul3A_415 = arith.mulf %mul3A_407, %add3A_414 : vector<400x128xf32>
    %dot_general3A_416 = arith.constant dense<0.000000e+00> : vector<400x128xf32>
    %dot_general3A_417 = tpu.matmul %mul3A_415, %get3A_4, %dot_general3A_416 {dimension_numbers = #tpu.dot_dimension_numbers<[1], [0], [0], [1], [0, 0, 1, 1], [], []>, transpose_lhs_hint = false} : vector<400x128xf32>, vector<128x128xf32>, vector<400x128xf32> -> vector<400x128xf32>
    %max3A_418 = arith.maximumf %max3A_398, %dot_general3A_417 : vector<400x128xf32>
    %get3A_419 = arith.constant 21 : index
    %get3A_420 = arith.constant 0 : index
    %get3A_421 = arith.constant 0 : index
    %get3A_422 = vector.load %arg1[%get3A_419, %get3A_420, %get3A_421] : memref<32x400x128xf32, #tpu.memory_space<vmem>>, vector<1x400x128xf32>
    %get3A_423 = vector.shape_cast %get3A_422 : vector<1x400x128xf32> to vector<400x128xf32>
    %add3A_424 = arith.addf %get3A_1, %get3A_423 : vector<400x128xf32>
    %mul3A_425 = arith.constant 5.000000e-01 : f32
    %mul3A_426 = vector.broadcast %mul3A_425 : f32 to vector<400x128xf32>
    %mul3A_427 = arith.mulf %mul3A_426, %add3A_424 : vector<400x128xf32>
    %mul3A_428 = arith.constant 0.707106769 : f32
    %mul3A_429 = vector.broadcast %mul3A_428 : f32 to vector<400x128xf32>
    %mul3A_430 = arith.mulf %add3A_424, %mul3A_429 : vector<400x128xf32>
    %erf3A_431 = math.erf %mul3A_430 : vector<400x128xf32>
    %add3A_432 = arith.constant 1.000000e+00 : f32
    %add3A_433 = vector.broadcast %add3A_432 : f32 to vector<400x128xf32>
    %add3A_434 = arith.addf %add3A_433, %erf3A_431 : vector<400x128xf32>
    %mul3A_435 = arith.mulf %mul3A_427, %add3A_434 : vector<400x128xf32>
    %dot_general3A_436 = arith.constant dense<0.000000e+00> : vector<400x128xf32>
    %dot_general3A_437 = tpu.matmul %mul3A_435, %get3A_4, %dot_general3A_436 {dimension_numbers = #tpu.dot_dimension_numbers<[1], [0], [0], [1], [0, 0, 1, 1], [], []>, transpose_lhs_hint = false} : vector<400x128xf32>, vector<128x128xf32>, vector<400x128xf32> -> vector<400x128xf32>
    %max3A_438 = arith.maximumf %max3A_418, %dot_general3A_437 : vector<400x128xf32>
    %get3A_439 = arith.constant 22 : index
    %get3A_440 = arith.constant 0 : index
    %get3A_441 = arith.constant 0 : index
    %get3A_442 = vector.load %arg1[%get3A_439, %get3A_440, %get3A_441] : memref<32x400x128xf32, #tpu.memory_space<vmem>>, vector<1x400x128xf32>
    %get3A_443 = vector.shape_cast %get3A_442 : vector<1x400x128xf32> to vector<400x128xf32>
    %add3A_444 = arith.addf %get3A_1, %get3A_443 : vector<400x128xf32>
    %mul3A_445 = arith.constant 5.000000e-01 : f32
    %mul3A_446 = vector.broadcast %mul3A_445 : f32 to vector<400x128xf32>
    %mul3A_447 = arith.mulf %mul3A_446, %add3A_444 : vector<400x128xf32>
    %mul3A_448 = arith.constant 0.707106769 : f32
    %mul3A_449 = vector.broadcast %mul3A_448 : f32 to vector<400x128xf32>
    %mul3A_450 = arith.mulf %add3A_444, %mul3A_449 : vector<400x128xf32>
    %erf3A_451 = math.erf %mul3A_450 : vector<400x128xf32>
    %add3A_452 = arith.constant 1.000000e+00 : f32
    %add3A_453 = vector.broadcast %add3A_452 : f32 to vector<400x128xf32>
    %add3A_454 = arith.addf %add3A_453, %erf3A_451 : vector<400x128xf32>
    %mul3A_455 = arith.mulf %mul3A_447, %add3A_454 : vector<400x128xf32>
    %dot_general3A_456 = arith.constant dense<0.000000e+00> : vector<400x128xf32>
    %dot_general3A_457 = tpu.matmul %mul3A_455, %get3A_4, %dot_general3A_456 {dimension_numbers = #tpu.dot_dimension_numbers<[1], [0], [0], [1], [0, 0, 1, 1], [], []>, transpose_lhs_hint = false} : vector<400x128xf32>, vector<128x128xf32>, vector<400x128xf32> -> vector<400x128xf32>
    %max3A_458 = arith.maximumf %max3A_438, %dot_general3A_457 : vector<400x128xf32>
    %get3A_459 = arith.constant 23 : index
    %get3A_460 = arith.constant 0 : index
    %get3A_461 = arith.constant 0 : index
    %get3A_462 = vector.load %arg1[%get3A_459, %get3A_460, %get3A_461] : memref<32x400x128xf32, #tpu.memory_space<vmem>>, vector<1x400x128xf32>
    %get3A_463 = vector.shape_cast %get3A_462 : vector<1x400x128xf32> to vector<400x128xf32>
    %add3A_464 = arith.addf %get3A_1, %get3A_463 : vector<400x128xf32>
    %mul3A_465 = arith.constant 5.000000e-01 : f32
    %mul3A_466 = vector.broadcast %mul3A_465 : f32 to vector<400x128xf32>
    %mul3A_467 = arith.mulf %mul3A_466, %add3A_464 : vector<400x128xf32>
    %mul3A_468 = arith.constant 0.707106769 : f32
    %mul3A_469 = vector.broadcast %mul3A_468 : f32 to vector<400x128xf32>
    %mul3A_470 = arith.mulf %add3A_464, %mul3A_469 : vector<400x128xf32>
    %erf3A_471 = math.erf %mul3A_470 : vector<400x128xf32>
    %add3A_472 = arith.constant 1.000000e+00 : f32
    %add3A_473 = vector.broadcast %add3A_472 : f32 to vector<400x128xf32>
    %add3A_474 = arith.addf %add3A_473, %erf3A_471 : vector<400x128xf32>
    %mul3A_475 = arith.mulf %mul3A_467, %add3A_474 : vector<400x128xf32>
    %dot_general3A_476 = arith.constant dense<0.000000e+00> : vector<400x128xf32>
    %dot_general3A_477 = tpu.matmul %mul3A_475, %get3A_4, %dot_general3A_476 {dimension_numbers = #tpu.dot_dimension_numbers<[1], [0], [0], [1], [0, 0, 1, 1], [], []>, transpose_lhs_hint = false} : vector<400x128xf32>, vector<128x128xf32>, vector<400x128xf32> -> vector<400x128xf32>
    %max3A_478 = arith.maximumf %max3A_458, %dot_general3A_477 : vector<400x128xf32>
    %get3A_479 = arith.constant 24 : index
    %get3A_480 = arith.constant 0 : index
    %get3A_481 = arith.constant 0 : index
    %get3A_482 = vector.load %arg1[%get3A_479, %get3A_480, %get3A_481] : memref<32x400x128xf32, #tpu.memory_space<vmem>>, vector<1x400x128xf32>
    %get3A_483 = vector.shape_cast %get3A_482 : vector<1x400x128xf32> to vector<400x128xf32>
    %add3A_484 = arith.addf %get3A_1, %get3A_483 : vector<400x128xf32>
    %mul3A_485 = arith.constant 5.000000e-01 : f32
    %mul3A_486 = vector.broadcast %mul3A_485 : f32 to vector<400x128xf32>
    %mul3A_487 = arith.mulf %mul3A_486, %add3A_484 : vector<400x128xf32>
    %mul3A_488 = arith.constant 0.707106769 : f32
    %mul3A_489 = vector.broadcast %mul3A_488 : f32 to vector<400x128xf32>
    %mul3A_490 = arith.mulf %add3A_484, %mul3A_489 : vector<400x128xf32>
    %erf3A_491 = math.erf %mul3A_490 : vector<400x128xf32>
    %add3A_492 = arith.constant 1.000000e+00 : f32
    %add3A_493 = vector.broadcast %add3A_492 : f32 to vector<400x128xf32>
    %add3A_494 = arith.addf %add3A_493, %erf3A_491 : vector<400x128xf32>
    %mul3A_495 = arith.mulf %mul3A_487, %add3A_494 : vector<400x128xf32>
    %dot_general3A_496 = arith.constant dense<0.000000e+00> : vector<400x128xf32>
    %dot_general3A_497 = tpu.matmul %mul3A_495, %get3A_4, %dot_general3A_496 {dimension_numbers = #tpu.dot_dimension_numbers<[1], [0], [0], [1], [0, 0, 1, 1], [], []>, transpose_lhs_hint = false} : vector<400x128xf32>, vector<128x128xf32>, vector<400x128xf32> -> vector<400x128xf32>
    %max3A_498 = arith.maximumf %max3A_478, %dot_general3A_497 : vector<400x128xf32>
    %get3A_499 = arith.constant 25 : index
    %get3A_500 = arith.constant 0 : index
    %get3A_501 = arith.constant 0 : index
    %get3A_502 = vector.load %arg1[%get3A_499, %get3A_500, %get3A_501] : memref<32x400x128xf32, #tpu.memory_space<vmem>>, vector<1x400x128xf32>
    %get3A_503 = vector.shape_cast %get3A_502 : vector<1x400x128xf32> to vector<400x128xf32>
    %add3A_504 = arith.addf %get3A_1, %get3A_503 : vector<400x128xf32>
    %mul3A_505 = arith.constant 5.000000e-01 : f32
    %mul3A_506 = vector.broadcast %mul3A_505 : f32 to vector<400x128xf32>
    %mul3A_507 = arith.mulf %mul3A_506, %add3A_504 : vector<400x128xf32>
    %mul3A_508 = arith.constant 0.707106769 : f32
    %mul3A_509 = vector.broadcast %mul3A_508 : f32 to vector<400x128xf32>
    %mul3A_510 = arith.mulf %add3A_504, %mul3A_509 : vector<400x128xf32>
    %erf3A_511 = math.erf %mul3A_510 : vector<400x128xf32>
    %add3A_512 = arith.constant 1.000000e+00 : f32
    %add3A_513 = vector.broadcast %add3A_512 : f32 to vector<400x128xf32>
    %add3A_514 = arith.addf %add3A_513, %erf3A_511 : vector<400x128xf32>
    %mul3A_515 = arith.mulf %mul3A_507, %add3A_514 : vector<400x128xf32>
    %dot_general3A_516 = arith.constant dense<0.000000e+00> : vector<400x128xf32>
    %dot_general3A_517 = tpu.matmul %mul3A_515, %get3A_4, %dot_general3A_516 {dimension_numbers = #tpu.dot_dimension_numbers<[1], [0], [0], [1], [0, 0, 1, 1], [], []>, transpose_lhs_hint = false} : vector<400x128xf32>, vector<128x128xf32>, vector<400x128xf32> -> vector<400x128xf32>
    %max3A_518 = arith.maximumf %max3A_498, %dot_general3A_517 : vector<400x128xf32>
    %get3A_519 = arith.constant 26 : index
    %get3A_520 = arith.constant 0 : index
    %get3A_521 = arith.constant 0 : index
    %get3A_522 = vector.load %arg1[%get3A_519, %get3A_520, %get3A_521] : memref<32x400x128xf32, #tpu.memory_space<vmem>>, vector<1x400x128xf32>
    %get3A_523 = vector.shape_cast %get3A_522 : vector<1x400x128xf32> to vector<400x128xf32>
    %add3A_524 = arith.addf %get3A_1, %get3A_523 : vector<400x128xf32>
    %mul3A_525 = arith.constant 5.000000e-01 : f32
    %mul3A_526 = vector.broadcast %mul3A_525 : f32 to vector<400x128xf32>
    %mul3A_527 = arith.mulf %mul3A_526, %add3A_524 : vector<400x128xf32>
    %mul3A_528 = arith.constant 0.707106769 : f32
    %mul3A_529 = vector.broadcast %mul3A_528 : f32 to vector<400x128xf32>
    %mul3A_530 = arith.mulf %add3A_524, %mul3A_529 : vector<400x128xf32>
    %erf3A_531 = math.erf %mul3A_530 : vector<400x128xf32>
    %add3A_532 = arith.constant 1.000000e+00 : f32
    %add3A_533 = vector.broadcast %add3A_532 : f32 to vector<400x128xf32>
    %add3A_534 = arith.addf %add3A_533, %erf3A_531 : vector<400x128xf32>
    %mul3A_535 = arith.mulf %mul3A_527, %add3A_534 : vector<400x128xf32>
    %dot_general3A_536 = arith.constant dense<0.000000e+00> : vector<400x128xf32>
    %dot_general3A_537 = tpu.matmul %mul3A_535, %get3A_4, %dot_general3A_536 {dimension_numbers = #tpu.dot_dimension_numbers<[1], [0], [0], [1], [0, 0, 1, 1], [], []>, transpose_lhs_hint = false} : vector<400x128xf32>, vector<128x128xf32>, vector<400x128xf32> -> vector<400x128xf32>
    %max3A_538 = arith.maximumf %max3A_518, %dot_general3A_537 : vector<400x128xf32>
    %get3A_539 = arith.constant 27 : index
    %get3A_540 = arith.constant 0 : index
    %get3A_541 = arith.constant 0 : index
    %get3A_542 = vector.load %arg1[%get3A_539, %get3A_540, %get3A_541] : memref<32x400x128xf32, #tpu.memory_space<vmem>>, vector<1x400x128xf32>
    %get3A_543 = vector.shape_cast %get3A_542 : vector<1x400x128xf32> to vector<400x128xf32>
    %add3A_544 = arith.addf %get3A_1, %get3A_543 : vector<400x128xf32>
    %mul3A_545 = arith.constant 5.000000e-01 : f32
    %mul3A_546 = vector.broadcast %mul3A_545 : f32 to vector<400x128xf32>
    %mul3A_547 = arith.mulf %mul3A_546, %add3A_544 : vector<400x128xf32>
    %mul3A_548 = arith.constant 0.707106769 : f32
    %mul3A_549 = vector.broadcast %mul3A_548 : f32 to vector<400x128xf32>
    %mul3A_550 = arith.mulf %add3A_544, %mul3A_549 : vector<400x128xf32>
    %erf3A_551 = math.erf %mul3A_550 : vector<400x128xf32>
    %add3A_552 = arith.constant 1.000000e+00 : f32
    %add3A_553 = vector.broadcast %add3A_552 : f32 to vector<400x128xf32>
    %add3A_554 = arith.addf %add3A_553, %erf3A_551 : vector<400x128xf32>
    %mul3A_555 = arith.mulf %mul3A_547, %add3A_554 : vector<400x128xf32>
    %dot_general3A_556 = arith.constant dense<0.000000e+00> : vector<400x128xf32>
    %dot_general3A_557 = tpu.matmul %mul3A_555, %get3A_4, %dot_general3A_556 {dimension_numbers = #tpu.dot_dimension_numbers<[1], [0], [0], [1], [0, 0, 1, 1], [], []>, transpose_lhs_hint = false} : vector<400x128xf32>, vector<128x128xf32>, vector<400x128xf32> -> vector<400x128xf32>
    %max3A_558 = arith.maximumf %max3A_538, %dot_general3A_557 : vector<400x128xf32>
    %get3A_559 = arith.constant 28 : index
    %get3A_560 = arith.constant 0 : index
    %get3A_561 = arith.constant 0 : index
    %get3A_562 = vector.load %arg1[%get3A_559, %get3A_560, %get3A_561] : memref<32x400x128xf32, #tpu.memory_space<vmem>>, vector<1x400x128xf32>
    %get3A_563 = vector.shape_cast %get3A_562 : vector<1x400x128xf32> to vector<400x128xf32>
    %add3A_564 = arith.addf %get3A_1, %get3A_563 : vector<400x128xf32>
    %mul3A_565 = arith.constant 5.000000e-01 : f32
    %mul3A_566 = vector.broadcast %mul3A_565 : f32 to vector<400x128xf32>
    %mul3A_567 = arith.mulf %mul3A_566, %add3A_564 : vector<400x128xf32>
    %mul3A_568 = arith.constant 0.707106769 : f32
    %mul3A_569 = vector.broadcast %mul3A_568 : f32 to vector<400x128xf32>
    %mul3A_570 = arith.mulf %add3A_564, %mul3A_569 : vector<400x128xf32>
    %erf3A_571 = math.erf %mul3A_570 : vector<400x128xf32>
    %add3A_572 = arith.constant 1.000000e+00 : f32
    %add3A_573 = vector.broadcast %add3A_572 : f32 to vector<400x128xf32>
    %add3A_574 = arith.addf %add3A_573, %erf3A_571 : vector<400x128xf32>
    %mul3A_575 = arith.mulf %mul3A_567, %add3A_574 : vector<400x128xf32>
    %dot_general3A_576 = arith.constant dense<0.000000e+00> : vector<400x128xf32>
    %dot_general3A_577 = tpu.matmul %mul3A_575, %get3A_4, %dot_general3A_576 {dimension_numbers = #tpu.dot_dimension_numbers<[1], [0], [0], [1], [0, 0, 1, 1], [], []>, transpose_lhs_hint = false} : vector<400x128xf32>, vector<128x128xf32>, vector<400x128xf32> -> vector<400x128xf32>
    %max3A_578 = arith.maximumf %max3A_558, %dot_general3A_577 : vector<400x128xf32>
    %get3A_579 = arith.constant 29 : index
    %get3A_580 = arith.constant 0 : index
    %get3A_581 = arith.constant 0 : index
    %get3A_582 = vector.load %arg1[%get3A_579, %get3A_580, %get3A_581] : memref<32x400x128xf32, #tpu.memory_space<vmem>>, vector<1x400x128xf32>
    %get3A_583 = vector.shape_cast %get3A_582 : vector<1x400x128xf32> to vector<400x128xf32>
    %add3A_584 = arith.addf %get3A_1, %get3A_583 : vector<400x128xf32>
    %mul3A_585 = arith.constant 5.000000e-01 : f32
    %mul3A_586 = vector.broadcast %mul3A_585 : f32 to vector<400x128xf32>
    %mul3A_587 = arith.mulf %mul3A_586, %add3A_584 : vector<400x128xf32>
    %mul3A_588 = arith.constant 0.707106769 : f32
    %mul3A_589 = vector.broadcast %mul3A_588 : f32 to vector<400x128xf32>
    %mul3A_590 = arith.mulf %add3A_584, %mul3A_589 : vector<400x128xf32>
    %erf3A_591 = math.erf %mul3A_590 : vector<400x128xf32>
    %add3A_592 = arith.constant 1.000000e+00 : f32
    %add3A_593 = vector.broadcast %add3A_592 : f32 to vector<400x128xf32>
    %add3A_594 = arith.addf %add3A_593, %erf3A_591 : vector<400x128xf32>
    %mul3A_595 = arith.mulf %mul3A_587, %add3A_594 : vector<400x128xf32>
    %dot_general3A_596 = arith.constant dense<0.000000e+00> : vector<400x128xf32>
    %dot_general3A_597 = tpu.matmul %mul3A_595, %get3A_4, %dot_general3A_596 {dimension_numbers = #tpu.dot_dimension_numbers<[1], [0], [0], [1], [0, 0, 1, 1], [], []>, transpose_lhs_hint = false} : vector<400x128xf32>, vector<128x128xf32>, vector<400x128xf32> -> vector<400x128xf32>
    %max3A_598 = arith.maximumf %max3A_578, %dot_general3A_597 : vector<400x128xf32>
    %get3A_599 = arith.constant 30 : index
    %get3A_600 = arith.constant 0 : index
    %get3A_601 = arith.constant 0 : index
    %get3A_602 = vector.load %arg1[%get3A_599, %get3A_600, %get3A_601] : memref<32x400x128xf32, #tpu.memory_space<vmem>>, vector<1x400x128xf32>
    %get3A_603 = vector.shape_cast %get3A_602 : vector<1x400x128xf32> to vector<400x128xf32>
    %add3A_604 = arith.addf %get3A_1, %get3A_603 : vector<400x128xf32>
    %mul3A_605 = arith.constant 5.000000e-01 : f32
    %mul3A_606 = vector.broadcast %mul3A_605 : f32 to vector<400x128xf32>
    %mul3A_607 = arith.mulf %mul3A_606, %add3A_604 : vector<400x128xf32>
    %mul3A_608 = arith.constant 0.707106769 : f32
    %mul3A_609 = vector.broadcast %mul3A_608 : f32 to vector<400x128xf32>
    %mul3A_610 = arith.mulf %add3A_604, %mul3A_609 : vector<400x128xf32>
    %erf3A_611 = math.erf %mul3A_610 : vector<400x128xf32>
    %add3A_612 = arith.constant 1.000000e+00 : f32
    %add3A_613 = vector.broadcast %add3A_612 : f32 to vector<400x128xf32>
    %add3A_614 = arith.addf %add3A_613, %erf3A_611 : vector<400x128xf32>
    %mul3A_615 = arith.mulf %mul3A_607, %add3A_614 : vector<400x128xf32>
    %dot_general3A_616 = arith.constant dense<0.000000e+00> : vector<400x128xf32>
    %dot_general3A_617 = tpu.matmul %mul3A_615, %get3A_4, %dot_general3A_616 {dimension_numbers = #tpu.dot_dimension_numbers<[1], [0], [0], [1], [0, 0, 1, 1], [], []>, transpose_lhs_hint = false} : vector<400x128xf32>, vector<128x128xf32>, vector<400x128xf32> -> vector<400x128xf32>
    %max3A_618 = arith.maximumf %max3A_598, %dot_general3A_617 : vector<400x128xf32>
    %get3A_619 = arith.constant 31 : index
    %get3A_620 = arith.constant 0 : index
    %get3A_621 = arith.constant 0 : index
    %get3A_622 = vector.load %arg1[%get3A_619, %get3A_620, %get3A_621] : memref<32x400x128xf32, #tpu.memory_space<vmem>>, vector<1x400x128xf32>
    %get3A_623 = vector.shape_cast %get3A_622 : vector<1x400x128xf32> to vector<400x128xf32>
    %add3A_624 = arith.addf %get3A_1, %get3A_623 : vector<400x128xf32>
    %mul3A_625 = arith.constant 5.000000e-01 : f32
    %mul3A_626 = vector.broadcast %mul3A_625 : f32 to vector<400x128xf32>
    %mul3A_627 = arith.mulf %mul3A_626, %add3A_624 : vector<400x128xf32>
    %mul3A_628 = arith.constant 0.707106769 : f32
    %mul3A_629 = vector.broadcast %mul3A_628 : f32 to vector<400x128xf32>
    %mul3A_630 = arith.mulf %add3A_624, %mul3A_629 : vector<400x128xf32>
    %erf3A_631 = math.erf %mul3A_630 : vector<400x128xf32>
    %add3A_632 = arith.constant 1.000000e+00 : f32
    %add3A_633 = vector.broadcast %add3A_632 : f32 to vector<400x128xf32>
    %add3A_634 = arith.addf %add3A_633, %erf3A_631 : vector<400x128xf32>
    %mul3A_635 = arith.mulf %mul3A_627, %add3A_634 : vector<400x128xf32>
    %dot_general3A_636 = arith.constant dense<0.000000e+00> : vector<400x128xf32>
    %dot_general3A_637 = tpu.matmul %mul3A_635, %get3A_4, %dot_general3A_636 {dimension_numbers = #tpu.dot_dimension_numbers<[1], [0], [0], [1], [0, 0, 1, 1], [], []>, transpose_lhs_hint = false} : vector<400x128xf32>, vector<128x128xf32>, vector<400x128xf32> -> vector<400x128xf32>
    %max3A_638 = arith.maximumf %max3A_618, %dot_general3A_637 : vector<400x128xf32>
    %get3A_639 = arith.constant 0 : index
    %get3A_640 = arith.constant 0 : index
    %get3A_641 = vector.load %arg5[%get3A_639, %get3A_640] : memref<1x128xf32, #tpu.memory_space<vmem>>, vector<1x128xf32>
    %add3A_642 = vector.broadcast %get3A_641 : vector<1x128xf32> to vector<400x128xf32>
    %add3A_643 = arith.addf %max3A_638, %add3A_642 : vector<400x128xf32>
    %get3A_644 = arith.constant 0 : index
    %get3A_645 = arith.constant 0 : index
    %get3A_646 = vector.load %arg3[%get3A_644, %get3A_645] : memref<400x128xf32, #tpu.memory_space<vmem>>, vector<400x128xf32>
    %add3A_647 = arith.addf %add3A_643, %get3A_646 : vector<400x128xf32>
    %reduce_sum3A = arith.constant dense<0.000000e+00> : vector<400xf32>
    %reduce_sum3A_648 = vector.multi_reduction <add>, %add3A_647, %reduce_sum3A [1] : vector<400x128xf32> to vector<400xf32>
    %broadcast_in_dim3A = vector.shape_cast %reduce_sum3A_648 : vector<400xf32> to vector<400x1xf32>
    %div3A = arith.constant 1.280000e+02 : f32
    %div3A_649 = vector.broadcast %div3A : f32 to vector<400x1xf32>
    %div3A_650 = arith.divf %broadcast_in_dim3A, %div3A_649 : vector<400x1xf32>
    %sub3A = vector.broadcast %div3A_650 : vector<400x1xf32> to vector<400x128xf32>
    %sub3A_651 = arith.subf %add3A_647, %sub3A : vector<400x128xf32>
    %integer_pow3A = arith.mulf %sub3A_651, %sub3A_651 : vector<400x128xf32>
    %reduce_sum3A_652 = arith.constant dense<0.000000e+00> : vector<400xf32>
    %reduce_sum3A_653 = vector.multi_reduction <add>, %integer_pow3A, %reduce_sum3A_652 [1] : vector<400x128xf32> to vector<400xf32>
    %broadcast_in_dim3A_654 = vector.shape_cast %reduce_sum3A_653 : vector<400xf32> to vector<400x1xf32>
    %div3A_655 = arith.constant 1.280000e+02 : f32
    %div3A_656 = vector.broadcast %div3A_655 : f32 to vector<400x1xf32>
    %div3A_657 = arith.divf %broadcast_in_dim3A_654, %div3A_656 : vector<400x1xf32>
    %sub3A_658 = vector.broadcast %div3A_650 : vector<400x1xf32> to vector<400x128xf32>
    %sub3A_659 = arith.subf %add3A_647, %sub3A_658 : vector<400x128xf32>
    %add3A_660 = arith.constant 9.99999974E-6 : f32
    %add3A_661 = vector.broadcast %add3A_660 : f32 to vector<400x1xf32>
    %add3A_662 = arith.addf %div3A_657, %add3A_661 : vector<400x1xf32>
    %rsqrt3A = math.rsqrt %add3A_662 : vector<400x1xf32>
    %mul3A_663 = vector.broadcast %rsqrt3A : vector<400x1xf32> to vector<400x128xf32>
    %mul3A_664 = arith.mulf %sub3A_659, %mul3A_663 : vector<400x128xf32>
    %get3A_665 = arith.constant 0 : index
    %get3A_666 = arith.constant 0 : index
    %get3A_667 = vector.load %arg6[%get3A_665, %get3A_666] : memref<1x128xf32, #tpu.memory_space<vmem>>, vector<1x128xf32>
    %mul3A_668 = vector.broadcast %get3A_667 : vector<1x128xf32> to vector<400x128xf32>
    %mul3A_669 = arith.mulf %mul3A_664, %mul3A_668 : vector<400x128xf32>
    %get3A_670 = arith.constant 0 : index
    %get3A_671 = arith.constant 0 : index
    %get3A_672 = vector.load %arg7[%get3A_670, %get3A_671] : memref<1x128xf32, #tpu.memory_space<vmem>>, vector<1x128xf32>
    %add3A_673 = vector.broadcast %get3A_672 : vector<1x128xf32> to vector<400x128xf32>
    %add3A_674 = arith.addf %mul3A_669, %add3A_673 : vector<400x128xf32>
    %swap3A = arith.constant 0 : index
    %swap3A_675 = arith.constant 0 : index
    %swap3A_676 = vector.load %arg8[%swap3A, %swap3A_675] : memref<400x128xf32, #tpu.memory_space<vmem>>, vector<400x128xf32>
    tpu.vector_store %arg8[%swap3A, %swap3A_675], %add3A_674 {strides = array<i32>} : memref<400x128xf32, #tpu.memory_space<vmem>>, vector<400x128xf32>,
    return
  }
  func.func @transform_0(%arg0: i32) -> (i32, i32, i32) {
    %c0_i32 = arith.constant 0 : i32
    %c0_i32_0 = arith.constant 0 : i32
    %c0_i32_1 = arith.constant 0 : i32
    return %c0_i32, %arg0, %c0_i32_0 : i32, i32, i32
  }
  func.func @transform_1(%arg0: i32) -> (i32, i32) {
    %add3A = arith.constant 12 : i32
    %add3A_0 = arith.addi %arg0, %add3A : i32
    %c0_i32 = arith.constant 0 : i32
    %c0_i32_1 = arith.constant 0 : i32
    return %add3A_0, %c0_i32 : i32, i32
  }
  func.func @transform_2(%arg0: i32) -> (i32, i32) {
    %add3A = arith.constant 12 : i32
    %add3A_0 = arith.addi %arg0, %add3A : i32
    %c0_i32 = arith.constant 0 : i32
    %c0_i32_1 = arith.constant 0 : i32
    return %add3A_0, %c0_i32 : i32, i32
  }
  func.func @transform_3(%arg0: i32) -> (i32, i32) {
    %c0_i32 = arith.constant 0 : i32
    %c0_i32_0 = arith.constant 0 : i32
    %c0_i32_1 = arith.constant 0 : i32
    return %c0_i32, %c0_i32_0 : i32, i32
  }
  func.func @transform_4(%arg0: i32) -> (i32, i32) {
    %c0_i32 = arith.constant 0 : i32
    %c0_i32_0 = arith.constant 0 : i32
    %c0_i32_1 = arith.constant 0 : i32
    return %c0_i32, %c0_i32_0 : i32, i32
  }
  func.func @transform_5(%arg0: i32) -> (i32, i32) {
    %c0_i32 = arith.constant 0 : i32
    %c0_i32_0 = arith.constant 0 : i32
    %c0_i32_1 = arith.constant 0 : i32
    return %c0_i32, %c0_i32_0 : i32, i32
  }
  func.func @transform_6(%arg0: i32) -> (i32, i32) {
    %c0_i32 = arith.constant 0 : i32
    %c0_i32_0 = arith.constant 0 : i32
    %c0_i32_1 = arith.constant 0 : i32
    return %c0_i32, %c0_i32_0 : i32, i32
  }
  func.func @transform_7(%arg0: i32) -> (i32, i32) {
    %c0_i32 = arith.constant 0 : i32
    %c0_i32_0 = arith.constant 0 : i32
    return %arg0, %c0_i32 : i32, i32
  }
}

module attributes {stable_mosaic.version = 14 : i64} {
  func.func @_main_body(%arg0: i32, %arg1: memref<32x400x128xf32, #tpu.memory_space<vmem>>, %arg2: memref<400x128xf32, #tpu.memory_space<vmem>>, %arg3: memref<400x128xf32, #tpu.memory_space<vmem>>, %arg4: memref<128x128xf32, #tpu.memory_space<vmem>>, %arg5: memref<1x128xf32, #tpu.memory_space<vmem>>, %arg6: memref<1x128xf32, #tpu.memory_space<vmem>>, %arg7: memref<1x128xf32, #tpu.memory_space<vmem>>, %arg8: memref<400x128xf32, #tpu.memory_space<vmem>>) attributes {dimension_semantics = [#tpu.dimension_semantics<arbitrary>], iteration_bounds = array<i64: 12>, scalar_prefetch = 0 : i64, scratch_operands = 0 : i64, tpu.core_type = #tpu.core_type<tc>, window_params = [{transform_indices = @transform_0, window_bounds = array<i64: 32, 400, 128>}, {transform_indices = @transform_1, window_bounds = array<i64: 400, 128>}, {transform_indices = @transform_2, window_bounds = array<i64: 400, 128>}, {pipeline_mode = #tpu.pipeline_mode<synchronous>, transform_indices = @transform_3, window_bounds = array<i64: 128, 128>}, {pipeline_mode = #tpu.pipeline_mode<synchronous>, transform_indices = @transform_4, window_bounds = array<i64: 1, 128>}, {pipeline_mode = #tpu.pipeline_mode<synchronous>, transform_indices = @transform_5, window_bounds = array<i64: 1, 128>}, {pipeline_mode = #tpu.pipeline_mode<synchronous>, transform_indices = @transform_6, window_bounds = array<i64: 1, 128>}, {transform_indices = @transform_7, window_bounds = array<i64: 400, 128>}]} {
    %get3A = arith.constant 0 : index
    %get3A_0 = arith.constant 0 : index
    %get3A_1 = vector.load %arg2[%get3A, %get3A_0] : memref<400x128xf32, #tpu.memory_space<vmem>>, vector<400x128xf32>
    %get3A_2 = arith.constant 0 : index
    %get3A_3 = arith.constant 0 : index
    %get3A_4 = vector.load %arg4[%get3A_2, %get3A_3] : memref<128x128xf32, #tpu.memory_space<vmem>>, vector<128x128xf32>
    %get3A_5 = arith.constant 0 : index
    %get3A_6 = arith.constant 0 : index
    %get3A_7 = arith.constant 0 : index
    %get3A_8 = vector.load %arg1[%get3A_5, %get3A_6, %get3A_7] : memref<32x400x128xf32, #tpu.memory_space<vmem>>, vector<1x400x128xf32>
    %get3A_9 = vector.shape_cast %get3A_8 : vector<1x400x128xf32> to vector<400x128xf32>
    %add3A = arith.addf %get3A_1, %get3A_9 : vector<400x128xf32>
    %mul3A = arith.constant 5.000000e-01 : f32
    %mul3A_10 = vector.broadcast %mul3A : f32 to vector<400x128xf32>
    %mul3A_11 = arith.mulf %mul3A_10, %add3A : vector<400x128xf32>
    %mul3A_12 = arith.constant 0.707106769 : f32
    %mul3A_13 = vector.broadcast %mul3A_12 : f32 to vector<400x128xf32>
    %mul3A_14 = arith.mulf %add3A, %mul3A_13 : vector<400x128xf32>
    %erf3A = math.erf %mul3A_14 : vector<400x128xf32>
    %add3A_15 = arith.constant 1.000000e+00 : f32
    %add3A_16 = vector.broadcast %add3A_15 : f32 to vector<400x128xf32>
    %add3A_17 = arith.addf %add3A_16, %erf3A : vector<400x128xf32>
    %mul3A_18 = arith.mulf %mul3A_11, %add3A_17 : vector<400x128xf32>
    %dot_general3A = arith.constant dense<0.000000e+00> : vector<400x128xf32>
    %dot_general3A_19 = tpu.matmul %mul3A_18, %get3A_4, %dot_general3A {dimension_numbers = #tpu.dot_dimension_numbers<[1], [0], [0], [1], [0, 0, 1, 1], [], []>, transpose_lhs_hint = false} : vector<400x128xf32>, vector<128x128xf32>, vector<400x128xf32> -> vector<400x128xf32>
    %get3A_20 = arith.constant 1 : index
    %get3A_21 = arith.constant 0 : index
    %get3A_22 = arith.constant 0 : index
    %get3A_23 = vector.load %arg1[%get3A_20, %get3A_21, %get3A_22] : memref<32x400x128xf32, #tpu.memory_space<vmem>>, vector<1x400x128xf32>
    %get3A_24 = vector.shape_cast %get3A_23 : vector<1x400x128xf32> to vector<400x128xf32>
    %add3A_25 = arith.addf %get3A_1, %get3A_24 : vector<400x128xf32>
    %mul3A_26 = arith.constant 5.000000e-01 : f32
    %mul3A_27 = vector.broadcast %mul3A_26 : f32 to vector<400x128xf32>
    %mul3A_28 = arith.mulf %mul3A_27, %add3A_25 : vector<400x128xf32>
    %mul3A_29 = arith.constant 0.707106769 : f32
    %mul3A_30 = vector.broadcast %mul3A_29 : f32 to vector<400x128xf32>
    %mul3A_31 = arith.mulf %add3A_25, %mul3A_30 : vector<400x128xf32>
    %erf3A_32 = math.erf %mul3A_31 : vector<400x128xf32>
    %add3A_33 = arith.constant 1.000000e+00 : f32
    %add3A_34 = vector.broadcast %add3A_33 : f32 to vector<400x128xf32>
    %add3A_35 = arith.addf %add3A_34, %erf3A_32 : vector<400x128xf32>
    %mul3A_36 = arith.mulf %mul3A_28, %add3A_35 : vector<400x128xf32>
    %dot_general3A_37 = arith.constant dense<0.000000e+00> : vector<400x128xf32>
    %dot_general3A_38 = tpu.matmul %mul3A_36, %get3A_4, %dot_general3A_37 {dimension_numbers = #tpu.dot_dimension_numbers<[1], [0], [0], [1], [0, 0, 1, 1], [], []>, transpose_lhs_hint = false} : vector<400x128xf32>, vector<128x128xf32>, vector<400x128xf32> -> vector<400x128xf32>
    %max3A = arith.maximumf %dot_general3A_19, %dot_general3A_38 : vector<400x128xf32>
    %get3A_39 = arith.constant 2 : index
    %get3A_40 = arith.constant 0 : index
    %get3A_41 = arith.constant 0 : index
    %get3A_42 = vector.load %arg1[%get3A_39, %get3A_40, %get3A_41] : memref<32x400x128xf32, #tpu.memory_space<vmem>>, vector<1x400x128xf32>
    %get3A_43 = vector.shape_cast %get3A_42 : vector<1x400x128xf32> to vector<400x128xf32>
    %add3A_44 = arith.addf %get3A_1, %get3A_43 : vector<400x128xf32>
    %mul3A_45 = arith.constant 5.000000e-01 : f32
    %mul3A_46 = vector.broadcast %mul3A_45 : f32 to vector<400x128xf32>
    %mul3A_47 = arith.mulf %mul3A_46, %add3A_44 : vector<400x128xf32>
    %mul3A_48 = arith.constant 0.707106769 : f32
    %mul3A_49 = vector.broadcast %mul3A_48 : f32 to vector<400x128xf32>
    %mul3A_50 = arith.mulf %add3A_44, %mul3A_49 : vector<400x128xf32>
    %erf3A_51 = math.erf %mul3A_50 : vector<400x128xf32>
    %add3A_52 = arith.constant 1.000000e+00 : f32
    %add3A_53 = vector.broadcast %add3A_52 : f32 to vector<400x128xf32>
    %add3A_54 = arith.addf %add3A_53, %erf3A_51 : vector<400x128xf32>
    %mul3A_55 = arith.mulf %mul3A_47, %add3A_54 : vector<400x128xf32>
    %dot_general3A_56 = arith.constant dense<0.000000e+00> : vector<400x128xf32>
    %dot_general3A_57 = tpu.matmul %mul3A_55, %get3A_4, %dot_general3A_56 {dimension_numbers = #tpu.dot_dimension_numbers<[1], [0], [0], [1], [0, 0, 1, 1], [], []>, transpose_lhs_hint = false} : vector<400x128xf32>, vector<128x128xf32>, vector<400x128xf32> -> vector<400x128xf32>
    %max3A_58 = arith.maximumf %max3A, %dot_general3A_57 : vector<400x128xf32>
    %get3A_59 = arith.constant 3 : index
    %get3A_60 = arith.constant 0 : index
    %get3A_61 = arith.constant 0 : index
    %get3A_62 = vector.load %arg1[%get3A_59, %get3A_60, %get3A_61] : memref<32x400x128xf32, #tpu.memory_space<vmem>>, vector<1x400x128xf32>
    %get3A_63 = vector.shape_cast %get3A_62 : vector<1x400x128xf32> to vector<400x128xf32>
    %add3A_64 = arith.addf %get3A_1, %get3A_63 : vector<400x128xf32>
    %mul3A_65 = arith.constant 5.000000e-01 : f32
    %mul3A_66 = vector.broadcast %mul3A_65 : f32 to vector<400x128xf32>
    %mul3A_67 = arith.mulf %mul3A_66, %add3A_64 : vector<400x128xf32>
    %mul3A_68 = arith.constant 0.707106769 : f32
    %mul3A_69 = vector.broadcast %mul3A_68 : f32 to vector<400x128xf32>
    %mul3A_70 = arith.mulf %add3A_64, %mul3A_69 : vector<400x128xf32>
    %erf3A_71 = math.erf %mul3A_70 : vector<400x128xf32>
    %add3A_72 = arith.constant 1.000000e+00 : f32
    %add3A_73 = vector.broadcast %add3A_72 : f32 to vector<400x128xf32>
    %add3A_74 = arith.addf %add3A_73, %erf3A_71 : vector<400x128xf32>
    %mul3A_75 = arith.mulf %mul3A_67, %add3A_74 : vector<400x128xf32>
    %dot_general3A_76 = arith.constant dense<0.000000e+00> : vector<400x128xf32>
    %dot_general3A_77 = tpu.matmul %mul3A_75, %get3A_4, %dot_general3A_76 {dimension_numbers = #tpu.dot_dimension_numbers<[1], [0], [0], [1], [0, 0, 1, 1], [], []>, transpose_lhs_hint = false} : vector<400x128xf32>, vector<128x128xf32>, vector<400x128xf32> -> vector<400x128xf32>
    %max3A_78 = arith.maximumf %max3A_58, %dot_general3A_77 : vector<400x128xf32>
    %get3A_79 = arith.constant 4 : index
    %get3A_80 = arith.constant 0 : index
    %get3A_81 = arith.constant 0 : index
    %get3A_82 = vector.load %arg1[%get3A_79, %get3A_80, %get3A_81] : memref<32x400x128xf32, #tpu.memory_space<vmem>>, vector<1x400x128xf32>
    %get3A_83 = vector.shape_cast %get3A_82 : vector<1x400x128xf32> to vector<400x128xf32>
    %add3A_84 = arith.addf %get3A_1, %get3A_83 : vector<400x128xf32>
    %mul3A_85 = arith.constant 5.000000e-01 : f32
    %mul3A_86 = vector.broadcast %mul3A_85 : f32 to vector<400x128xf32>
    %mul3A_87 = arith.mulf %mul3A_86, %add3A_84 : vector<400x128xf32>
    %mul3A_88 = arith.constant 0.707106769 : f32
    %mul3A_89 = vector.broadcast %mul3A_88 : f32 to vector<400x128xf32>
    %mul3A_90 = arith.mulf %add3A_84, %mul3A_89 : vector<400x128xf32>
    %erf3A_91 = math.erf %mul3A_90 : vector<400x128xf32>
    %add3A_92 = arith.constant 1.000000e+00 : f32
    %add3A_93 = vector.broadcast %add3A_92 : f32 to vector<400x128xf32>
    %add3A_94 = arith.addf %add3A_93, %erf3A_91 : vector<400x128xf32>
    %mul3A_95 = arith.mulf %mul3A_87, %add3A_94 : vector<400x128xf32>
    %dot_general3A_96 = arith.constant dense<0.000000e+00> : vector<400x128xf32>
    %dot_general3A_97 = tpu.matmul %mul3A_95, %get3A_4, %dot_general3A_96 {dimension_numbers = #tpu.dot_dimension_numbers<[1], [0], [0], [1], [0, 0, 1, 1], [], []>, transpose_lhs_hint = false} : vector<400x128xf32>, vector<128x128xf32>, vector<400x128xf32> -> vector<400x128xf32>
    %max3A_98 = arith.maximumf %max3A_78, %dot_general3A_97 : vector<400x128xf32>
    %get3A_99 = arith.constant 5 : index
    %get3A_100 = arith.constant 0 : index
    %get3A_101 = arith.constant 0 : index
    %get3A_102 = vector.load %arg1[%get3A_99, %get3A_100, %get3A_101] : memref<32x400x128xf32, #tpu.memory_space<vmem>>, vector<1x400x128xf32>
    %get3A_103 = vector.shape_cast %get3A_102 : vector<1x400x128xf32> to vector<400x128xf32>
    %add3A_104 = arith.addf %get3A_1, %get3A_103 : vector<400x128xf32>
    %mul3A_105 = arith.constant 5.000000e-01 : f32
    %mul3A_106 = vector.broadcast %mul3A_105 : f32 to vector<400x128xf32>
    %mul3A_107 = arith.mulf %mul3A_106, %add3A_104 : vector<400x128xf32>
    %mul3A_108 = arith.constant 0.707106769 : f32
    %mul3A_109 = vector.broadcast %mul3A_108 : f32 to vector<400x128xf32>
    %mul3A_110 = arith.mulf %add3A_104, %mul3A_109 : vector<400x128xf32>
    %erf3A_111 = math.erf %mul3A_110 : vector<400x128xf32>
    %add3A_112 = arith.constant 1.000000e+00 : f32
    %add3A_113 = vector.broadcast %add3A_112 : f32 to vector<400x128xf32>
    %add3A_114 = arith.addf %add3A_113, %erf3A_111 : vector<400x128xf32>
    %mul3A_115 = arith.mulf %mul3A_107, %add3A_114 : vector<400x128xf32>
    %dot_general3A_116 = arith.constant dense<0.000000e+00> : vector<400x128xf32>
    %dot_general3A_117 = tpu.matmul %mul3A_115, %get3A_4, %dot_general3A_116 {dimension_numbers = #tpu.dot_dimension_numbers<[1], [0], [0], [1], [0, 0, 1, 1], [], []>, transpose_lhs_hint = false} : vector<400x128xf32>, vector<128x128xf32>, vector<400x128xf32> -> vector<400x128xf32>
    %max3A_118 = arith.maximumf %max3A_98, %dot_general3A_117 : vector<400x128xf32>
    %get3A_119 = arith.constant 6 : index
    %get3A_120 = arith.constant 0 : index
    %get3A_121 = arith.constant 0 : index
    %get3A_122 = vector.load %arg1[%get3A_119, %get3A_120, %get3A_121] : memref<32x400x128xf32, #tpu.memory_space<vmem>>, vector<1x400x128xf32>
    %get3A_123 = vector.shape_cast %get3A_122 : vector<1x400x128xf32> to vector<400x128xf32>
    %add3A_124 = arith.addf %get3A_1, %get3A_123 : vector<400x128xf32>
    %mul3A_125 = arith.constant 5.000000e-01 : f32
    %mul3A_126 = vector.broadcast %mul3A_125 : f32 to vector<400x128xf32>
    %mul3A_127 = arith.mulf %mul3A_126, %add3A_124 : vector<400x128xf32>
    %mul3A_128 = arith.constant 0.707106769 : f32
    %mul3A_129 = vector.broadcast %mul3A_128 : f32 to vector<400x128xf32>
    %mul3A_130 = arith.mulf %add3A_124, %mul3A_129 : vector<400x128xf32>
    %erf3A_131 = math.erf %mul3A_130 : vector<400x128xf32>
    %add3A_132 = arith.constant 1.000000e+00 : f32
    %add3A_133 = vector.broadcast %add3A_132 : f32 to vector<400x128xf32>
    %add3A_134 = arith.addf %add3A_133, %erf3A_131 : vector<400x128xf32>
    %mul3A_135 = arith.mulf %mul3A_127, %add3A_134 : vector<400x128xf32>
    %dot_general3A_136 = arith.constant dense<0.000000e+00> : vector<400x128xf32>
    %dot_general3A_137 = tpu.matmul %mul3A_135, %get3A_4, %dot_general3A_136 {dimension_numbers = #tpu.dot_dimension_numbers<[1], [0], [0], [1], [0, 0, 1, 1], [], []>, transpose_lhs_hint = false} : vector<400x128xf32>, vector<128x128xf32>, vector<400x128xf32> -> vector<400x128xf32>
    %max3A_138 = arith.maximumf %max3A_118, %dot_general3A_137 : vector<400x128xf32>
    %get3A_139 = arith.constant 7 : index
    %get3A_140 = arith.constant 0 : index
    %get3A_141 = arith.constant 0 : index
    %get3A_142 = vector.load %arg1[%get3A_139, %get3A_140, %get3A_141] : memref<32x400x128xf32, #tpu.memory_space<vmem>>, vector<1x400x128xf32>
    %get3A_143 = vector.shape_cast %get3A_142 : vector<1x400x128xf32> to vector<400x128xf32>
    %add3A_144 = arith.addf %get3A_1, %get3A_143 : vector<400x128xf32>
    %mul3A_145 = arith.constant 5.000000e-01 : f32
    %mul3A_146 = vector.broadcast %mul3A_145 : f32 to vector<400x128xf32>
    %mul3A_147 = arith.mulf %mul3A_146, %add3A_144 : vector<400x128xf32>
    %mul3A_148 = arith.constant 0.707106769 : f32
    %mul3A_149 = vector.broadcast %mul3A_148 : f32 to vector<400x128xf32>
    %mul3A_150 = arith.mulf %add3A_144, %mul3A_149 : vector<400x128xf32>
    %erf3A_151 = math.erf %mul3A_150 : vector<400x128xf32>
    %add3A_152 = arith.constant 1.000000e+00 : f32
    %add3A_153 = vector.broadcast %add3A_152 : f32 to vector<400x128xf32>
    %add3A_154 = arith.addf %add3A_153, %erf3A_151 : vector<400x128xf32>
    %mul3A_155 = arith.mulf %mul3A_147, %add3A_154 : vector<400x128xf32>
    %dot_general3A_156 = arith.constant dense<0.000000e+00> : vector<400x128xf32>
    %dot_general3A_157 = tpu.matmul %mul3A_155, %get3A_4, %dot_general3A_156 {dimension_numbers = #tpu.dot_dimension_numbers<[1], [0], [0], [1], [0, 0, 1, 1], [], []>, transpose_lhs_hint = false} : vector<400x128xf32>, vector<128x128xf32>, vector<400x128xf32> -> vector<400x128xf32>
    %max3A_158 = arith.maximumf %max3A_138, %dot_general3A_157 : vector<400x128xf32>
    %get3A_159 = arith.constant 8 : index
    %get3A_160 = arith.constant 0 : index
    %get3A_161 = arith.constant 0 : index
    %get3A_162 = vector.load %arg1[%get3A_159, %get3A_160, %get3A_161] : memref<32x400x128xf32, #tpu.memory_space<vmem>>, vector<1x400x128xf32>
    %get3A_163 = vector.shape_cast %get3A_162 : vector<1x400x128xf32> to vector<400x128xf32>
    %add3A_164 = arith.addf %get3A_1, %get3A_163 : vector<400x128xf32>
    %mul3A_165 = arith.constant 5.000000e-01 : f32
    %mul3A_166 = vector.broadcast %mul3A_165 : f32 to vector<400x128xf32>
    %mul3A_167 = arith.mulf %mul3A_166, %add3A_164 : vector<400x128xf32>
    %mul3A_168 = arith.constant 0.707106769 : f32
    %mul3A_169 = vector.broadcast %mul3A_168 : f32 to vector<400x128xf32>
    %mul3A_170 = arith.mulf %add3A_164, %mul3A_169 : vector<400x128xf32>
    %erf3A_171 = math.erf %mul3A_170 : vector<400x128xf32>
    %add3A_172 = arith.constant 1.000000e+00 : f32
    %add3A_173 = vector.broadcast %add3A_172 : f32 to vector<400x128xf32>
    %add3A_174 = arith.addf %add3A_173, %erf3A_171 : vector<400x128xf32>
    %mul3A_175 = arith.mulf %mul3A_167, %add3A_174 : vector<400x128xf32>
    %dot_general3A_176 = arith.constant dense<0.000000e+00> : vector<400x128xf32>
    %dot_general3A_177 = tpu.matmul %mul3A_175, %get3A_4, %dot_general3A_176 {dimension_numbers = #tpu.dot_dimension_numbers<[1], [0], [0], [1], [0, 0, 1, 1], [], []>, transpose_lhs_hint = false} : vector<400x128xf32>, vector<128x128xf32>, vector<400x128xf32> -> vector<400x128xf32>
    %max3A_178 = arith.maximumf %max3A_158, %dot_general3A_177 : vector<400x128xf32>
    %get3A_179 = arith.constant 9 : index
    %get3A_180 = arith.constant 0 : index
    %get3A_181 = arith.constant 0 : index
    %get3A_182 = vector.load %arg1[%get3A_179, %get3A_180, %get3A_181] : memref<32x400x128xf32, #tpu.memory_space<vmem>>, vector<1x400x128xf32>
    %get3A_183 = vector.shape_cast %get3A_182 : vector<1x400x128xf32> to vector<400x128xf32>
    %add3A_184 = arith.addf %get3A_1, %get3A_183 : vector<400x128xf32>
    %mul3A_185 = arith.constant 5.000000e-01 : f32
    %mul3A_186 = vector.broadcast %mul3A_185 : f32 to vector<400x128xf32>
    %mul3A_187 = arith.mulf %mul3A_186, %add3A_184 : vector<400x128xf32>
    %mul3A_188 = arith.constant 0.707106769 : f32
    %mul3A_189 = vector.broadcast %mul3A_188 : f32 to vector<400x128xf32>
    %mul3A_190 = arith.mulf %add3A_184, %mul3A_189 : vector<400x128xf32>
    %erf3A_191 = math.erf %mul3A_190 : vector<400x128xf32>
    %add3A_192 = arith.constant 1.000000e+00 : f32
    %add3A_193 = vector.broadcast %add3A_192 : f32 to vector<400x128xf32>
    %add3A_194 = arith.addf %add3A_193, %erf3A_191 : vector<400x128xf32>
    %mul3A_195 = arith.mulf %mul3A_187, %add3A_194 : vector<400x128xf32>
    %dot_general3A_196 = arith.constant dense<0.000000e+00> : vector<400x128xf32>
    %dot_general3A_197 = tpu.matmul %mul3A_195, %get3A_4, %dot_general3A_196 {dimension_numbers = #tpu.dot_dimension_numbers<[1], [0], [0], [1], [0, 0, 1, 1], [], []>, transpose_lhs_hint = false} : vector<400x128xf32>, vector<128x128xf32>, vector<400x128xf32> -> vector<400x128xf32>
    %max3A_198 = arith.maximumf %max3A_178, %dot_general3A_197 : vector<400x128xf32>
    %get3A_199 = arith.constant 10 : index
    %get3A_200 = arith.constant 0 : index
    %get3A_201 = arith.constant 0 : index
    %get3A_202 = vector.load %arg1[%get3A_199, %get3A_200, %get3A_201] : memref<32x400x128xf32, #tpu.memory_space<vmem>>, vector<1x400x128xf32>
    %get3A_203 = vector.shape_cast %get3A_202 : vector<1x400x128xf32> to vector<400x128xf32>
    %add3A_204 = arith.addf %get3A_1, %get3A_203 : vector<400x128xf32>
    %mul3A_205 = arith.constant 5.000000e-01 : f32
    %mul3A_206 = vector.broadcast %mul3A_205 : f32 to vector<400x128xf32>
    %mul3A_207 = arith.mulf %mul3A_206, %add3A_204 : vector<400x128xf32>
    %mul3A_208 = arith.constant 0.707106769 : f32
    %mul3A_209 = vector.broadcast %mul3A_208 : f32 to vector<400x128xf32>
    %mul3A_210 = arith.mulf %add3A_204, %mul3A_209 : vector<400x128xf32>
    %erf3A_211 = math.erf %mul3A_210 : vector<400x128xf32>
    %add3A_212 = arith.constant 1.000000e+00 : f32
    %add3A_213 = vector.broadcast %add3A_212 : f32 to vector<400x128xf32>
    %add3A_214 = arith.addf %add3A_213, %erf3A_211 : vector<400x128xf32>
    %mul3A_215 = arith.mulf %mul3A_207, %add3A_214 : vector<400x128xf32>
    %dot_general3A_216 = arith.constant dense<0.000000e+00> : vector<400x128xf32>
    %dot_general3A_217 = tpu.matmul %mul3A_215, %get3A_4, %dot_general3A_216 {dimension_numbers = #tpu.dot_dimension_numbers<[1], [0], [0], [1], [0, 0, 1, 1], [], []>, transpose_lhs_hint = false} : vector<400x128xf32>, vector<128x128xf32>, vector<400x128xf32> -> vector<400x128xf32>
    %max3A_218 = arith.maximumf %max3A_198, %dot_general3A_217 : vector<400x128xf32>
    %get3A_219 = arith.constant 11 : index
    %get3A_220 = arith.constant 0 : index
    %get3A_221 = arith.constant 0 : index
    %get3A_222 = vector.load %arg1[%get3A_219, %get3A_220, %get3A_221] : memref<32x400x128xf32, #tpu.memory_space<vmem>>, vector<1x400x128xf32>
    %get3A_223 = vector.shape_cast %get3A_222 : vector<1x400x128xf32> to vector<400x128xf32>
    %add3A_224 = arith.addf %get3A_1, %get3A_223 : vector<400x128xf32>
    %mul3A_225 = arith.constant 5.000000e-01 : f32
    %mul3A_226 = vector.broadcast %mul3A_225 : f32 to vector<400x128xf32>
    %mul3A_227 = arith.mulf %mul3A_226, %add3A_224 : vector<400x128xf32>
    %mul3A_228 = arith.constant 0.707106769 : f32
    %mul3A_229 = vector.broadcast %mul3A_228 : f32 to vector<400x128xf32>
    %mul3A_230 = arith.mulf %add3A_224, %mul3A_229 : vector<400x128xf32>
    %erf3A_231 = math.erf %mul3A_230 : vector<400x128xf32>
    %add3A_232 = arith.constant 1.000000e+00 : f32
    %add3A_233 = vector.broadcast %add3A_232 : f32 to vector<400x128xf32>
    %add3A_234 = arith.addf %add3A_233, %erf3A_231 : vector<400x128xf32>
    %mul3A_235 = arith.mulf %mul3A_227, %add3A_234 : vector<400x128xf32>
    %dot_general3A_236 = arith.constant dense<0.000000e+00> : vector<400x128xf32>
    %dot_general3A_237 = tpu.matmul %mul3A_235, %get3A_4, %dot_general3A_236 {dimension_numbers = #tpu.dot_dimension_numbers<[1], [0], [0], [1], [0, 0, 1, 1], [], []>, transpose_lhs_hint = false} : vector<400x128xf32>, vector<128x128xf32>, vector<400x128xf32> -> vector<400x128xf32>
    %max3A_238 = arith.maximumf %max3A_218, %dot_general3A_237 : vector<400x128xf32>
    %get3A_239 = arith.constant 12 : index
    %get3A_240 = arith.constant 0 : index
    %get3A_241 = arith.constant 0 : index
    %get3A_242 = vector.load %arg1[%get3A_239, %get3A_240, %get3A_241] : memref<32x400x128xf32, #tpu.memory_space<vmem>>, vector<1x400x128xf32>
    %get3A_243 = vector.shape_cast %get3A_242 : vector<1x400x128xf32> to vector<400x128xf32>
    %add3A_244 = arith.addf %get3A_1, %get3A_243 : vector<400x128xf32>
    %mul3A_245 = arith.constant 5.000000e-01 : f32
    %mul3A_246 = vector.broadcast %mul3A_245 : f32 to vector<400x128xf32>
    %mul3A_247 = arith.mulf %mul3A_246, %add3A_244 : vector<400x128xf32>
    %mul3A_248 = arith.constant 0.707106769 : f32
    %mul3A_249 = vector.broadcast %mul3A_248 : f32 to vector<400x128xf32>
    %mul3A_250 = arith.mulf %add3A_244, %mul3A_249 : vector<400x128xf32>
    %erf3A_251 = math.erf %mul3A_250 : vector<400x128xf32>
    %add3A_252 = arith.constant 1.000000e+00 : f32
    %add3A_253 = vector.broadcast %add3A_252 : f32 to vector<400x128xf32>
    %add3A_254 = arith.addf %add3A_253, %erf3A_251 : vector<400x128xf32>
    %mul3A_255 = arith.mulf %mul3A_247, %add3A_254 : vector<400x128xf32>
    %dot_general3A_256 = arith.constant dense<0.000000e+00> : vector<400x128xf32>
    %dot_general3A_257 = tpu.matmul %mul3A_255, %get3A_4, %dot_general3A_256 {dimension_numbers = #tpu.dot_dimension_numbers<[1], [0], [0], [1], [0, 0, 1, 1], [], []>, transpose_lhs_hint = false} : vector<400x128xf32>, vector<128x128xf32>, vector<400x128xf32> -> vector<400x128xf32>
    %max3A_258 = arith.maximumf %max3A_238, %dot_general3A_257 : vector<400x128xf32>
    %get3A_259 = arith.constant 13 : index
    %get3A_260 = arith.constant 0 : index
    %get3A_261 = arith.constant 0 : index
    %get3A_262 = vector.load %arg1[%get3A_259, %get3A_260, %get3A_261] : memref<32x400x128xf32, #tpu.memory_space<vmem>>, vector<1x400x128xf32>
    %get3A_263 = vector.shape_cast %get3A_262 : vector<1x400x128xf32> to vector<400x128xf32>
    %add3A_264 = arith.addf %get3A_1, %get3A_263 : vector<400x128xf32>
    %mul3A_265 = arith.constant 5.000000e-01 : f32
    %mul3A_266 = vector.broadcast %mul3A_265 : f32 to vector<400x128xf32>
    %mul3A_267 = arith.mulf %mul3A_266, %add3A_264 : vector<400x128xf32>
    %mul3A_268 = arith.constant 0.707106769 : f32
    %mul3A_269 = vector.broadcast %mul3A_268 : f32 to vector<400x128xf32>
    %mul3A_270 = arith.mulf %add3A_264, %mul3A_269 : vector<400x128xf32>
    %erf3A_271 = math.erf %mul3A_270 : vector<400x128xf32>
    %add3A_272 = arith.constant 1.000000e+00 : f32
    %add3A_273 = vector.broadcast %add3A_272 : f32 to vector<400x128xf32>
    %add3A_274 = arith.addf %add3A_273, %erf3A_271 : vector<400x128xf32>
    %mul3A_275 = arith.mulf %mul3A_267, %add3A_274 : vector<400x128xf32>
    %dot_general3A_276 = arith.constant dense<0.000000e+00> : vector<400x128xf32>
    %dot_general3A_277 = tpu.matmul %mul3A_275, %get3A_4, %dot_general3A_276 {dimension_numbers = #tpu.dot_dimension_numbers<[1], [0], [0], [1], [0, 0, 1, 1], [], []>, transpose_lhs_hint = false} : vector<400x128xf32>, vector<128x128xf32>, vector<400x128xf32> -> vector<400x128xf32>
    %max3A_278 = arith.maximumf %max3A_258, %dot_general3A_277 : vector<400x128xf32>
    %get3A_279 = arith.constant 14 : index
    %get3A_280 = arith.constant 0 : index
    %get3A_281 = arith.constant 0 : index
    %get3A_282 = vector.load %arg1[%get3A_279, %get3A_280, %get3A_281] : memref<32x400x128xf32, #tpu.memory_space<vmem>>, vector<1x400x128xf32>
    %get3A_283 = vector.shape_cast %get3A_282 : vector<1x400x128xf32> to vector<400x128xf32>
    %add3A_284 = arith.addf %get3A_1, %get3A_283 : vector<400x128xf32>
    %mul3A_285 = arith.constant 5.000000e-01 : f32
    %mul3A_286 = vector.broadcast %mul3A_285 : f32 to vector<400x128xf32>
    %mul3A_287 = arith.mulf %mul3A_286, %add3A_284 : vector<400x128xf32>
    %mul3A_288 = arith.constant 0.707106769 : f32
    %mul3A_289 = vector.broadcast %mul3A_288 : f32 to vector<400x128xf32>
    %mul3A_290 = arith.mulf %add3A_284, %mul3A_289 : vector<400x128xf32>
    %erf3A_291 = math.erf %mul3A_290 : vector<400x128xf32>
    %add3A_292 = arith.constant 1.000000e+00 : f32
    %add3A_293 = vector.broadcast %add3A_292 : f32 to vector<400x128xf32>
    %add3A_294 = arith.addf %add3A_293, %erf3A_291 : vector<400x128xf32>
    %mul3A_295 = arith.mulf %mul3A_287, %add3A_294 : vector<400x128xf32>
    %dot_general3A_296 = arith.constant dense<0.000000e+00> : vector<400x128xf32>
    %dot_general3A_297 = tpu.matmul %mul3A_295, %get3A_4, %dot_general3A_296 {dimension_numbers = #tpu.dot_dimension_numbers<[1], [0], [0], [1], [0, 0, 1, 1], [], []>, transpose_lhs_hint = false} : vector<400x128xf32>, vector<128x128xf32>, vector<400x128xf32> -> vector<400x128xf32>
    %max3A_298 = arith.maximumf %max3A_278, %dot_general3A_297 : vector<400x128xf32>
    %get3A_299 = arith.constant 15 : index
    %get3A_300 = arith.constant 0 : index
    %get3A_301 = arith.constant 0 : index
    %get3A_302 = vector.load %arg1[%get3A_299, %get3A_300, %get3A_301] : memref<32x400x128xf32, #tpu.memory_space<vmem>>, vector<1x400x128xf32>
    %get3A_303 = vector.shape_cast %get3A_302 : vector<1x400x128xf32> to vector<400x128xf32>
    %add3A_304 = arith.addf %get3A_1, %get3A_303 : vector<400x128xf32>
    %mul3A_305 = arith.constant 5.000000e-01 : f32
    %mul3A_306 = vector.broadcast %mul3A_305 : f32 to vector<400x128xf32>
    %mul3A_307 = arith.mulf %mul3A_306, %add3A_304 : vector<400x128xf32>
    %mul3A_308 = arith.constant 0.707106769 : f32
    %mul3A_309 = vector.broadcast %mul3A_308 : f32 to vector<400x128xf32>
    %mul3A_310 = arith.mulf %add3A_304, %mul3A_309 : vector<400x128xf32>
    %erf3A_311 = math.erf %mul3A_310 : vector<400x128xf32>
    %add3A_312 = arith.constant 1.000000e+00 : f32
    %add3A_313 = vector.broadcast %add3A_312 : f32 to vector<400x128xf32>
    %add3A_314 = arith.addf %add3A_313, %erf3A_311 : vector<400x128xf32>
    %mul3A_315 = arith.mulf %mul3A_307, %add3A_314 : vector<400x128xf32>
    %dot_general3A_316 = arith.constant dense<0.000000e+00> : vector<400x128xf32>
    %dot_general3A_317 = tpu.matmul %mul3A_315, %get3A_4, %dot_general3A_316 {dimension_numbers = #tpu.dot_dimension_numbers<[1], [0], [0], [1], [0, 0, 1, 1], [], []>, transpose_lhs_hint = false} : vector<400x128xf32>, vector<128x128xf32>, vector<400x128xf32> -> vector<400x128xf32>
    %max3A_318 = arith.maximumf %max3A_298, %dot_general3A_317 : vector<400x128xf32>
    %get3A_319 = arith.constant 16 : index
    %get3A_320 = arith.constant 0 : index
    %get3A_321 = arith.constant 0 : index
    %get3A_322 = vector.load %arg1[%get3A_319, %get3A_320, %get3A_321] : memref<32x400x128xf32, #tpu.memory_space<vmem>>, vector<1x400x128xf32>
    %get3A_323 = vector.shape_cast %get3A_322 : vector<1x400x128xf32> to vector<400x128xf32>
    %add3A_324 = arith.addf %get3A_1, %get3A_323 : vector<400x128xf32>
    %mul3A_325 = arith.constant 5.000000e-01 : f32
    %mul3A_326 = vector.broadcast %mul3A_325 : f32 to vector<400x128xf32>
    %mul3A_327 = arith.mulf %mul3A_326, %add3A_324 : vector<400x128xf32>
    %mul3A_328 = arith.constant 0.707106769 : f32
    %mul3A_329 = vector.broadcast %mul3A_328 : f32 to vector<400x128xf32>
    %mul3A_330 = arith.mulf %add3A_324, %mul3A_329 : vector<400x128xf32>
    %erf3A_331 = math.erf %mul3A_330 : vector<400x128xf32>
    %add3A_332 = arith.constant 1.000000e+00 : f32
    %add3A_333 = vector.broadcast %add3A_332 : f32 to vector<400x128xf32>
    %add3A_334 = arith.addf %add3A_333, %erf3A_331 : vector<400x128xf32>
    %mul3A_335 = arith.mulf %mul3A_327, %add3A_334 : vector<400x128xf32>
    %dot_general3A_336 = arith.constant dense<0.000000e+00> : vector<400x128xf32>
    %dot_general3A_337 = tpu.matmul %mul3A_335, %get3A_4, %dot_general3A_336 {dimension_numbers = #tpu.dot_dimension_numbers<[1], [0], [0], [1], [0, 0, 1, 1], [], []>, transpose_lhs_hint = false} : vector<400x128xf32>, vector<128x128xf32>, vector<400x128xf32> -> vector<400x128xf32>
    %max3A_338 = arith.maximumf %max3A_318, %dot_general3A_337 : vector<400x128xf32>
    %get3A_339 = arith.constant 17 : index
    %get3A_340 = arith.constant 0 : index
    %get3A_341 = arith.constant 0 : index
    %get3A_342 = vector.load %arg1[%get3A_339, %get3A_340, %get3A_341] : memref<32x400x128xf32, #tpu.memory_space<vmem>>, vector<1x400x128xf32>
    %get3A_343 = vector.shape_cast %get3A_342 : vector<1x400x128xf32> to vector<400x128xf32>
    %add3A_344 = arith.addf %get3A_1, %get3A_343 : vector<400x128xf32>
    %mul3A_345 = arith.constant 5.000000e-01 : f32
    %mul3A_346 = vector.broadcast %mul3A_345 : f32 to vector<400x128xf32>
    %mul3A_347 = arith.mulf %mul3A_346, %add3A_344 : vector<400x128xf32>
    %mul3A_348 = arith.constant 0.707106769 : f32
    %mul3A_349 = vector.broadcast %mul3A_348 : f32 to vector<400x128xf32>
    %mul3A_350 = arith.mulf %add3A_344, %mul3A_349 : vector<400x128xf32>
    %erf3A_351 = math.erf %mul3A_350 : vector<400x128xf32>
    %add3A_352 = arith.constant 1.000000e+00 : f32
    %add3A_353 = vector.broadcast %add3A_352 : f32 to vector<400x128xf32>
    %add3A_354 = arith.addf %add3A_353, %erf3A_351 : vector<400x128xf32>
    %mul3A_355 = arith.mulf %mul3A_347, %add3A_354 : vector<400x128xf32>
    %dot_general3A_356 = arith.constant dense<0.000000e+00> : vector<400x128xf32>
    %dot_general3A_357 = tpu.matmul %mul3A_355, %get3A_4, %dot_general3A_356 {dimension_numbers = #tpu.dot_dimension_numbers<[1], [0], [0], [1], [0, 0, 1, 1], [], []>, transpose_lhs_hint = false} : vector<400x128xf32>, vector<128x128xf32>, vector<400x128xf32> -> vector<400x128xf32>
    %max3A_358 = arith.maximumf %max3A_338, %dot_general3A_357 : vector<400x128xf32>
    %get3A_359 = arith.constant 18 : index
    %get3A_360 = arith.constant 0 : index
    %get3A_361 = arith.constant 0 : index
    %get3A_362 = vector.load %arg1[%get3A_359, %get3A_360, %get3A_361] : memref<32x400x128xf32, #tpu.memory_space<vmem>>, vector<1x400x128xf32>
    %get3A_363 = vector.shape_cast %get3A_362 : vector<1x400x128xf32> to vector<400x128xf32>
    %add3A_364 = arith.addf %get3A_1, %get3A_363 : vector<400x128xf32>
    %mul3A_365 = arith.constant 5.000000e-01 : f32
    %mul3A_366 = vector.broadcast %mul3A_365 : f32 to vector<400x128xf32>
    %mul3A_367 = arith.mulf %mul3A_366, %add3A_364 : vector<400x128xf32>
    %mul3A_368 = arith.constant 0.707106769 : f32
    %mul3A_369 = vector.broadcast %mul3A_368 : f32 to vector<400x128xf32>
    %mul3A_370 = arith.mulf %add3A_364, %mul3A_369 : vector<400x128xf32>
    %erf3A_371 = math.erf %mul3A_370 : vector<400x128xf32>
    %add3A_372 = arith.constant 1.000000e+00 : f32
    %add3A_373 = vector.broadcast %add3A_372 : f32 to vector<400x128xf32>
    %add3A_374 = arith.addf %add3A_373, %erf3A_371 : vector<400x128xf32>
    %mul3A_375 = arith.mulf %mul3A_367, %add3A_374 : vector<400x128xf32>
    %dot_general3A_376 = arith.constant dense<0.000000e+00> : vector<400x128xf32>
    %dot_general3A_377 = tpu.matmul %mul3A_375, %get3A_4, %dot_general3A_376 {dimension_numbers = #tpu.dot_dimension_numbers<[1], [0], [0], [1], [0, 0, 1, 1], [], []>, transpose_lhs_hint = false} : vector<400x128xf32>, vector<128x128xf32>, vector<400x128xf32> -> vector<400x128xf32>
    %max3A_378 = arith.maximumf %max3A_358, %dot_general3A_377 : vector<400x128xf32>
    %get3A_379 = arith.constant 19 : index
    %get3A_380 = arith.constant 0 : index
    %get3A_381 = arith.constant 0 : index
    %get3A_382 = vector.load %arg1[%get3A_379, %get3A_380, %get3A_381] : memref<32x400x128xf32, #tpu.memory_space<vmem>>, vector<1x400x128xf32>
    %get3A_383 = vector.shape_cast %get3A_382 : vector<1x400x128xf32> to vector<400x128xf32>
    %add3A_384 = arith.addf %get3A_1, %get3A_383 : vector<400x128xf32>
    %mul3A_385 = arith.constant 5.000000e-01 : f32
    %mul3A_386 = vector.broadcast %mul3A_385 : f32 to vector<400x128xf32>
    %mul3A_387 = arith.mulf %mul3A_386, %add3A_384 : vector<400x128xf32>
    %mul3A_388 = arith.constant 0.707106769 : f32
    %mul3A_389 = vector.broadcast %mul3A_388 : f32 to vector<400x128xf32>
    %mul3A_390 = arith.mulf %add3A_384, %mul3A_389 : vector<400x128xf32>
    %erf3A_391 = math.erf %mul3A_390 : vector<400x128xf32>
    %add3A_392 = arith.constant 1.000000e+00 : f32
    %add3A_393 = vector.broadcast %add3A_392 : f32 to vector<400x128xf32>
    %add3A_394 = arith.addf %add3A_393, %erf3A_391 : vector<400x128xf32>
    %mul3A_395 = arith.mulf %mul3A_387, %add3A_394 : vector<400x128xf32>
    %dot_general3A_396 = arith.constant dense<0.000000e+00> : vector<400x128xf32>
    %dot_general3A_397 = tpu.matmul %mul3A_395, %get3A_4, %dot_general3A_396 {dimension_numbers = #tpu.dot_dimension_numbers<[1], [0], [0], [1], [0, 0, 1, 1], [], []>, transpose_lhs_hint = false} : vector<400x128xf32>, vector<128x128xf32>, vector<400x128xf32> -> vector<400x128xf32>
    %max3A_398 = arith.maximumf %max3A_378, %dot_general3A_397 : vector<400x128xf32>
    %get3A_399 = arith.constant 20 : index
    %get3A_400 = arith.constant 0 : index
    %get3A_401 = arith.constant 0 : index
    %get3A_402 = vector.load %arg1[%get3A_399, %get3A_400, %get3A_401] : memref<32x400x128xf32, #tpu.memory_space<vmem>>, vector<1x400x128xf32>
    %get3A_403 = vector.shape_cast %get3A_402 : vector<1x400x128xf32> to vector<400x128xf32>
    %add3A_404 = arith.addf %get3A_1, %get3A_403 : vector<400x128xf32>
    %mul3A_405 = arith.constant 5.000000e-01 : f32
    %mul3A_406 = vector.broadcast %mul3A_405 : f32 to vector<400x128xf32>
    %mul3A_407 = arith.mulf %mul3A_406, %add3A_404 : vector<400x128xf32>
    %mul3A_408 = arith.constant 0.707106769 : f32
    %mul3A_409 = vector.broadcast %mul3A_408 : f32 to vector<400x128xf32>
    %mul3A_410 = arith.mulf %add3A_404, %mul3A_409 : vector<400x128xf32>
    %erf3A_411 = math.erf %mul3A_410 : vector<400x128xf32>
    %add3A_412 = arith.constant 1.000000e+00 : f32
    %add3A_413 = vector.broadcast %add3A_412 : f32 to vector<400x128xf32>
    %add3A_414 = arith.addf %add3A_413, %erf3A_411 : vector<400x128xf32>
    %mul3A_415 = arith.mulf %mul3A_407, %add3A_414 : vector<400x128xf32>
    %dot_general3A_416 = arith.constant dense<0.000000e+00> : vector<400x128xf32>
    %dot_general3A_417 = tpu.matmul %mul3A_415, %get3A_4, %dot_general3A_416 {dimension_numbers = #tpu.dot_dimension_numbers<[1], [0], [0], [1], [0, 0, 1, 1], [], []>, transpose_lhs_hint = false} : vector<400x128xf32>, vector<128x128xf32>, vector<400x128xf32> -> vector<400x128xf32>
    %max3A_418 = arith.maximumf %max3A_398, %dot_general3A_417 : vector<400x128xf32>
    %get3A_419 = arith.constant 21 : index
    %get3A_420 = arith.constant 0 : index
    %get3A_421 = arith.constant 0 : index
    %get3A_422 = vector.load %arg1[%get3A_419, %get3A_420, %get3A_421] : memref<32x400x128xf32, #tpu.memory_space<vmem>>, vector<1x400x128xf32>
    %get3A_423 = vector.shape_cast %get3A_422 : vector<1x400x128xf32> to vector<400x128xf32>
    %add3A_424 = arith.addf %get3A_1, %get3A_423 : vector<400x128xf32>
    %mul3A_425 = arith.constant 5.000000e-01 : f32
    %mul3A_426 = vector.broadcast %mul3A_425 : f32 to vector<400x128xf32>
    %mul3A_427 = arith.mulf %mul3A_426, %add3A_424 : vector<400x128xf32>
    %mul3A_428 = arith.constant 0.707106769 : f32
    %mul3A_429 = vector.broadcast %mul3A_428 : f32 to vector<400x128xf32>
    %mul3A_430 = arith.mulf %add3A_424, %mul3A_429 : vector<400x128xf32>
    %erf3A_431 = math.erf %mul3A_430 : vector<400x128xf32>
    %add3A_432 = arith.constant 1.000000e+00 : f32
    %add3A_433 = vector.broadcast %add3A_432 : f32 to vector<400x128xf32>
    %add3A_434 = arith.addf %add3A_433, %erf3A_431 : vector<400x128xf32>
    %mul3A_435 = arith.mulf %mul3A_427, %add3A_434 : vector<400x128xf32>
    %dot_general3A_436 = arith.constant dense<0.000000e+00> : vector<400x128xf32>
    %dot_general3A_437 = tpu.matmul %mul3A_435, %get3A_4, %dot_general3A_436 {dimension_numbers = #tpu.dot_dimension_numbers<[1], [0], [0], [1], [0, 0, 1, 1], [], []>, transpose_lhs_hint = false} : vector<400x128xf32>, vector<128x128xf32>, vector<400x128xf32> -> vector<400x128xf32>
    %max3A_438 = arith.maximumf %max3A_418, %dot_general3A_437 : vector<400x128xf32>
    %get3A_439 = arith.constant 22 : index
    %get3A_440 = arith.constant 0 : index
    %get3A_441 = arith.constant 0 : index
    %get3A_442 = vector.load %arg1[%get3A_439, %get3A_440, %get3A_441] : memref<32x400x128xf32, #tpu.memory_space<vmem>>, vector<1x400x128xf32>
    %get3A_443 = vector.shape_cast %get3A_442 : vector<1x400x128xf32> to vector<400x128xf32>
    %add3A_444 = arith.addf %get3A_1, %get3A_443 : vector<400x128xf32>
    %mul3A_445 = arith.constant 5.000000e-01 : f32
    %mul3A_446 = vector.broadcast %mul3A_445 : f32 to vector<400x128xf32>
    %mul3A_447 = arith.mulf %mul3A_446, %add3A_444 : vector<400x128xf32>
    %mul3A_448 = arith.constant 0.707106769 : f32
    %mul3A_449 = vector.broadcast %mul3A_448 : f32 to vector<400x128xf32>
    %mul3A_450 = arith.mulf %add3A_444, %mul3A_449 : vector<400x128xf32>
    %erf3A_451 = math.erf %mul3A_450 : vector<400x128xf32>
    %add3A_452 = arith.constant 1.000000e+00 : f32
    %add3A_453 = vector.broadcast %add3A_452 : f32 to vector<400x128xf32>
    %add3A_454 = arith.addf %add3A_453, %erf3A_451 : vector<400x128xf32>
    %mul3A_455 = arith.mulf %mul3A_447, %add3A_454 : vector<400x128xf32>
    %dot_general3A_456 = arith.constant dense<0.000000e+00> : vector<400x128xf32>
    %dot_general3A_457 = tpu.matmul %mul3A_455, %get3A_4, %dot_general3A_456 {dimension_numbers = #tpu.dot_dimension_numbers<[1], [0], [0], [1], [0, 0, 1, 1], [], []>, transpose_lhs_hint = false} : vector<400x128xf32>, vector<128x128xf32>, vector<400x128xf32> -> vector<400x128xf32>
    %max3A_458 = arith.maximumf %max3A_438, %dot_general3A_457 : vector<400x128xf32>
    %get3A_459 = arith.constant 23 : index
    %get3A_460 = arith.constant 0 : index
    %get3A_461 = arith.constant 0 : index
    %get3A_462 = vector.load %arg1[%get3A_459, %get3A_460, %get3A_461] : memref<32x400x128xf32, #tpu.memory_space<vmem>>, vector<1x400x128xf32>
    %get3A_463 = vector.shape_cast %get3A_462 : vector<1x400x128xf32> to vector<400x128xf32>
    %add3A_464 = arith.addf %get3A_1, %get3A_463 : vector<400x128xf32>
    %mul3A_465 = arith.constant 5.000000e-01 : f32
    %mul3A_466 = vector.broadcast %mul3A_465 : f32 to vector<400x128xf32>
    %mul3A_467 = arith.mulf %mul3A_466, %add3A_464 : vector<400x128xf32>
    %mul3A_468 = arith.constant 0.707106769 : f32
    %mul3A_469 = vector.broadcast %mul3A_468 : f32 to vector<400x128xf32>
    %mul3A_470 = arith.mulf %add3A_464, %mul3A_469 : vector<400x128xf32>
    %erf3A_471 = math.erf %mul3A_470 : vector<400x128xf32>
    %add3A_472 = arith.constant 1.000000e+00 : f32
    %add3A_473 = vector.broadcast %add3A_472 : f32 to vector<400x128xf32>
    %add3A_474 = arith.addf %add3A_473, %erf3A_471 : vector<400x128xf32>
    %mul3A_475 = arith.mulf %mul3A_467, %add3A_474 : vector<400x128xf32>
    %dot_general3A_476 = arith.constant dense<0.000000e+00> : vector<400x128xf32>
    %dot_general3A_477 = tpu.matmul %mul3A_475, %get3A_4, %dot_general3A_476 {dimension_numbers = #tpu.dot_dimension_numbers<[1], [0], [0], [1], [0, 0, 1, 1], [], []>, transpose_lhs_hint = false} : vector<400x128xf32>, vector<128x128xf32>, vector<400x128xf32> -> vector<400x128xf32>
    %max3A_478 = arith.maximumf %max3A_458, %dot_general3A_477 : vector<400x128xf32>
    %get3A_479 = arith.constant 24 : index
    %get3A_480 = arith.constant 0 : index
    %get3A_481 = arith.constant 0 : index
    %get3A_482 = vector.load %arg1[%get3A_479, %get3A_480, %get3A_481] : memref<32x400x128xf32, #tpu.memory_space<vmem>>, vector<1x400x128xf32>
    %get3A_483 = vector.shape_cast %get3A_482 : vector<1x400x128xf32> to vector<400x128xf32>
    %add3A_484 = arith.addf %get3A_1, %get3A_483 : vector<400x128xf32>
    %mul3A_485 = arith.constant 5.000000e-01 : f32
    %mul3A_486 = vector.broadcast %mul3A_485 : f32 to vector<400x128xf32>
    %mul3A_487 = arith.mulf %mul3A_486, %add3A_484 : vector<400x128xf32>
    %mul3A_488 = arith.constant 0.707106769 : f32
    %mul3A_489 = vector.broadcast %mul3A_488 : f32 to vector<400x128xf32>
    %mul3A_490 = arith.mulf %add3A_484, %mul3A_489 : vector<400x128xf32>
    %erf3A_491 = math.erf %mul3A_490 : vector<400x128xf32>
    %add3A_492 = arith.constant 1.000000e+00 : f32
    %add3A_493 = vector.broadcast %add3A_492 : f32 to vector<400x128xf32>
    %add3A_494 = arith.addf %add3A_493, %erf3A_491 : vector<400x128xf32>
    %mul3A_495 = arith.mulf %mul3A_487, %add3A_494 : vector<400x128xf32>
    %dot_general3A_496 = arith.constant dense<0.000000e+00> : vector<400x128xf32>
    %dot_general3A_497 = tpu.matmul %mul3A_495, %get3A_4, %dot_general3A_496 {dimension_numbers = #tpu.dot_dimension_numbers<[1], [0], [0], [1], [0, 0, 1, 1], [], []>, transpose_lhs_hint = false} : vector<400x128xf32>, vector<128x128xf32>, vector<400x128xf32> -> vector<400x128xf32>
    %max3A_498 = arith.maximumf %max3A_478, %dot_general3A_497 : vector<400x128xf32>
    %get3A_499 = arith.constant 25 : index
    %get3A_500 = arith.constant 0 : index
    %get3A_501 = arith.constant 0 : index
    %get3A_502 = vector.load %arg1[%get3A_499, %get3A_500, %get3A_501] : memref<32x400x128xf32, #tpu.memory_space<vmem>>, vector<1x400x128xf32>
    %get3A_503 = vector.shape_cast %get3A_502 : vector<1x400x128xf32> to vector<400x128xf32>
    %add3A_504 = arith.addf %get3A_1, %get3A_503 : vector<400x128xf32>
    %mul3A_505 = arith.constant 5.000000e-01 : f32
    %mul3A_506 = vector.broadcast %mul3A_505 : f32 to vector<400x128xf32>
    %mul3A_507 = arith.mulf %mul3A_506, %add3A_504 : vector<400x128xf32>
    %mul3A_508 = arith.constant 0.707106769 : f32
    %mul3A_509 = vector.broadcast %mul3A_508 : f32 to vector<400x128xf32>
    %mul3A_510 = arith.mulf %add3A_504, %mul3A_509 : vector<400x128xf32>
    %erf3A_511 = math.erf %mul3A_510 : vector<400x128xf32>
    %add3A_512 = arith.constant 1.000000e+00 : f32
    %add3A_513 = vector.broadcast %add3A_512 : f32 to vector<400x128xf32>
    %add3A_514 = arith.addf %add3A_513, %erf3A_511 : vector<400x128xf32>
    %mul3A_515 = arith.mulf %mul3A_507, %add3A_514 : vector<400x128xf32>
    %dot_general3A_516 = arith.constant dense<0.000000e+00> : vector<400x128xf32>
    %dot_general3A_517 = tpu.matmul %mul3A_515, %get3A_4, %dot_general3A_516 {dimension_numbers = #tpu.dot_dimension_numbers<[1], [0], [0], [1], [0, 0, 1, 1], [], []>, transpose_lhs_hint = false} : vector<400x128xf32>, vector<128x128xf32>, vector<400x128xf32> -> vector<400x128xf32>
    %max3A_518 = arith.maximumf %max3A_498, %dot_general3A_517 : vector<400x128xf32>
    %get3A_519 = arith.constant 26 : index
    %get3A_520 = arith.constant 0 : index
    %get3A_521 = arith.constant 0 : index
    %get3A_522 = vector.load %arg1[%get3A_519, %get3A_520, %get3A_521] : memref<32x400x128xf32, #tpu.memory_space<vmem>>, vector<1x400x128xf32>
    %get3A_523 = vector.shape_cast %get3A_522 : vector<1x400x128xf32> to vector<400x128xf32>
    %add3A_524 = arith.addf %get3A_1, %get3A_523 : vector<400x128xf32>
    %mul3A_525 = arith.constant 5.000000e-01 : f32
    %mul3A_526 = vector.broadcast %mul3A_525 : f32 to vector<400x128xf32>
    %mul3A_527 = arith.mulf %mul3A_526, %add3A_524 : vector<400x128xf32>
    %mul3A_528 = arith.constant 0.707106769 : f32
    %mul3A_529 = vector.broadcast %mul3A_528 : f32 to vector<400x128xf32>
    %mul3A_530 = arith.mulf %add3A_524, %mul3A_529 : vector<400x128xf32>
    %erf3A_531 = math.erf %mul3A_530 : vector<400x128xf32>
    %add3A_532 = arith.constant 1.000000e+00 : f32
    %add3A_533 = vector.broadcast %add3A_532 : f32 to vector<400x128xf32>
    %add3A_534 = arith.addf %add3A_533, %erf3A_531 : vector<400x128xf32>
    %mul3A_535 = arith.mulf %mul3A_527, %add3A_534 : vector<400x128xf32>
    %dot_general3A_536 = arith.constant dense<0.000000e+00> : vector<400x128xf32>
    %dot_general3A_537 = tpu.matmul %mul3A_535, %get3A_4, %dot_general3A_536 {dimension_numbers = #tpu.dot_dimension_numbers<[1], [0], [0], [1], [0, 0, 1, 1], [], []>, transpose_lhs_hint = false} : vector<400x128xf32>, vector<128x128xf32>, vector<400x128xf32> -> vector<400x128xf32>
    %max3A_538 = arith.maximumf %max3A_518, %dot_general3A_537 : vector<400x128xf32>
    %get3A_539 = arith.constant 27 : index
    %get3A_540 = arith.constant 0 : index
    %get3A_541 = arith.constant 0 : index
    %get3A_542 = vector.load %arg1[%get3A_539, %get3A_540, %get3A_541] : memref<32x400x128xf32, #tpu.memory_space<vmem>>, vector<1x400x128xf32>
    %get3A_543 = vector.shape_cast %get3A_542 : vector<1x400x128xf32> to vector<400x128xf32>
    %add3A_544 = arith.addf %get3A_1, %get3A_543 : vector<400x128xf32>
    %mul3A_545 = arith.constant 5.000000e-01 : f32
    %mul3A_546 = vector.broadcast %mul3A_545 : f32 to vector<400x128xf32>
    %mul3A_547 = arith.mulf %mul3A_546, %add3A_544 : vector<400x128xf32>
    %mul3A_548 = arith.constant 0.707106769 : f32
    %mul3A_549 = vector.broadcast %mul3A_548 : f32 to vector<400x128xf32>
    %mul3A_550 = arith.mulf %add3A_544, %mul3A_549 : vector<400x128xf32>
    %erf3A_551 = math.erf %mul3A_550 : vector<400x128xf32>
    %add3A_552 = arith.constant 1.000000e+00 : f32
    %add3A_553 = vector.broadcast %add3A_552 : f32 to vector<400x128xf32>
    %add3A_554 = arith.addf %add3A_553, %erf3A_551 : vector<400x128xf32>
    %mul3A_555 = arith.mulf %mul3A_547, %add3A_554 : vector<400x128xf32>
    %dot_general3A_556 = arith.constant dense<0.000000e+00> : vector<400x128xf32>
    %dot_general3A_557 = tpu.matmul %mul3A_555, %get3A_4, %dot_general3A_556 {dimension_numbers = #tpu.dot_dimension_numbers<[1], [0], [0], [1], [0, 0, 1, 1], [], []>, transpose_lhs_hint = false} : vector<400x128xf32>, vector<128x128xf32>, vector<400x128xf32> -> vector<400x128xf32>
    %max3A_558 = arith.maximumf %max3A_538, %dot_general3A_557 : vector<400x128xf32>
    %get3A_559 = arith.constant 28 : index
    %get3A_560 = arith.constant 0 : index
    %get3A_561 = arith.constant 0 : index
    %get3A_562 = vector.load %arg1[%get3A_559, %get3A_560, %get3A_561] : memref<32x400x128xf32, #tpu.memory_space<vmem>>, vector<1x400x128xf32>
    %get3A_563 = vector.shape_cast %get3A_562 : vector<1x400x128xf32> to vector<400x128xf32>
    %add3A_564 = arith.addf %get3A_1, %get3A_563 : vector<400x128xf32>
    %mul3A_565 = arith.constant 5.000000e-01 : f32
    %mul3A_566 = vector.broadcast %mul3A_565 : f32 to vector<400x128xf32>
    %mul3A_567 = arith.mulf %mul3A_566, %add3A_564 : vector<400x128xf32>
    %mul3A_568 = arith.constant 0.707106769 : f32
    %mul3A_569 = vector.broadcast %mul3A_568 : f32 to vector<400x128xf32>
    %mul3A_570 = arith.mulf %add3A_564, %mul3A_569 : vector<400x128xf32>
    %erf3A_571 = math.erf %mul3A_570 : vector<400x128xf32>
    %add3A_572 = arith.constant 1.000000e+00 : f32
    %add3A_573 = vector.broadcast %add3A_572 : f32 to vector<400x128xf32>
    %add3A_574 = arith.addf %add3A_573, %erf3A_571 : vector<400x128xf32>
    %mul3A_575 = arith.mulf %mul3A_567, %add3A_574 : vector<400x128xf32>
    %dot_general3A_576 = arith.constant dense<0.000000e+00> : vector<400x128xf32>
    %dot_general3A_577 = tpu.matmul %mul3A_575, %get3A_4, %dot_general3A_576 {dimension_numbers = #tpu.dot_dimension_numbers<[1], [0], [0], [1], [0, 0, 1, 1], [], []>, transpose_lhs_hint = false} : vector<400x128xf32>, vector<128x128xf32>, vector<400x128xf32> -> vector<400x128xf32>
    %max3A_578 = arith.maximumf %max3A_558, %dot_general3A_577 : vector<400x128xf32>
    %get3A_579 = arith.constant 29 : index
    %get3A_580 = arith.constant 0 : index
    %get3A_581 = arith.constant 0 : index
    %get3A_582 = vector.load %arg1[%get3A_579, %get3A_580, %get3A_581] : memref<32x400x128xf32, #tpu.memory_space<vmem>>, vector<1x400x128xf32>
    %get3A_583 = vector.shape_cast %get3A_582 : vector<1x400x128xf32> to vector<400x128xf32>
    %add3A_584 = arith.addf %get3A_1, %get3A_583 : vector<400x128xf32>
    %mul3A_585 = arith.constant 5.000000e-01 : f32
    %mul3A_586 = vector.broadcast %mul3A_585 : f32 to vector<400x128xf32>
    %mul3A_587 = arith.mulf %mul3A_586, %add3A_584 : vector<400x128xf32>
    %mul3A_588 = arith.constant 0.707106769 : f32
    %mul3A_589 = vector.broadcast %mul3A_588 : f32 to vector<400x128xf32>
    %mul3A_590 = arith.mulf %add3A_584, %mul3A_589 : vector<400x128xf32>
    %erf3A_591 = math.erf %mul3A_590 : vector<400x128xf32>
    %add3A_592 = arith.constant 1.000000e+00 : f32
    %add3A_593 = vector.broadcast %add3A_592 : f32 to vector<400x128xf32>
    %add3A_594 = arith.addf %add3A_593, %erf3A_591 : vector<400x128xf32>
    %mul3A_595 = arith.mulf %mul3A_587, %add3A_594 : vector<400x128xf32>
    %dot_general3A_596 = arith.constant dense<0.000000e+00> : vector<400x128xf32>
    %dot_general3A_597 = tpu.matmul %mul3A_595, %get3A_4, %dot_general3A_596 {dimension_numbers = #tpu.dot_dimension_numbers<[1], [0], [0], [1], [0, 0, 1, 1], [], []>, transpose_lhs_hint = false} : vector<400x128xf32>, vector<128x128xf32>, vector<400x128xf32> -> vector<400x128xf32>
    %max3A_598 = arith.maximumf %max3A_578, %dot_general3A_597 : vector<400x128xf32>
    %get3A_599 = arith.constant 30 : index
    %get3A_600 = arith.constant 0 : index
    %get3A_601 = arith.constant 0 : index
    %get3A_602 = vector.load %arg1[%get3A_599, %get3A_600, %get3A_601] : memref<32x400x128xf32, #tpu.memory_space<vmem>>, vector<1x400x128xf32>
    %get3A_603 = vector.shape_cast %get3A_602 : vector<1x400x128xf32> to vector<400x128xf32>
    %add3A_604 = arith.addf %get3A_1, %get3A_603 : vector<400x128xf32>
    %mul3A_605 = arith.constant 5.000000e-01 : f32
    %mul3A_606 = vector.broadcast %mul3A_605 : f32 to vector<400x128xf32>
    %mul3A_607 = arith.mulf %mul3A_606, %add3A_604 : vector<400x128xf32>
    %mul3A_608 = arith.constant 0.707106769 : f32
    %mul3A_609 = vector.broadcast %mul3A_608 : f32 to vector<400x128xf32>
    %mul3A_610 = arith.mulf %add3A_604, %mul3A_609 : vector<400x128xf32>
    %erf3A_611 = math.erf %mul3A_610 : vector<400x128xf32>
    %add3A_612 = arith.constant 1.000000e+00 : f32
    %add3A_613 = vector.broadcast %add3A_612 : f32 to vector<400x128xf32>
    %add3A_614 = arith.addf %add3A_613, %erf3A_611 : vector<400x128xf32>
    %mul3A_615 = arith.mulf %mul3A_607, %add3A_614 : vector<400x128xf32>
    %dot_general3A_616 = arith.constant dense<0.000000e+00> : vector<400x128xf32>
    %dot_general3A_617 = tpu.matmul %mul3A_615, %get3A_4, %dot_general3A_616 {dimension_numbers = #tpu.dot_dimension_numbers<[1], [0], [0], [1], [0, 0, 1, 1], [], []>, transpose_lhs_hint = false} : vector<400x128xf32>, vector<128x128xf32>, vector<400x128xf32> -> vector<400x128xf32>
    %max3A_618 = arith.maximumf %max3A_598, %dot_general3A_617 : vector<400x128xf32>
    %get3A_619 = arith.constant 31 : index
    %get3A_620 = arith.constant 0 : index
    %get3A_621 = arith.constant 0 : index
    %get3A_622 = vector.load %arg1[%get3A_619, %get3A_620, %get3A_621] : memref<32x400x128xf32, #tpu.memory_space<vmem>>, vector<1x400x128xf32>
    %get3A_623 = vector.shape_cast %get3A_622 : vector<1x400x128xf32> to vector<400x128xf32>
    %add3A_624 = arith.addf %get3A_1, %get3A_623 : vector<400x128xf32>
    %mul3A_625 = arith.constant 5.000000e-01 : f32
    %mul3A_626 = vector.broadcast %mul3A_625 : f32 to vector<400x128xf32>
    %mul3A_627 = arith.mulf %mul3A_626, %add3A_624 : vector<400x128xf32>
    %mul3A_628 = arith.constant 0.707106769 : f32
    %mul3A_629 = vector.broadcast %mul3A_628 : f32 to vector<400x128xf32>
    %mul3A_630 = arith.mulf %add3A_624, %mul3A_629 : vector<400x128xf32>
    %erf3A_631 = math.erf %mul3A_630 : vector<400x128xf32>
    %add3A_632 = arith.constant 1.000000e+00 : f32
    %add3A_633 = vector.broadcast %add3A_632 : f32 to vector<400x128xf32>
    %add3A_634 = arith.addf %add3A_633, %erf3A_631 : vector<400x128xf32>
    %mul3A_635 = arith.mulf %mul3A_627, %add3A_634 : vector<400x128xf32>
    %dot_general3A_636 = arith.constant dense<0.000000e+00> : vector<400x128xf32>
    %dot_general3A_637 = tpu.matmul %mul3A_635, %get3A_4, %dot_general3A_636 {dimension_numbers = #tpu.dot_dimension_numbers<[1], [0], [0], [1], [0, 0, 1, 1], [], []>, transpose_lhs_hint = false} : vector<400x128xf32>, vector<128x128xf32>, vector<400x128xf32> -> vector<400x128xf32>
    %max3A_638 = arith.maximumf %max3A_618, %dot_general3A_637 : vector<400x128xf32>
    %get3A_639 = arith.constant 0 : index
    %get3A_640 = arith.constant 0 : index
    %get3A_641 = vector.load %arg5[%get3A_639, %get3A_640] : memref<1x128xf32, #tpu.memory_space<vmem>>, vector<1x128xf32>
    %add3A_642 = vector.broadcast %get3A_641 : vector<1x128xf32> to vector<400x128xf32>
    %add3A_643 = arith.addf %max3A_638, %add3A_642 : vector<400x128xf32>
    %get3A_644 = arith.constant 0 : index
    %get3A_645 = arith.constant 0 : index
    %get3A_646 = vector.load %arg3[%get3A_644, %get3A_645] : memref<400x128xf32, #tpu.memory_space<vmem>>, vector<400x128xf32>
    %add3A_647 = arith.addf %add3A_643, %get3A_646 : vector<400x128xf32>
    %reduce_sum3A = arith.constant dense<0.000000e+00> : vector<400xf32>
    %reduce_sum3A_648 = vector.multi_reduction <add>, %add3A_647, %reduce_sum3A [1] : vector<400x128xf32> to vector<400xf32>
    %broadcast_in_dim3A = vector.shape_cast %reduce_sum3A_648 : vector<400xf32> to vector<400x1xf32>
    %div3A = arith.constant 1.280000e+02 : f32
    %div3A_649 = vector.broadcast %div3A : f32 to vector<400x1xf32>
    %div3A_650 = arith.divf %broadcast_in_dim3A, %div3A_649 : vector<400x1xf32>
    %sub3A = vector.broadcast %div3A_650 : vector<400x1xf32> to vector<400x128xf32>
    %sub3A_651 = arith.subf %add3A_647, %sub3A : vector<400x128xf32>
    %integer_pow3A = arith.mulf %sub3A_651, %sub3A_651 : vector<400x128xf32>
    %reduce_sum3A_652 = arith.constant dense<0.000000e+00> : vector<400xf32>
    %reduce_sum3A_653 = vector.multi_reduction <add>, %integer_pow3A, %reduce_sum3A_652 [1] : vector<400x128xf32> to vector<400xf32>
    %broadcast_in_dim3A_654 = vector.shape_cast %reduce_sum3A_653 : vector<400xf32> to vector<400x1xf32>
    %div3A_655 = arith.constant 1.280000e+02 : f32
    %div3A_656 = vector.broadcast %div3A_655 : f32 to vector<400x1xf32>
    %div3A_657 = arith.divf %broadcast_in_dim3A_654, %div3A_656 : vector<400x1xf32>
    %sub3A_658 = vector.broadcast %div3A_650 : vector<400x1xf32> to vector<400x128xf32>
    %sub3A_659 = arith.subf %add3A_647, %sub3A_658 : vector<400x128xf32>
    %add3A_660 = arith.constant 9.99999974E-6 : f32
    %add3A_661 = vector.broadcast %add3A_660 : f32 to vector<400x1xf32>
    %add3A_662 = arith.addf %div3A_657, %add3A_661 : vector<400x1xf32>
    %rsqrt3A = math.rsqrt %add3A_662 : vector<400x1xf32>
    %mul3A_663 = vector.broadcast %rsqrt3A : vector<400x1xf32> to vector<400x128xf32>
    %mul3A_664 = arith.mulf %sub3A_659, %mul3A_663 : vector<400x128xf32>
    %get3A_665 = arith.constant 0 : index
    %get3A_666 = arith.constant 0 : index
    %get3A_667 = vector.load %arg6[%get3A_665, %get3A_666] : memref<1x128xf32, #tpu.memory_space<vmem>>, vector<1x128xf32>
    %mul3A_668 = vector.broadcast %get3A_667 : vector<1x128xf32> to vector<400x128xf32>
    %mul3A_669 = arith.mulf %mul3A_664, %mul3A_668 : vector<400x128xf32>
    %get3A_670 = arith.constant 0 : index
    %get3A_671 = arith.constant 0 : index
    %get3A_672 = vector.load %arg7[%get3A_670, %get3A_671] : memref<1x128xf32, #tpu.memory_space<vmem>>, vector<1x128xf32>
    %add3A_673 = vector.broadcast %get3A_672 : vector<1x128xf32> to vector<400x128xf32>
    %add3A_674 = arith.addf %mul3A_669, %add3A_673 : vector<400x128xf32>
    %swap3A = arith.constant 0 : index
    %swap3A_675 = arith.constant 0 : index
    %swap3A_676 = vector.load %arg8[%swap3A, %swap3A_675] : memref<400x128xf32, #tpu.memory_space<vmem>>, vector<400x128xf32>
    tpu.vector_store %arg8[%swap3A, %swap3A_675], %add3A_674 {strides = array<i32>} : memref<400x128xf32, #tpu.memory_space<vmem>>, vector<400x128xf32>,
    return
  }
  func.func @transform_0(%arg0: i32) -> (i32, i32, i32) {
    %c0_i32 = arith.constant 0 : i32
    %c0_i32_0 = arith.constant 0 : i32
    %c0_i32_1 = arith.constant 0 : i32
    return %c0_i32, %arg0, %c0_i32_0 : i32, i32, i32
  }
  func.func @transform_1(%arg0: i32) -> (i32, i32) {
    %add3A = arith.constant 0 : i32
    %add3A_0 = arith.addi %arg0, %add3A : i32
    %c0_i32 = arith.constant 0 : i32
    %c0_i32_1 = arith.constant 0 : i32
    return %add3A_0, %c0_i32 : i32, i32
  }
  func.func @transform_2(%arg0: i32) -> (i32, i32) {
    %add3A = arith.constant 0 : i32
    %add3A_0 = arith.addi %arg0, %add3A : i32
    %c0_i32 = arith.constant 0 : i32
    %c0_i32_1 = arith.constant 0 : i32
    return %add3A_0, %c0_i32 : i32, i32
  }
  func.func @transform_3(%arg0: i32) -> (i32, i32) {
    %c0_i32 = arith.constant 0 : i32
    %c0_i32_0 = arith.constant 0 : i32
    %c0_i32_1 = arith.constant 0 : i32
    return %c0_i32, %c0_i32_0 : i32, i32
  }
  func.func @transform_4(%arg0: i32) -> (i32, i32) {
    %c0_i32 = arith.constant 0 : i32
    %c0_i32_0 = arith.constant 0 : i32
    %c0_i32_1 = arith.constant 0 : i32
    return %c0_i32, %c0_i32_0 : i32, i32
  }
  func.func @transform_5(%arg0: i32) -> (i32, i32) {
    %c0_i32 = arith.constant 0 : i32
    %c0_i32_0 = arith.constant 0 : i32
    %c0_i32_1 = arith.constant 0 : i32
    return %c0_i32, %c0_i32_0 : i32, i32
  }
  func.func @transform_6(%arg0: i32) -> (i32, i32) {
    %c0_i32 = arith.constant 0 : i32
    %c0_i32_0 = arith.constant 0 : i32
    %c0_i32_1 = arith.constant 0 : i32
    return %c0_i32, %c0_i32_0 : i32, i32
  }
  func.func @transform_7(%arg0: i32) -> (i32, i32) {
    %c0_i32 = arith.constant 0 : i32
    %c0_i32_0 = arith.constant 0 : i32
    return %arg0, %c0_i32 : i32, i32
  }
}

</mosaic_0001>

<sc_bundles>
// kernel: kernel.10.cloned.1.call-start
scs
__scs_entry_jumppad:
0x0: {  	(pc) =	sbr.rel $0x88, $3  }
0x1: {  	(tag) =	ssettag $0x0;
	lr =	simm.s32 $0x1  }
0x2: {  	[smem:$0x3F99] =	sst lr;
	_ =	strace $0xD0000000  }
0x3: {  	_ = 	snop  }
0x4: {  	_ = 	snop  }
0x5: {  	_ = 	snop  }
0x6: {  	_ = 	snop  }
0x7: {  	_ = 	snop  }
__scs_overlays_trampoline_lowered:
0x8: {  	[smem:$0x3FA8] =	sst s0  }
0x9: {  	[smem:$0x3FA9] =	sst s1  }
0xa: {  	[smem:$0x3FAA] =	sst s2  }
0xb: {  	[smem:$0x3FAB] =	sst s3  }
0xc: {  	[smem:$0x3FAC] =	sst s4  }
0xd: {  	[smem:$0x3FAD] =	sst s5  }
0xe: {  	[smem:$0x3FAE] =	sst s6  }
0xf: {  	[smem:$0x3FAF] =	sst s7  }
0x10: {  	[smem:$0x3FB0] =	sst s8  }
0x11: {  	[smem:$0x3FB1] =	sst s9;
	s0 =	simm.s32 @!p0 $0x0  }
0x12: {  	s1 =	sld [smem:$0x3F97];
	s0 =	simm.s32 @p0 $0x1  }
0x13: {  	[smem:$0x3FB2] =	sst s0;
	s0 =	simm.s32 @!p1 $0x0  }
0x14: {  	s2 =	sld [smem:$0x3F96];
	s0 =	simm.s32 @p1 $0x1  }
0x15: {  	[smem:$0x3FB3] =	sst s0;
	s0 =	simm.s32 @!p2 $0x0  }
0x16: {  	s3 =	sld [smem:$0x3FDB];
	s0 =	simm.s32 @p2 $0x1  }
0x17: {  	s4 =	simm.s32 $0x1BF5;
	[smem:$0x3FB5] =	sst s0  }
0x18: {  	s0 =	sld [smem:$0x3F98];
	_ =	swait.ge [sflag:s4], $0x0  }
0x19: {  	s7 =	sld [smem:$0x3F99]  }
0x1a: {  	s8 =	sadd.s32 $0xFFFFE003, lr  }
0x1b: {  	s9 =	sadd.s32 $0xFFFFFEF7, lr;
	s5 =	simm.s32 $0xFFFFFFFF;
	p2 =	slt.u32 s8, $0xFFFFF086  }
0x1c: {  	p1 =	slt.u32 s9, $0xF7A;
	s5 =	simm.s32 @!p2 $0x0  }
0x1d: {  	s5 =	simm.s32 @p1 $0x1;
	p0 =	seq.s32 s7, s2  }
0x1e: {  	s7 =	smul.u32 @!p0 $0xF7A, s2;
	p2 =	seq.s32 @!p0 s5, $0x0  }
0x1f: {  	s9 =	smul.u32 $0xF7A, s1;
	s8 =	simm.s32 @!p0 $0x1BF5;
	p2 =	por !p2, p0  }
0x20: {  	[sflag:s8] =	ssyncset.s32 @!p0 $0xFFFFF086;
	s6 =	sadd.s32 @!p0 s3, s7;
	s7 =	simm.s32 @!p0 $0x108  }
0x21: {  	s3 =	sadd.s32 s3, s9;
	s6 =	sadd.s32 @!p0 $0x88, s6;
	s7 =	simm.s32 @p2 $0x1082  }
0x22: {  	[simem:s7], [sflag:s8] =	dma.local @!p0 [hbm:s6], $0xF7A  }
0x23: {  	s9 =	sor.u32 $0xD0000000, s2;
	s6 =	simm.s32 $0x108;
	_ =	swait.ge @!p0 [sflag:s8], $0x0  }
0x24: {  	s3 =	sadd.s32 $0x88, s3;
	s6 =	simm.s32 @!p1 $0x1082;
	[sflag:s4] =	ssyncset.s32 $0xFFFFF086  }
0x25: {  	[simem:s6], [sflag:s4] =	dma.local [hbm:s3], $0xF7A  }
0x26: {  	[smem:$0x3F99] =	sst s1;
	(tag) =	ssettag s2;
	_ =	strace s9  }
0x27: {  	s1 =	sld [smem:$0x3FA9]  }
0x28: {  	s2 =	sld [smem:$0x3FAA]  }
0x29: {  	s4 =	sld [smem:$0x3FAC]  }
0x2a: {  	p0 =	seq.s32 s5, $0x0;
	s5 =	sld [smem:$0x3FAD]  }
0x2b: {  	s6 =	sld [smem:$0x3FAE]  }
0x2c: {  	s7 =	sld [smem:$0x3FAF]  }
0x2d: {  	s3 =	simm.s32 $0x108;
	s8 =	sld [smem:$0x3FB0]  }
0x2e: {  	s3 =	simm.s32 @!p0 $0x1082;
	s9 =	sld [smem:$0x3FB1]  }
0x2f: {  	lr =	sadd.s32 s0, s3;
	s0 =	sld [smem:$0x3FA8]  }
0x30: {  	s3 =	sld [smem:$0x3FAB]  }
0x31: {  	[smem:$0x3FB4] =	sst s10  }
0x32: {  	s10 =	sld [smem:$0x3FB2];
	_ =	sdelay $0x3  }
0x33: {  	p0 =	seq.s32 s10, $0x1;
	s10 =	sld [smem:$0x3FB4];
	_ =	sdelay $0x3  }
0x34: {  	[smem:$0x3FB4] =	sst s10  }
0x35: {  	s10 =	sld [smem:$0x3FB3];
	_ =	sdelay $0x3  }
0x36: {  	p1 =	seq.s32 s10, $0x1;
	s10 =	sld [smem:$0x3FB4];
	_ =	sdelay $0x3  }
0x37: {  	[smem:$0x3FB4] =	sst s10  }
0x38: {  	s10 =	sld [smem:$0x3FB5]  }
0x39: {  	_ = 	snop;
	(pc) =	sbr.ind lr, $3  }
0x3a: {  	_ = 	snop  }
0x3b: {  	_ = 	snop  }
0x3c: {  	p2 =	seq.s32 s10, $0x1;
	s10 =	sld [smem:$0x3FB4]  }
0x3d: {  	_ =	shalt  }
0x3e: {  	_ =	shalt  }
0x3f: {  	_ =	shalt  }
0x40: {  	_ =	shalt  }
0x41: {  	_ =	shalt  }
0x42: {  	_ =	shalt  }
0x43: {  	_ =	shalt  }
0x44: {  	_ =	shalt  }
0x45: {  	_ =	shalt  }
0x46: {  	_ =	shalt  }
0x47: {  	_ =	shalt  }
0x48: {  	_ =	shalt  }
0x49: {  	_ =	shalt  }
0x4a: {  	_ =	shalt  }
0x4b: {  	_ =	shalt  }
0x4c: {  	_ =	shalt  }
0x4d: {  	_ =	shalt  }
0x4e: {  	_ =	shalt  }
0x4f: {  	_ =	shalt  }
0x50: {  	_ =	shalt  }
0x51: {  	_ =	shalt  }
0x52: {  	_ =	shalt  }
0x53: {  	_ =	shalt  }
0x54: {  	_ =	shalt  }
0x55: {  	_ =	shalt  }
0x56: {  	_ =	shalt  }
0x57: {  	_ =	shalt  }
0x58: {  	_ =	shalt  }
0x59: {  	_ =	shalt  }
0x5a: {  	_ =	shalt  }
0x5b: {  	_ =	shalt  }
0x5c: {  	_ =	shalt  }
0x5d: {  	_ =	shalt  }
0x5e: {  	_ =	shalt  }
0x5f: {  	_ =	shalt  }
0x60: {  	_ =	shalt  }
0x61: {  	_ =	shalt  }
0x62: {  	_ =	shalt  }
0x63: {  	_ =	shalt  }
0x64: {  	_ =	shalt  }
0x65: {  	_ =	shalt  }
0x66: {  	_ =	shalt  }
0x67: {  	_ =	shalt  }
0x68: {  	_ =	shalt  }
0x69: {  	_ =	shalt  }
0x6a: {  	_ =	shalt  }
0x6b: {  	_ =	shalt  }
0x6c: {  	_ =	shalt  }
0x6d: {  	_ =	shalt  }
0x6e: {  	_ =	shalt  }
0x6f: {  	_ =	shalt  }
0x70: {  	_ =	shalt  }
0x71: {  	_ =	shalt  }
0x72: {  	_ =	shalt  }
0x73: {  	_ =	shalt  }
0x74: {  	_ =	shalt  }
0x75: {  	_ =	shalt  }
0x76: {  	_ =	shalt  }
0x77: {  	_ =	shalt  }
0x78: {  	_ =	shalt  }
0x79: {  	_ =	shalt  }
0x7a: {  	_ =	shalt  }
0x7b: {  	_ =	shalt  }
0x7c: {  	_ =	shalt  }
0x7d: {  	_ =	shalt  }
0x7e: {  	_ =	shalt  }
0x7f: {  	_ =	shalt  }
0x80: {  	_ =	shalt  }
0x81: {  	_ =	shalt  }
0x82: {  	_ =	shalt  }
0x83: {  	_ =	shalt  }
0x84: {  	_ =	shalt  }
0x85: {  	_ =	shalt  }
0x86: {  	_ =	shalt  }
0x87: {  	_ =	shalt  }
.Lfunc_end0:
.L_simem_size_0:
called_computation.1_lowered:
.L_overlay_start_0:
0x88: {  	s2 =	sld [smem:$0x3FD9]  }
0x89: {  	s3 =	sld [smem:$0x3FFE];
	_ =	sdelay $0x1  }
0x8a: {  	s1 =	srdreg.scid  }
0x8b: {  	s0 =	sand.u32 $0x1, s1  }
0x8c: {  	s17 =	sshll.u32 s0, $0xA;
	s2 =	sadd.s32 s3, s2  }
0x8d: {  	s2 =	sadd.s32 s2, s17  }
0x8e: {  	[smem:$0x3FC0] =	sst s2  }
0x8f: {  	_ = 	snop  }
0x90: {  	s2 =	sld [smem:$0x3FD0];
	(tm) =	ssettm $0x1  }
0x91: {  	s18 =	sld [smem:$0x3FFB];
	_ =	sdelay $0x3  }
0x92: {  	_ =	strace s18  }
0x93: {  	s3 =	sld [smem:$0x3FFC];
	_ =	sdelay $0x3  }
0x94: {  	_ =	strace s3  }
0x95: {  	s3 =	sld [smem:$0x3FFD];
	_ =	sdelay $0x3  }
0x96: {  	_ =	strace s3  }
0x97: {  	_ =	strace $0x8FFFFFFF  }
0x98: {  	s19 =	sld [smem:$0x3FDB];
	_ =	sdelay $0x1  }
0x99: {  	s4 =	simm.s32 $_scs_section_size  }
0x9a: {  	s5 =	simm.s32 $_size__tile_overlayer_lowered;
	s6 =	simm.s32 $_tile_overlayer_lowered  }
0x9b: {  	s22 =	simm.s32 $0x1BFF;
	s21 =	sshll.u32 s6, $0x1;
	s3 =	sadd.s32 s4, s19  }
0x9c: {  	s7 =	simm.s32 $0x0;
	s20 =	sshll.u32 s5, $0x1;
	s5 =	sadd.s32 s21, s3  }
0x9d: {  	[timem:s7], [sflag:s22] =	dma.local [hbm:s5], s20  }
0x9e: {  	_ =	swait.ge [sflag:s22], s20  }
0x9f: {  	s4 =	ssub.s32 $0x0, s20;
	[sflag:s22] =	ssyncset.done $0x0  }
0xa0: {  	[sflag:s22] =	ssyncadd.s32 s4;
	_ =	sdelay $0x1  }
0xa1: {  	s23 =	simm.s32 $0x1B8B  }
0xa2: {  	_ =	swait.ge [sflag:s23], $0x1  }
0xa3: {  	[sflag:s23] =	ssyncset.done $0x0  }
0xa4: {  	s25 =	simm.s32 $0x1B8E;
	s24 =	sld [smem:$0x3FFE];
	[sflag:s23] =	ssyncadd.s32 $0xFFFFFFFF  }
0xa5: {  	s26 =	simm.s32 $execute0_lowered;
	[smem:$0x3FD2] =	sst s25  }
0xa6: {  	s5 =	sshll.u32 s26, $0x1;
	_ =	strace $0x80000046;
	[dreg:$0x1] =	wrdreg $0xFFFFFFFF  }
0xa7: {  	s28 =	simm.s32 $_size_execute0_lowered;
	s3 =	sadd.s32 s3, s5;
	[dreg:$0x0] =	wrdreg $0x0  }
0xa8: {  	s5 =	sshll.u32 s28, $0x1;
	[dreg:$0x2] =	wrdreg s3  }
0xa9: {  	[dreg:$0x3] =	wrdreg s5  }
0xaa: {  	[dreg:$0x4] =	wrdreg $0xC0  }
0xab: {  	_ =	task [dreg:s7], $0x5FFFF  }
0xac: {  	[dreg:$0x1] =	wrdreg $0xFFFFFFFF  }
0xad: {  	[dreg:$0x0] =	wrdreg $0x60  }
0xae: {  	[dreg:$0x2] =	wrdreg s2  }
0xaf: {  	[dreg:$0x3] =	wrdreg s24  }
0xb0: {  	[dreg:$0x4] =	wrdreg $0xA  }
0xb1: {  	_ =	task.clear_ibuf [dreg:s7], $0x5FFFF;
	_ =	strace $0x90000046  }
0xb2: {  	s29 =	simm.s32 $0xA;
	_ =	strace $0x80000048  }
0xb3: {  	_ =	swait.ge [sflag:s29], $0x1  }
0xb4: {  	[sflag:s29] =	ssyncadd.s32 $0xFFFFFFFF  }
0xb5: {  	_ =	strace $0x90000048  }
0xb6: {  	_ =	sfence  }
0xb7: {  	s30 =	sld [smem:$0x0];
	_ =	sdelay $0x2  }
0xb8: {  	s31 =	sshll.u32 s1, $0xD;
	s1 =	sshrl.u32 s1, $0x2  }
0xb9: {  	s3 =	sand.u32 $0x4000, s31;
	s1 =	sadd.s32 s1, s30  }
0xba: {  	s0 =	sor.u32 s3, s0;
	s1 =	sshll.u32 s1, $0x11  }
0xbb: {  	s0 =	sor.u32 s1, s0  }
0xbc: {  	s0 =	sadd.s32 $0x8F2B, s0  }
0xbd: {  	[sflag:s0] =	ssyncadd.remote.s32 $0x1  }
0xbe: {  	_ =	sfence.sel $0xFFFF  }
0xbf: {  	[dreg:$0x0] =	wrdreg $0xFFFFFFFF;
	(pc) =	sbr.abs _section_cstart, $3  }
0xc0: {  	[dreg:$0x1] =	wrdreg $0xFFFFFFFF  }
0xc1: {  	_ =	task.clear_ibuf [dreg:s7], $0x2FFFF;
	_ =	strace $0x9FFFFFFF  }
0xc2: {  	(tm) =	ssettm $0x7FFFFFFF  }
0xc3: {  	_ =	shalt  }
tec
execute0_lowered:
.L_overlay_start_1:
0x0: {  	(tag) =	ssettag $0x1  }
0x1: {  	s1 =	srdreg.scid  }
0x2: {  	s0 =	stileid.u32;
	s2 =	rddreg [dreg:$0x0]  }
0x3: {  	s5 =	rddreg [dreg:$0x1];
	s3 =	simm.s32 $0x0;
	s11 =	simm.s32 $0x4C00  }
0x4: {  	s12 =	simm.s32 $0x100;
	s13 =	simm.s32 $0x7400;
	s14 =	simm.s32 $0x1  }
0x5: {  	s15 =	simm.s32 $0x9C00;
	s16 =	simm.s32 $0x2;
	s17 =	simm.s32 $0xC400  }
0x6: {  	s18 =	simm.s32 $0x3;
	s19 =	simm.s32 $0x6;
	s20 =	simm.s32 $0x4  }
0x7: {  	s21 =	simm.s32 $0x7;
	s22 =	simm.s32 $0x5;
	s23 =	simm.s32 $0x8  }
0x8: {  	s24 =	simm.s32 $0x9;
	s25 =	simm.s32 $0xA;
	s26 =	simm.s32 $0x0  }
0x9: {  	s4 =	sand.u32 $0x1, s1;
	s28 =	sshll.u32 s0, $0x1;
	s7 =	smul.u32 $0x28A00, s0  }
0xa: {  	[smem:$0x7FF] =	sst s3;
	s6 =	sor.u32 s4, s28;
	s10 =	smul.u32 $0x14500, s4  }
.Ltmp0:
0xb: {  	s8 =	ssub.s32 $0x2, s4;
	_ =	strace $0x80000047;
	(pc) =	sbr.rel .LBB2_1-.Ltmp0, $4  }
0xc: {  	s6 =	smul.u32 $0x480, s6;
	s9 =	sshrl.u32 s8, $0x1;
	s30 =	sadd.s32 s7, s5  }
0xd: {  	s7 =	simm.s32 $0xB;
	s31 =	ssub.s32 s8, s9;
	s8 =	simm.s32 $0x50  }
0xe: {  	s9 =	simm.s32 $0x2400;
	s29 =	sadd.s32 s6, s5;
	s6 =	sadd.s32 s10, s30  }
0xf: {  	s5 =	smax.u32 s31, $0x1;
	s4 =	sadd.s32 $0x2000, s29;
	s6 =	sadd.s32 $0x32C00, s6  }
.LBB2_4:
0x10: {  	s26 =	sadd.s32 $0x1, s26  }
0x11: {  	_ =	swait.ge [sflag:s24], $0x2800;
	p0 =	sne.s32 s26, s5  }
.Ltmp1:
0x12: {  	[sflag:s24] =	ssyncset.done $0x0;
	(pc) =	sbr.rel @!p0 .LBB2_5-.Ltmp1, $4  }
0x13: {  	[sflag:s24] =	ssyncadd.s32 $0xFFFFD800  }
0x14: {  	_ =	swait.ge [sflag:s25], $0x2800  }
0x15: {  	[sflag:s25] =	ssyncset.done $0x0  }
0x16: {  	[sflag:s25] =	ssyncadd.s32 $0xFFFFD800  }
.LBB2_1:
0x17: {  	[tilespmem:s3], [sflag:$0xB] =	stream.linear.gather [hbm4b:s4+s3], $0x2080, $0x38;
	[tilespmem:$0xEC00] =	vst v63  }
0x18: {  	_ =	swait.ge [sflag:s7], $0x2080  }
0x19: {  	[sflag:s7] =	ssyncset.done $0x0  }
0x1a: {  	[sflag:s7] =	ssyncadd.s32 $0xFFFFDF80  }
0x1b: {  	[tilespmem:s9], [sflag:$0x1] =	stream.indirect.gather [hbm4b:s2+s8], $0x80, s3, s8, $0xb8;
	[tilespmem:$0xEC00] =	vst v63  }
0x1c: {  	s0 =	simm.s32 $0x80  }
0x1d: {  	[tilespmem:s11], [sflag:$0x2] =	stream.indirect.gather [hbm4b:s2+s8], $0x80, s0, s8, $0xb8;
	[tilespmem:$0xEC00] =	vst v63  }
0x1e: {  	s28 =	smov.u32 s6;
	s29 =	simm.s32 $0x0  }
0x1f: {  	[tilespmem:s13], [sflag:$0x3] =	stream.indirect.gather [hbm4b:s2+s8], $0x80, s12, s8, $0xb8;
	[tilespmem:$0xEC00] =	vst v63  }
.LBB2_2:
0x20: {  	_ =	swait.ge [sflag:s14], $0x2800  }
0x21: {  	p0 =	seq.s32 s29, $0x0;
	[sflag:s14] =	ssyncset.done $0x0  }
0x22: {  	s30 =	sadd.s32 $0xFFFFF600, s28;
	s31 =	simm.s32 @!p0 $0x9;
	[sflag:s14] =	ssyncadd.s32 $0xFFFFD800  }
0x23: {  	[hbm4b:s30+s3] =	stream.linear.scatter [tilespmem:s9], [sflag:$0x6], $0x2800, $0x38;
	[tilespmem:$0xEC00] =	vst v63  }
0x24: {  	_ =	swait.ge @!p0 [sflag:s31], $0x2800  }
0x25: {  	s30 =	sshra.s32 s29, $0x2;
	[sflag:s31] =	ssyncset.done @!p0 $0x0  }
0x26: {  	s10 =	sadd.s32 $0x180, s30;
	[sflag:s31] =	ssyncadd.s32 @!p0 $0xFFFFD800  }
0x27: {  	[tilespmem:s15], [sflag:$0x4] =	stream.indirect.gather [hbm4b:s2+s8], $0x80, s10, s8, $0xb8;
	[tilespmem:$0xEC00] =	vst v63  }
0x28: {  	_ =	swait.ge [sflag:s16], $0x2800  }
0x29: {  	[sflag:s16] =	ssyncset.done $0x0  }
0x2a: {  	s0 =	sadd.s32 $0xFFFFFB00, s28;
	s31 =	simm.s32 @!p0 $0xA;
	[sflag:s16] =	ssyncadd.s32 $0xFFFFD800  }
0x2b: {  	[hbm4b:s0+s3] =	stream.linear.scatter [tilespmem:s11], [sflag:$0x7], $0x2800, $0x38;
	[tilespmem:$0xEC00] =	vst v63  }
0x2c: {  	_ =	swait.ge @!p0 [sflag:s31], $0x2800  }
0x2d: {  	[sflag:s31] =	ssyncset.done @!p0 $0x0  }
0x2e: {  	s1 =	sadd.s32 $0x200, s30;
	[sflag:s31] =	ssyncadd.s32 @!p0 $0xFFFFD800  }
0x2f: {  	[tilespmem:s17], [sflag:$0x5] =	stream.indirect.gather [hbm4b:s2+s8], $0x80, s1, s8, $0xb8;
	[tilespmem:$0xEC00] =	vst v63  }
0x30: {  	_ =	swait.ge [sflag:s18], $0x2800  }
0x31: {  	[sflag:s18] =	ssyncset.done $0x0  }
0x32: {  	[sflag:s18] =	ssyncadd.s32 $0xFFFFD800  }
0x33: {  	[hbm4b:s28+s3] =	stream.linear.scatter [tilespmem:s13], [sflag:$0x8], $0x2800, $0x38;
	[tilespmem:$0xEC00] =	vst v63  }
0x34: {  	p0 =	seq.s32 s29, $0x7800;
	_ =	swait.ge [sflag:s19], $0x2800  }
0x35: {  	s31 =	sshra.s32 @!p0 s29, $0x2;
	s0 =	simm.s32 @!p0 $0x50;
	[sflag:s19] =	ssyncset.done $0x0  }
0x36: {  	s10 =	simm.s32 @!p0 $0x2400;
	s1 =	sadd.s32 @!p0 $0x280, s31;
	[sflag:s19] =	ssyncadd.s32 $0xFFFFD800  }
0x37: {  	[tilespmem:s10], [sflag:$0x1] =	stream.indirect.gather @!p0 [hbm4b:s2+s0], $0x80, s1, s0, $0xb8;
	[tilespmem:$0xEC00] =	vst v63  }
0x38: {  	_ =	swait.ge [sflag:s20], $0x2800  }
0x39: {  	[sflag:s20] =	ssyncset.done $0x0  }
0x3a: {  	s10 =	sadd.s32 $0x500, s28;
	[sflag:s20] =	ssyncadd.s32 $0xFFFFD800  }
0x3b: {  	[hbm4b:s10+s3] =	stream.linear.scatter [tilespmem:s15], [sflag:$0x9], $0x2800, $0x38;
	[tilespmem:$0xEC00] =	vst v63  }
0x3c: {  	_ =	swait.ge [sflag:s21], $0x2800  }
0x3d: {  	[sflag:s21] =	ssyncset.done $0x0  }
0x3e: {  	s1 =	sadd.s32 @!p0 $0x300, s31;
	s10 =	simm.s32 @!p0 $0x4C00;
	[sflag:s21] =	ssyncadd.s32 $0xFFFFD800  }
0x3f: {  	[tilespmem:s10], [sflag:$0x2] =	stream.indirect.gather @!p0 [hbm4b:s2+s0], $0x80, s1, s0, $0xb8;
	[tilespmem:$0xEC00] =	vst v63  }
0x40: {  	_ =	swait.ge [sflag:s22], $0x2800  }
0x41: {  	[sflag:s22] =	ssyncset.done $0x0  }
.Ltmp2:
0x42: {  	s31 =	sadd.s32 $0xA00, s28;
	[sflag:s22] =	ssyncadd.s32 $0xFFFFD800;
	(pc) =	sbr.rel @p0 .LBB2_4-.Ltmp2, $4  }
0x43: {  	[hbm4b:s31+s3] =	stream.linear.scatter [tilespmem:s17], [sflag:$0xA], $0x2800, $0x38;
	[tilespmem:$0xEC00] =	vst v63  }
0x44: {  	_ =	swait.ge [sflag:s23], $0x2800  }
0x45: {  	[sflag:s23] =	ssyncset.done $0x0  }
0x46: {  	[sflag:s23] =	ssyncadd.s32 $0xFFFFD800  }
.Ltmp3:
0x47: {  	(pc) =	sbr.rel .LBB2_2-.Ltmp3, $3  }
0x48: {  	_ =	sdelay $0x1  }
0x49: {  	s0 =	sadd.s32 $0x380, s30;
	s29 =	sadd.s32 $0xA00, s29;
	s28 =	sadd.s32 $0x1900, s28  }
0x4a: {  	[tilespmem:s13], [sflag:$0x3] =	stream.indirect.gather [hbm4b:s2+s8], $0x80, s0, s8, $0xb8;
	[tilespmem:$0xEC00] =	vst v63  }
.LBB2_5:
0x4b: {  	_ =	sfence.sel $0x180000  }
0x4c: {  	[bflag:$0x0] =	sbarrier.arrive $0xFFFF  }
0x4d: {  	_ =	strace $0x90000047  }
0x4e: {  	s0 =	stileid.u32;
	[bflag:$0x2] =	sbarrier.arrive $0xFFFF  }
0x4f: {  	p0 =	sne.s32 s0, $0x0;
	s0 =	rddreg [dreg:$0x2]  }
0x50: {  	s0 =	sadd.s32 @!p0 $0x100000, s0  }
0x51: {  	[sflag:s0] =	ssyncadd.tile.s32 @!p0 $0x1;
	_ =	shalt  }
.Lfunc_end2:
_tile_overlayer_lowered:
.L_overlay_start_2:
0x52: {  	(tag) =	ssettag $0x2  }
0x53: {  	s0 =	rddreg [dreg:$0x0];
	s2 =	stileid.u32  }
0x54: {  	s1 =	rddreg [dreg:$0x1];
	p0 =	sne.s32 s2, $0x0  }
0x55: {  	s3 =	rddreg [dreg:$0x2];
	[bflag:$0x3] =	sbarrier.arrive $0xFFFF;
	s2 =	simm.s32 @!p0 $0x1C0B  }
0x56: {  	[timem:s3], [sflag:s2] =	dma.local @!p0 [hbm:s0], s1  }
0x57: {  	s0 =	simm.s32 @!p0 $0xB  }
0x58: {  	_ =	swait.ge @!p0 [sflag:s0], s1  }
0x59: {  	s1 =	ssub.s32 @!p0 $0x0, s1;
	[sflag:s0] =	ssyncset.done @!p0 $0x0  }
0x5a: {  	[sflag:s0] =	ssyncadd.s32 @!p0 s1  }
0x5b: {  	[bflag:$0x3] =	sbarrier.arrive $0xFFFF  }
0x5c: {  	_ =	shalt  }

// kernel: kernel.7.cloned.1.call-start
scs
__scs_entry_jumppad:
0x0: {  	(pc) =	sbr.rel $0x88, $3  }
0x1: {  	(tag) =	ssettag $0x0;
	lr =	simm.s32 $0x1  }
0x2: {  	[smem:$0x3F99] =	sst lr;
	_ =	strace $0xD0000000  }
0x3: {  	_ = 	snop  }
0x4: {  	_ = 	snop  }
0x5: {  	_ = 	snop  }
0x6: {  	_ = 	snop  }
0x7: {  	_ = 	snop  }
__scs_overlays_trampoline_lowered:
0x8: {  	[smem:$0x3FA8] =	sst s0  }
0x9: {  	[smem:$0x3FA9] =	sst s1  }
0xa: {  	[smem:$0x3FAA] =	sst s2  }
0xb: {  	[smem:$0x3FAB] =	sst s3  }
0xc: {  	[smem:$0x3FAC] =	sst s4  }
0xd: {  	[smem:$0x3FAD] =	sst s5  }
0xe: {  	[smem:$0x3FAE] =	sst s6  }
0xf: {  	[smem:$0x3FAF] =	sst s7  }
0x10: {  	[smem:$0x3FB0] =	sst s8  }
0x11: {  	[smem:$0x3FB1] =	sst s9;
	s0 =	simm.s32 @!p0 $0x0  }
0x12: {  	s1 =	sld [smem:$0x3F97];
	s0 =	simm.s32 @p0 $0x1  }
0x13: {  	[smem:$0x3FB2] =	sst s0;
	s0 =	simm.s32 @!p1 $0x0  }
0x14: {  	s2 =	sld [smem:$0x3F96];
	s0 =	simm.s32 @p1 $0x1  }
0x15: {  	[smem:$0x3FB3] =	sst s0;
	s0 =	simm.s32 @!p2 $0x0  }
0x16: {  	s3 =	sld [smem:$0x3FDB];
	s0 =	simm.s32 @p2 $0x1  }
0x17: {  	s4 =	simm.s32 $0x1BF5;
	[smem:$0x3FB5] =	sst s0  }
0x18: {  	s0 =	sld [smem:$0x3F98];
	_ =	swait.ge [sflag:s4], $0x0  }
0x19: {  	s7 =	sld [smem:$0x3F99]  }
0x1a: {  	s8 =	sadd.s32 $0xFFFFE003, lr  }
0x1b: {  	s9 =	sadd.s32 $0xFFFFFEF7, lr;
	s5 =	simm.s32 $0xFFFFFFFF;
	p2 =	slt.u32 s8, $0xFFFFF086  }
0x1c: {  	p1 =	slt.u32 s9, $0xF7A;
	s5 =	simm.s32 @!p2 $0x0  }
0x1d: {  	s5 =	simm.s32 @p1 $0x1;
	p0 =	seq.s32 s7, s2  }
0x1e: {  	s7 =	smul.u32 @!p0 $0xF7A, s2;
	p2 =	seq.s32 @!p0 s5, $0x0  }
0x1f: {  	s9 =	smul.u32 $0xF7A, s1;
	s8 =	simm.s32 @!p0 $0x1BF5;
	p2 =	por !p2, p0  }
0x20: {  	[sflag:s8] =	ssyncset.s32 @!p0 $0xFFFFF086;
	s6 =	sadd.s32 @!p0 s3, s7;
	s7 =	simm.s32 @!p0 $0x108  }
0x21: {  	s3 =	sadd.s32 s3, s9;
	s6 =	sadd.s32 @!p0 $0x88, s6;
	s7 =	simm.s32 @p2 $0x1082  }
0x22: {  	[simem:s7], [sflag:s8] =	dma.local @!p0 [hbm:s6], $0xF7A  }
0x23: {  	s9 =	sor.u32 $0xD0000000, s2;
	s6 =	simm.s32 $0x108;
	_ =	swait.ge @!p0 [sflag:s8], $0x0  }
0x24: {  	s3 =	sadd.s32 $0x88, s3;
	s6 =	simm.s32 @!p1 $0x1082;
	[sflag:s4] =	ssyncset.s32 $0xFFFFF086  }
0x25: {  	[simem:s6], [sflag:s4] =	dma.local [hbm:s3], $0xF7A  }
0x26: {  	[smem:$0x3F99] =	sst s1;
	(tag) =	ssettag s2;
	_ =	strace s9  }
0x27: {  	s1 =	sld [smem:$0x3FA9]  }
0x28: {  	s2 =	sld [smem:$0x3FAA]  }
0x29: {  	s4 =	sld [smem:$0x3FAC]  }
0x2a: {  	p0 =	seq.s32 s5, $0x0;
	s5 =	sld [smem:$0x3FAD]  }
0x2b: {  	s6 =	sld [smem:$0x3FAE]  }
0x2c: {  	s7 =	sld [smem:$0x3FAF]  }
0x2d: {  	s3 =	simm.s32 $0x108;
	s8 =	sld [smem:$0x3FB0]  }
0x2e: {  	s3 =	simm.s32 @!p0 $0x1082;
	s9 =	sld [smem:$0x3FB1]  }
0x2f: {  	lr =	sadd.s32 s0, s3;
	s0 =	sld [smem:$0x3FA8]  }
0x30: {  	s3 =	sld [smem:$0x3FAB]  }
0x31: {  	[smem:$0x3FB4] =	sst s10  }
0x32: {  	s10 =	sld [smem:$0x3FB2];
	_ =	sdelay $0x3  }
0x33: {  	p0 =	seq.s32 s10, $0x1;
	s10 =	sld [smem:$0x3FB4];
	_ =	sdelay $0x3  }
0x34: {  	[smem:$0x3FB4] =	sst s10  }
0x35: {  	s10 =	sld [smem:$0x3FB3];
	_ =	sdelay $0x3  }
0x36: {  	p1 =	seq.s32 s10, $0x1;
	s10 =	sld [smem:$0x3FB4];
	_ =	sdelay $0x3  }
0x37: {  	[smem:$0x3FB4] =	sst s10  }
0x38: {  	s10 =	sld [smem:$0x3FB5]  }
0x39: {  	_ = 	snop;
	(pc) =	sbr.ind lr, $3  }
0x3a: {  	_ = 	snop  }
0x3b: {  	_ = 	snop  }
0x3c: {  	p2 =	seq.s32 s10, $0x1;
	s10 =	sld [smem:$0x3FB4]  }
0x3d: {  	_ =	shalt  }
0x3e: {  	_ =	shalt  }
0x3f: {  	_ =	shalt  }
0x40: {  	_ =	shalt  }
0x41: {  	_ =	shalt  }
0x42: {  	_ =	shalt  }
0x43: {  	_ =	shalt  }
0x44: {  	_ =	shalt  }
0x45: {  	_ =	shalt  }
0x46: {  	_ =	shalt  }
0x47: {  	_ =	shalt  }
0x48: {  	_ =	shalt  }
0x49: {  	_ =	shalt  }
0x4a: {  	_ =	shalt  }
0x4b: {  	_ =	shalt  }
0x4c: {  	_ =	shalt  }
0x4d: {  	_ =	shalt  }
0x4e: {  	_ =	shalt  }
0x4f: {  	_ =	shalt  }
0x50: {  	_ =	shalt  }
0x51: {  	_ =	shalt  }
0x52: {  	_ =	shalt  }
0x53: {  	_ =	shalt  }
0x54: {  	_ =	shalt  }
0x55: {  	_ =	shalt  }
0x56: {  	_ =	shalt  }
0x57: {  	_ =	shalt  }
0x58: {  	_ =	shalt  }
0x59: {  	_ =	shalt  }
0x5a: {  	_ =	shalt  }
0x5b: {  	_ =	shalt  }
0x5c: {  	_ =	shalt  }
0x5d: {  	_ =	shalt  }
0x5e: {  	_ =	shalt  }
0x5f: {  	_ =	shalt  }
0x60: {  	_ =	shalt  }
0x61: {  	_ =	shalt  }
0x62: {  	_ =	shalt  }
0x63: {  	_ =	shalt  }
0x64: {  	_ =	shalt  }
0x65: {  	_ =	shalt  }
0x66: {  	_ =	shalt  }
0x67: {  	_ =	shalt  }
0x68: {  	_ =	shalt  }
0x69: {  	_ =	shalt  }
0x6a: {  	_ =	shalt  }
0x6b: {  	_ =	shalt  }
0x6c: {  	_ =	shalt  }
0x6d: {  	_ =	shalt  }
0x6e: {  	_ =	shalt  }
0x6f: {  	_ =	shalt  }
0x70: {  	_ =	shalt  }
0x71: {  	_ =	shalt  }
0x72: {  	_ =	shalt  }
0x73: {  	_ =	shalt  }
0x74: {  	_ =	shalt  }
0x75: {  	_ =	shalt  }
0x76: {  	_ =	shalt  }
0x77: {  	_ =	shalt  }
0x78: {  	_ =	shalt  }
0x79: {  	_ =	shalt  }
0x7a: {  	_ =	shalt  }
0x7b: {  	_ =	shalt  }
0x7c: {  	_ =	shalt  }
0x7d: {  	_ =	shalt  }
0x7e: {  	_ =	shalt  }
0x7f: {  	_ =	shalt  }
0x80: {  	_ =	shalt  }
0x81: {  	_ =	shalt  }
0x82: {  	_ =	shalt  }
0x83: {  	_ =	shalt  }
0x84: {  	_ =	shalt  }
0x85: {  	_ =	shalt  }
0x86: {  	_ =	shalt  }
0x87: {  	_ =	shalt  }
.Lfunc_end0:
.L_simem_size_0:
called_computation_lowered:
.L_overlay_start_0:
0x88: {  	s2 =	sld [smem:$0x3FD9]  }
0x89: {  	s3 =	sld [smem:$0x3FFE];
	_ =	sdelay $0x1  }
0x8a: {  	s1 =	srdreg.scid  }
0x8b: {  	s0 =	sand.u32 $0x1, s1  }
0x8c: {  	s17 =	sshll.u32 s0, $0xA;
	s2 =	sadd.s32 s3, s2  }
0x8d: {  	s2 =	sadd.s32 s2, s17  }
0x8e: {  	[smem:$0x3FC0] =	sst s2  }
0x8f: {  	_ = 	snop  }
0x90: {  	s18 =	sld [smem:$0x3FD0];
	(tm) =	ssettm $0x1  }
0x91: {  	s19 =	sld [smem:$0x3FFB];
	_ =	sdelay $0x3  }
0x92: {  	_ =	strace s19  }
0x93: {  	s2 =	sld [smem:$0x3FFC];
	_ =	sdelay $0x3  }
0x94: {  	_ =	strace s2  }
0x95: {  	s2 =	sld [smem:$0x3FFD];
	_ =	sdelay $0x3  }
0x96: {  	_ =	strace s2  }
0x97: {  	_ =	strace $0x8FFFFFFF  }
0x98: {  	s20 =	sld [smem:$0x3FDB];
	_ =	sdelay $0x1  }
0x99: {  	s4 =	simm.s32 $_scs_section_size  }
0x9a: {  	s5 =	simm.s32 $_size__tile_overlayer_lowered;
	s6 =	simm.s32 $_tile_overlayer_lowered  }
0x9b: {  	s7 =	simm.s32 $0x1BFF;
	s21 =	sshll.u32 s6, $0x1;
	s4 =	sadd.s32 s4, s20  }
0x9c: {  	s22 =	simm.s32 $0x0;
	s5 =	sshll.u32 s5, $0x1;
	s6 =	sadd.s32 s21, s4  }
0x9d: {  	[timem:s22], [sflag:s7] =	dma.local [hbm:s6], s5  }
0x9e: {  	_ =	swait.ge [sflag:s7], s5  }
0x9f: {  	s5 =	ssub.s32 $0x0, s5;
	[sflag:s7] =	ssyncset.done $0x0  }
0xa0: {  	[sflag:s7] =	ssyncadd.s32 s5;
	_ =	sdelay $0x1  }
0xa1: {  	s23 =	simm.s32 $0x1B8B  }
0xa2: {  	_ =	swait.ge [sflag:s23], $0x1  }
0xa3: {  	[sflag:s23] =	ssyncset.done $0x0  }
0xa4: {  	[sflag:s23] =	ssyncadd.s32 $0xFFFFFFFF  }
0xa5: {  	s5 =	sld [smem:$0x0]  }
0xa6: {  	s6 =	sand.u32 $0xFFFFFFFE, s1  }
0xa7: {  	p0 =	sne.s32 s1, s6  }
0xa8: {  	s6 =	sshll.u32 @p0 s6, $0xE  }
0xa9: {  	s6 =	sadd.s32 @p0 $0x11B8D, s6;
	s7 =	sshll.u32 @p0 s5, $0x11  }
0xaa: {  	s6 =	sor.u32 @p0 s7, s6  }
0xab: {  	[sflag:s6] =	ssyncadd.remote.s32 @p0 $0x1;
	_ =	sdelay $0x1  }
0xac: {  	s6 =	simm.s32 @p0 $0x1B8D  }
0xad: {  	_ =	swait.eq @p0 [sflag:s6], $0x1  }
0xae: {  	[sflag:s6] =	ssyncadd.s32 @p0 $0xFFFFFFFF  }
0xaf: {  	s7 =	sshll.u32 @!p0 s1, $0xE  }
0xb0: {  	s7 =	sor.u32 @!p0 $0x4000, s7;
	s6 =	simm.s32 @!p0 $0x1B8D  }
0xb1: {  	s5 =	sshll.u32 @!p0 s5, $0x11;
	s7 =	sadd.s32 @!p0 $0x11B8D, s7;
	_ =	swait.eq @!p0 [sflag:s6], $0x1  }
0xb2: {  	s5 =	sor.u32 @!p0 s5, s7;
	[sflag:s6] =	ssyncadd.s32 @!p0 $0xFFFFFFFF  }
0xb3: {  	s25 =	simm.s32 $0x1B8E;
	s24 =	sld [smem:$0x3FFE];
	[sflag:s5] =	ssyncadd.remote.s32 @!p0 $0x1  }
0xb4: {  	s26 =	simm.s32 $execute0_lowered;
	[smem:$0x3FD2] =	sst s25  }
0xb5: {  	s6 =	sshll.u32 s26, $0x1;
	_ =	strace $0x80000049;
	[dreg:$0x1] =	wrdreg $0xFFFFFFFF  }
0xb6: {  	s28 =	simm.s32 $_size_execute0_lowered;
	s4 =	sadd.s32 s4, s6;
	[dreg:$0x0] =	wrdreg $0x0  }
0xb7: {  	s6 =	sshll.u32 s28, $0x1;
	[dreg:$0x2] =	wrdreg s4  }
0xb8: {  	[dreg:$0x3] =	wrdreg s6  }
0xb9: {  	[dreg:$0x4] =	wrdreg $0xC0  }
0xba: {  	_ =	task [dreg:s22], $0x5FFFF  }
0xbb: {  	[dreg:$0x1] =	wrdreg $0xFFFFFFFF  }
0xbc: {  	[dreg:$0x0] =	wrdreg $0x60  }
0xbd: {  	[dreg:$0x2] =	wrdreg s18  }
0xbe: {  	[dreg:$0x3] =	wrdreg s24  }
0xbf: {  	[dreg:$0x4] =	wrdreg $0x9  }
0xc0: {  	_ =	task.clear_ibuf [dreg:s22], $0x5FFFF;
	_ =	strace $0x90000049  }
0xc1: {  	s29 =	simm.s32 $0x9;
	_ =	strace $0x8000004B  }
0xc2: {  	_ =	swait.ge [sflag:s29], $0x1  }
0xc3: {  	[sflag:s29] =	ssyncadd.s32 $0xFFFFFFFF  }
0xc4: {  	_ =	strace $0x9000004B  }
0xc5: {  	_ =	sfence  }
0xc6: {  	s30 =	sld [smem:$0x0];
	_ =	sdelay $0x2  }
0xc7: {  	s31 =	sshll.u32 s1, $0xD;
	s1 =	sshrl.u32 s1, $0x2  }
0xc8: {  	s4 =	sand.u32 $0x4000, s31;
	s1 =	sadd.s32 s1, s30  }
0xc9: {  	s0 =	sor.u32 s4, s0;
	s1 =	sshll.u32 s1, $0x11  }
0xca: {  	s0 =	sor.u32 s1, s0  }
0xcb: {  	s0 =	sadd.s32 $0x8F2B, s0  }
0xcc: {  	[sflag:s0] =	ssyncadd.remote.s32 $0x1  }
0xcd: {  	_ =	sfence.sel $0xFFFF  }
0xce: {  	[dreg:$0x0] =	wrdreg $0xFFFFFFFF;
	(pc) =	sbr.abs _section_cstart, $3  }
0xcf: {  	[dreg:$0x1] =	wrdreg $0xFFFFFFFF  }
0xd0: {  	_ =	task.clear_ibuf [dreg:s22], $0x2FFFF;
	_ =	strace $0x9FFFFFFF  }
0xd1: {  	(tm) =	ssettm $0x7FFFFFFF  }
tec
execute0_lowered:
.L_overlay_start_1:
0x0: {  	(tag) =	ssettag $0x1  }
0x1: {  	s1 =	rddreg [dreg:$0x0]  }
0x2: {  	s4 =	rddreg [dreg:$0x1];
	s3 =	simm.s32 $0x0  }
0x3: {  	s5 =	srdreg.scid;
	s0 =	stileid.u32;
	s11 =	simm.s32 $0x4800  }
0x4: {  	s12 =	simm.s32 $0x100;
	s13 =	simm.s32 $0x7000;
	s14 =	simm.s32 $0x1  }
0x5: {  	s15 =	simm.s32 $0x9800;
	s16 =	simm.s32 $0x2;
	s17 =	simm.s32 $0xC000  }
0x6: {  	s18 =	simm.s32 $0x3;
	s19 =	simm.s32 $0x6;
	s20 =	simm.s32 $0x4  }
0x7: {  	s21 =	simm.s32 $0x7;
	s22 =	simm.s32 $0x5;
	s23 =	simm.s32 $0x8  }
0x8: {  	s24 =	simm.s32 $0x9;
	s25 =	simm.s32 $0xA;
	s26 =	simm.s32 $0x0  }
0x9: {  	[smem:$0x7FF] =	sst s3;
	s5 =	sand.u32 $0x1, s5;
	s8 =	smul.u32 $0x25800, s0  }
0xa: {  	s6 =	sshll.u32 s0, $0xB;
	_ =	strace $0x8000004A;
	s10 =	smul.u32 $0x12C00, s5  }
.Ltmp0:
0xb: {  	s7 =	sshll.u32 s5, $0xA;
	s9 =	ssub.s32 $0x2, s5;
	(pc) =	sbr.rel .LBB2_1-.Ltmp0, $4  }
0xc: {  	s6 =	sor.u32 s7, s6;
	s29 =	sshrl.u32 s9, $0x1;
	s31 =	sadd.s32 s8, s4  }
0xd: {  	s8 =	simm.s32 $0x50;
	s30 =	sadd.s32 s6, s4;
	s7 =	ssub.s32 s9, s29  }
0xe: {  	s6 =	sadd.s32 s10, s31;
	s9 =	simm.s32 $0x2000;
	s4 =	sadd.s32 $0x2BC200, s30  }
0xf: {  	s5 =	smax.u32 s7, $0x1;
	s6 =	sadd.s32 $0x2C4C00, s6;
	s7 =	simm.s32 $0xB  }
.LBB2_4:
0x10: {  	s26 =	sadd.s32 $0x1, s26  }
0x11: {  	_ =	swait.ge [sflag:s24], $0x2800;
	p0 =	sne.s32 s26, s5  }
.Ltmp1:
0x12: {  	[sflag:s24] =	ssyncset.done $0x0;
	(pc) =	sbr.rel @!p0 .LBB2_5-.Ltmp1, $4  }
0x13: {  	[sflag:s24] =	ssyncadd.s32 $0xFFFFD800  }
0x14: {  	_ =	swait.ge [sflag:s25], $0x2800  }
0x15: {  	[sflag:s25] =	ssyncset.done $0x0  }
0x16: {  	[sflag:s25] =	ssyncadd.s32 $0xFFFFD800  }
.LBB2_1:
0x17: {  	[tilespmem:s3], [sflag:$0xB] =	stream.linear.gather [hbm4b:s4+s3], $0x1E00, $0x38;
	[tilespmem:$0xE800] =	vst v63  }
0x18: {  	_ =	swait.ge [sflag:s7], $0x1E00  }
0x19: {  	[sflag:s7] =	ssyncset.done $0x0  }
0x1a: {  	[sflag:s7] =	ssyncadd.s32 $0xFFFFE200  }
0x1b: {  	[tilespmem:s9], [sflag:$0x1] =	stream.indirect.gather [hbm4b:s1+s8], $0x80, s3, s8, $0xb8;
	[tilespmem:$0xE800] =	vst v63  }
0x1c: {  	s0 =	simm.s32 $0x80  }
0x1d: {  	[tilespmem:s11], [sflag:$0x2] =	stream.indirect.gather [hbm4b:s1+s8], $0x80, s0, s8, $0xb8;
	[tilespmem:$0xE800] =	vst v63  }
0x1e: {  	s28 =	smov.u32 s6;
	s29 =	simm.s32 $0x0  }
0x1f: {  	[tilespmem:s13], [sflag:$0x3] =	stream.indirect.gather [hbm4b:s1+s8], $0x80, s12, s8, $0xb8;
	[tilespmem:$0xE800] =	vst v63  }
.LBB2_2:
0x20: {  	_ =	swait.ge [sflag:s14], $0x2800  }
0x21: {  	p0 =	seq.s32 s29, $0x0;
	[sflag:s14] =	ssyncset.done $0x0  }
0x22: {  	s30 =	sadd.s32 $0xFFFFF600, s28;
	s31 =	simm.s32 @!p0 $0x9;
	[sflag:s14] =	ssyncadd.s32 $0xFFFFD800  }
0x23: {  	[hbm4b:s30+s3] =	stream.linear.scatter [tilespmem:s9], [sflag:$0x6], $0x2800, $0x38;
	[tilespmem:$0xE800] =	vst v63  }
0x24: {  	_ =	swait.ge @!p0 [sflag:s31], $0x2800  }
0x25: {  	s30 =	sshra.s32 s29, $0x2;
	[sflag:s31] =	ssyncset.done @!p0 $0x0  }
0x26: {  	s10 =	sadd.s32 $0x180, s30;
	[sflag:s31] =	ssyncadd.s32 @!p0 $0xFFFFD800  }
0x27: {  	[tilespmem:s15], [sflag:$0x4] =	stream.indirect.gather [hbm4b:s1+s8], $0x80, s10, s8, $0xb8;
	[tilespmem:$0xE800] =	vst v63  }
0x28: {  	_ =	swait.ge [sflag:s16], $0x2800  }
0x29: {  	[sflag:s16] =	ssyncset.done $0x0  }
0x2a: {  	s0 =	sadd.s32 $0xFFFFFB00, s28;
	s31 =	simm.s32 @!p0 $0xA;
	[sflag:s16] =	ssyncadd.s32 $0xFFFFD800  }
0x2b: {  	[hbm4b:s0+s3] =	stream.linear.scatter [tilespmem:s11], [sflag:$0x7], $0x2800, $0x38;
	[tilespmem:$0xE800] =	vst v63  }
0x2c: {  	_ =	swait.ge @!p0 [sflag:s31], $0x2800  }
0x2d: {  	[sflag:s31] =	ssyncset.done @!p0 $0x0  }
0x2e: {  	s2 =	sadd.s32 $0x200, s30;
	[sflag:s31] =	ssyncadd.s32 @!p0 $0xFFFFD800  }
0x2f: {  	[tilespmem:s17], [sflag:$0x5] =	stream.indirect.gather [hbm4b:s1+s8], $0x80, s2, s8, $0xb8;
	[tilespmem:$0xE800] =	vst v63  }
0x30: {  	_ =	swait.ge [sflag:s18], $0x2800  }
0x31: {  	[sflag:s18] =	ssyncset.done $0x0  }
0x32: {  	[sflag:s18] =	ssyncadd.s32 $0xFFFFD800  }
0x33: {  	[hbm4b:s28+s3] =	stream.linear.scatter [tilespmem:s13], [sflag:$0x8], $0x2800, $0x38;
	[tilespmem:$0xE800] =	vst v63  }
0x34: {  	p0 =	seq.s32 s29, $0x6E00;
	_ =	swait.ge [sflag:s19], $0x2800  }
0x35: {  	s31 =	sshra.s32 @!p0 s29, $0x2;
	s2 =	simm.s32 @!p0 $0x50;
	[sflag:s19] =	ssyncset.done $0x0  }
0x36: {  	s10 =	simm.s32 @!p0 $0x2000;
	s0 =	sadd.s32 @!p0 $0x280, s31;
	[sflag:s19] =	ssyncadd.s32 $0xFFFFD800  }
0x37: {  	[tilespmem:s10], [sflag:$0x1] =	stream.indirect.gather @!p0 [hbm4b:s1+s2], $0x80, s0, s2, $0xb8;
	[tilespmem:$0xE800] =	vst v63  }
0x38: {  	_ =	swait.ge [sflag:s20], $0x2800  }
0x39: {  	[sflag:s20] =	ssyncset.done $0x0  }
0x3a: {  	s10 =	sadd.s32 $0x500, s28;
	[sflag:s20] =	ssyncadd.s32 $0xFFFFD800  }
0x3b: {  	[hbm4b:s10+s3] =	stream.linear.scatter [tilespmem:s15], [sflag:$0x9], $0x2800, $0x38;
	[tilespmem:$0xE800] =	vst v63  }
0x3c: {  	_ =	swait.ge [sflag:s21], $0x2800  }
0x3d: {  	[sflag:s21] =	ssyncset.done $0x0  }
0x3e: {  	s0 =	sadd.s32 @!p0 $0x300, s31;
	s10 =	simm.s32 @!p0 $0x4800;
	[sflag:s21] =	ssyncadd.s32 $0xFFFFD800  }
0x3f: {  	[tilespmem:s10], [sflag:$0x2] =	stream.indirect.gather @!p0 [hbm4b:s1+s2], $0x80, s0, s2, $0xb8;
	[tilespmem:$0xE800] =	vst v63  }
0x40: {  	_ =	swait.ge [sflag:s22], $0x2800  }
0x41: {  	[sflag:s22] =	ssyncset.done $0x0  }
.Ltmp2:
0x42: {  	s31 =	sadd.s32 $0xA00, s28;
	[sflag:s22] =	ssyncadd.s32 $0xFFFFD800;
	(pc) =	sbr.rel @p0 .LBB2_4-.Ltmp2, $4  }
0x43: {  	[hbm4b:s31+s3] =	stream.linear.scatter [tilespmem:s17], [sflag:$0xA], $0x2800, $0x38;
	[tilespmem:$0xE800] =	vst v63  }
0x44: {  	_ =	swait.ge [sflag:s23], $0x2800  }
0x45: {  	[sflag:s23] =	ssyncset.done $0x0  }
0x46: {  	[sflag:s23] =	ssyncadd.s32 $0xFFFFD800  }
.Ltmp3:
0x47: {  	(pc) =	sbr.rel .LBB2_2-.Ltmp3, $3  }
0x48: {  	_ =	sdelay $0x1  }
0x49: {  	s0 =	sadd.s32 $0x380, s30;
	s29 =	sadd.s32 $0xA00, s29;
	s28 =	sadd.s32 $0x1900, s28  }
0x4a: {  	[tilespmem:s13], [sflag:$0x3] =	stream.indirect.gather [hbm4b:s1+s8], $0x80, s0, s8, $0xb8;
	[tilespmem:$0xE800] =	vst v63  }
.LBB2_5:
0x4b: {  	_ =	sfence.sel $0x180000  }
0x4c: {  	[bflag:$0x0] =	sbarrier.arrive $0xFFFF  }
0x4d: {  	_ =	strace $0x9000004A  }
0x4e: {  	s0 =	stileid.u32;
	[bflag:$0x2] =	sbarrier.arrive $0xFFFF  }
0x4f: {  	p0 =	sne.s32 s0, $0x0;
	s0 =	rddreg [dreg:$0x2]  }
0x50: {  	s0 =	sadd.s32 @!p0 $0x100000, s0  }
0x51: {  	[sflag:s0] =	ssyncadd.tile.s32 @!p0 $0x1;
	_ =	shalt  }
.Lfunc_end2:
_tile_overlayer_lowered:
.L_overlay_start_2:
0x52: {  	(tag) =	ssettag $0x2  }
0x53: {  	s0 =	rddreg [dreg:$0x0];
	s2 =	stileid.u32  }
0x54: {  	s1 =	rddreg [dreg:$0x1];
	p0 =	sne.s32 s2, $0x0  }
0x55: {  	s3 =	rddreg [dreg:$0x2];
	[bflag:$0x3] =	sbarrier.arrive $0xFFFF;
	s2 =	simm.s32 @!p0 $0x1C0B  }
0x56: {  	[timem:s3], [sflag:s2] =	dma.local @!p0 [hbm:s0], s1  }
0x57: {  	s0 =	simm.s32 @!p0 $0xB  }
0x58: {  	_ =	swait.ge @!p0 [sflag:s0], s1  }
0x59: {  	s1 =	ssub.s32 @!p0 $0x0, s1;
	[sflag:s0] =	ssyncset.done @!p0 $0x0  }
0x5a: {  	[sflag:s0] =	ssyncadd.s32 @!p0 s1  }
0x5b: {  	[bflag:$0x3] =	sbarrier.arrive $0xFFFF  }
0x5c: {  	_ =	shalt  }

</sc_bundles>
